<compile_context>
chip_gen: v7x
topology: tpu7x:2x2x1
jax: 0.10.2.dev20260603
libtpu: 0.0.44.dev20260713+nightly
codegen_flags: <defaults>
</compile_context>

<pallas_src>
import functools

import numpy as np

import jax
import jax.numpy as jnp
from jax import lax
from jax.experimental import pallas as pl
from jax.experimental.pallas import tpu as pltpu
from jax.experimental.pallas import tpu_sc as plsc

jax.config.update("jax_enable_x64", True)

_C = 32
_N = 32768
_B = 16
_NW = 32
_RPW = _N // _NW
_NG = _RPW // 16

_STEPS = np.arange(1001, dtype=np.float64) / 1000.0
_AB = np.cos((_STEPS + 0.008) / 1.008 * np.pi / 2)
_BETAS = np.minimum(1 - _AB[1:] / _AB[:-1], 0.999)
_QT0 = (np.ones(_C) / _C)[0]
_ABAR = (_AB + (1 - _AB) * _QT0) - ((1 - _AB) * _QT0)
_BETA_TAB = np.asarray(_BETAS, dtype=np.float32)
_ABAR_TAB = np.asarray(_ABAR, dtype=np.float32)

_mesh = plsc.VectorSubcoreMesh(core_axis_name="c", subcore_axis_name="s")


@functools.partial(
    pl.kernel,
    mesh=_mesh,
    out_type=jax.ShapeDtypeStruct((_N,), jnp.int32),
    compiler_params=pltpu.CompilerParams(needs_layout_passes=False),
    scratch_types=[
        pltpu.VMEM((_C, _RPW), jnp.float32),
        pltpu.VMEM((_C, _RPW), jnp.float32),
        pltpu.VMEM((_RPW,), jnp.int32),
        pltpu.VMEM((_RPW,), jnp.int32),
        pltpu.VMEM((_B,), jnp.float32),
        pltpu.VMEM((_B,), jnp.float32),
        pltpu.VMEM((_RPW,), jnp.int32),
        pltpu.SemaphoreType.DMA,
    ],
)
def _sc_sample(pred_hbm, u_hbm, x_hbm, b_hbm, al_hbm, be_hbm, out_hbm,
               pred_v, u_v, x_v, b_v, al_v, be_v, o_v, sem):
    wid = lax.axis_index("s") * 2 + lax.axis_index("c")
    base = wid * _RPW

    cp_pred = pltpu.async_copy(pred_hbm.at[:, pl.ds(base, _RPW)], pred_v, sem)
    cp_u = pltpu.async_copy(u_hbm.at[:, pl.ds(base, _RPW)], u_v, sem)
    pltpu.sync_copy(x_hbm.at[pl.ds(base, _RPW)], x_v)
    pltpu.sync_copy(b_hbm.at[pl.ds(base, _RPW)], b_v)
    pltpu.sync_copy(al_hbm, al_v)
    pltpu.sync_copy(be_hbm, be_v)
    cp_pred.wait()
    cp_u.wait()

    one = jnp.float32(1.0)
    rC = jnp.float32(1.0 / _C)

    def group(g, carry):
        r0 = g.astype(jnp.int32) * jnp.int32(16)
        xv = x_v[pl.ds(r0, 16)]
        bv = b_v[pl.ds(r0, 16)]
        al = plsc.load_gather(al_v, [bv])
        be = plsc.load_gather(be_v, [bv])
        L0 = be * rC
        L1 = L0 + (one - be)
        kk = (one - al) * rC
        D0 = al * L0 + kk
        D1 = al * L1 + kk

        zero = jnp.zeros(16, jnp.float32)
        Sp = [zero, zero, zero, zero]
        sx = zero
        s_regs = []
        for j in range(_C):
            sj = jnp.exp(pred_v[j, pl.ds(r0, 16)])
            s_regs.append(sj)
            Sp[j % 4] = Sp[j % 4] + sj
            sx = jnp.where(xv == j, sj, sx)
        S = (Sp[0] + Sp[1]) + (Sp[2] + Sp[3])

        W = (S - sx) / D0 + sx / D1
        A0 = L0 * al / D0
        A1 = L1 * al / D1
        kw = kk * W
        B0 = L0 * kw
        B1 = L1 * kw

        neg1 = jnp.full(16, -1.0, jnp.float32)
        best = [neg1, neg1, neg1, neg1]
        arg = [jnp.zeros(16, jnp.int32)] * 4
        for j in range(_C):
            uj = u_v[j, pl.ds(r0, 16)]
            isx = xv == j
            A = jnp.where(isx, A1, A0)
            Bc = jnp.where(isx, B1, B0)
            v = (A * s_regs[j] + Bc) * uj
            k4 = j % 4
            gt = v > best[k4]
            best[k4] = jnp.where(gt, v, best[k4])
            arg[k4] = jnp.where(gt, jnp.int32(j), arg[k4])
        b01 = jnp.maximum(best[0], best[1])
        a01 = jnp.where(best[1] > best[0], arg[1], arg[0])
        b23 = jnp.maximum(best[2], best[3])
        a23 = jnp.where(best[3] > best[2], arg[3], arg[2])
        argf = jnp.where(b23 > b01, a23, a01)
        o_v[pl.ds(r0, 16)] = argf
        return carry

    lax.fori_loop(jnp.int32(0), jnp.int32(_NG), group, jnp.int32(0))
    pltpu.sync_copy(o_v, out_hbm.at[pl.ds(base, _RPW)])


_NCOL = 4096
_NGRID = _N // _NCOL


def _noise_body(seed_ref, out_ref):
    k1 = jnp.uint32(0)
    k2 = seed_ref[0].astype(jnp.uint32)
    ks2 = k1 ^ k2 ^ jnp.uint32(0x1BD11BDA)
    pid = pl.program_id(0)
    j = jax.lax.broadcasted_iota(jnp.uint32, (_C, _NCOL), 0)
    n = jax.lax.broadcasted_iota(jnp.uint32, (_C, _NCOL), 1)
    i = (jnp.uint32(pid * _NCOL) + n) * jnp.uint32(_C) + j
    x0 = jnp.zeros((_C, _NCOL), jnp.uint32) + k1
    x1 = i + k2

    def rotl(v, r):
        return (v << jnp.uint32(r)) | (v >> jnp.uint32(32 - r))

    def rnds(x0, x1, rots):
        for r in rots:
            x0 = x0 + x1
            x1 = x0 ^ rotl(x1, r)
        return x0, x1

    r0 = (13, 15, 26, 6)
    r1 = (17, 29, 16, 24)
    x0, x1 = rnds(x0, x1, r0)
    x0, x1 = x0 + k2, x1 + (ks2 + jnp.uint32(1))
    x0, x1 = rnds(x0, x1, r1)
    x0, x1 = x0 + ks2, x1 + (k1 + jnp.uint32(2))
    x0, x1 = rnds(x0, x1, r0)
    x0, x1 = x0 + k1, x1 + (k2 + jnp.uint32(3))
    x0, x1 = rnds(x0, x1, r1)
    x0, x1 = x0 + k2, x1 + (ks2 + jnp.uint32(4))
    x0, x1 = rnds(x0, x1, r0)
    hi, lo = x0 + ks2, x1 + (k1 + jnp.uint32(5))

    lo12 = lo >> jnp.uint32(12)
    c32 = jnp.float32(2.0 ** -32)
    c52 = jnp.float32(2.0 ** -52)
    m32 = hi.astype(jnp.float32) * c32 + lo12.astype(jnp.float32) * c52
    nh = hi ^ jnp.uint32(0xFFFFFFFF)
    nl = jnp.uint32(1 << 20) - lo12
    xm1 = -(nh.astype(jnp.float32) * c32 + nl.astype(jnp.float32) * c52)
    logu = jnp.where(m32 < 0.5, jnp.log(m32), jnp.log1p(xm1))
    out_ref[...] = -1.0 / logu


def _exp_gumbel(t):
    seed = (t[0] * 0 + 42).astype(jnp.int32).reshape(1)
    return pl.pallas_call(
        _noise_body,
        grid=(_NGRID,),
        in_specs=[pl.BlockSpec((1,), lambda i: (jnp.int32(0),),
                               memory_space=pltpu.SMEM)],
        out_specs=pl.BlockSpec((_C, _NCOL), lambda i: (jnp.int32(0), i)),
        out_shape=jax.ShapeDtypeStruct((_C, _N), jnp.float32),
    )(seed)


def kernel(x_t, pred, batch, t, Qs, Qbs):
    t32 = t.astype(jnp.int32)
    beta = jnp.asarray(_BETA_TAB)[t32]
    abar = jnp.asarray(_ABAR_TAB)[t32 - 1]
    x32 = x_t.astype(jnp.int32)
    b32 = batch.astype(jnp.int32)
    u = _exp_gumbel(t)
    out32 = _sc_sample(pred.T.astype(jnp.float32), u, x32, b32, abar, beta)
    return out32.astype(x_t.dtype)

# --- scband reference (transcript-rebuilt; emitter-appended) ---
"""Pipeline reference for scband-categorical-diffusion-4380866642591 (READ-ONLY COPY).

The authoritative reference and input builder live on the scoring server;
editing this copy changes nothing except your own understanding.
"""

import jax, jax.numpy as jnp
import numpy as np

jax.config.update("jax_enable_x64", True)

NUM_CATEGORIES = 32
NUM_STEPS = 1000
N = 32768
B = 16


def _build_transition_mats():
    C = NUM_CATEGORIES
    qT = np.ones(C) / C
    steps = np.arange(NUM_STEPS + 1, dtype=np.float64) / NUM_STEPS
    alphas_bar = np.cos((steps + 0.008) / 1.008 * np.pi / 2)
    betas = np.minimum(1 - alphas_bar[1:] / alphas_bar[:-1], 0.999)
    Qs = (1 - betas)[:, None, None] * np.eye(C) + betas[:, None, None] * qT[None, :, None]
    Qbs = alphas_bar[:, None, None] * np.eye(C) + (1 - alphas_bar)[:, None, None] * qT[None, :, None]
    return jnp.asarray(Qs, dtype=jnp.float64), jnp.asarray(Qbs, dtype=jnp.float64)


def setup_inputs(seed: int = 0) -> dict:
    key = jax.random.key(seed)
    k1, k2, k3, k4 = jax.random.split(key, 4)
    x_t = jax.random.randint(k1, (N,), 0, NUM_CATEGORIES, dtype=jnp.int64)
    pred = jax.random.normal(k2, (N, NUM_CATEGORIES), dtype=jnp.float32)
    batch = jnp.sort(jax.random.randint(k3, (N,), 0, B, dtype=jnp.int64))
    # t must be >= 1 so that Qbs[t-1] is valid (no negative-index wraparound)
    t = jax.random.randint(k4, (B,), 1, NUM_STEPS, dtype=jnp.int64)
    Qs, Qbs = _build_transition_mats()
    return {"x_t": x_t, "pred": pred, "batch": batch, "t": t, "Qs": Qs, "Qbs": Qbs}


def reference(x_t, pred, batch, t, Qs, Qbs):
    # q_reverse_sample: sample from q(x_{t-1} | x_t) = sum_x q(x_{t-1} | x, x_t) q(x | x_t)
    t_b = t[batch]                                # [N]
    left_term = Qs[t_b, :, x_t]                   # [N, C]  (gather over step and x_t column)
    right_term = Qbs[t - 1][batch]                # [N, C, C]
    posterior_probs = left_term[:, None, :] * right_term            # [N, C, C]
    posterior_probs = posterior_probs / posterior_probs.sum(-1, keepdims=True)
    x_probs = jax.nn.softmax(pred.astype(jnp.float64), axis=-1)     # [N, C]
    ancestral_probs = (posterior_probs * x_probs[..., None]).sum(1)  # [N, C]
    # sample_categorical(probs, 1).squeeze(1)
    skey = jax.random.key(42)
    sample = jax.random.categorical(skey, jnp.log(ancestral_probs), axis=-1)
    return sample

if __name__ == "__main__":
    import jax
    _d = setup_inputs()
    print(jax.jit(kernel)(*tuple(_d.values())))

</pallas_src>

<mosaic_0001>
#map = affine_map<(d0, d1) -> (0, 0)>
#map1 = affine_map<(d0, d1) -> (0)>
module attributes {stable_mosaic.version = 14 : i64} {
  func.func @_sc_sample(%arg0: i32, %arg1: i32, %arg2: memref<32x32768xf32, #tpu.memory_space<hbm>>, %arg3: memref<32x32768xf32, #tpu.memory_space<hbm>>, %arg4: memref<32768xi32, #tpu.memory_space<hbm>>, %arg5: memref<32768xi32, #tpu.memory_space<hbm>>, %arg6: memref<16xf32, #tpu.memory_space<hbm>>, %arg7: memref<16xf32, #tpu.memory_space<hbm>>, %arg8: memref<32768xi32, #tpu.memory_space<hbm>>, %arg9: memref<32x1024xf32, #tpu.memory_space<vmem>>, %arg10: memref<32x1024xf32, #tpu.memory_space<vmem>>, %arg11: memref<1024xi32, #tpu.memory_space<vmem>>, %arg12: memref<1024xi32, #tpu.memory_space<vmem>>, %arg13: memref<16xf32, #tpu.memory_space<vmem>>, %arg14: memref<16xf32, #tpu.memory_space<vmem>>, %arg15: memref<1024xi32, #tpu.memory_space<vmem>>, %arg16: memref<!tpu.dma_semaphore, #tpu.memory_space<semaphore_mem>>) attributes {dimension_semantics = [#tpu.dimension_semantics<core_parallel>, #tpu.dimension_semantics<subcore_parallel>], iteration_bounds = array<i64: 2, 16>, scalar_prefetch = 0 : i64, scratch_operands = 8 : i64, tpu.core_type = #tpu.core_type<sc_vector_subcore>, window_params = [{transform_indices = #map}, {transform_indices = #map}, {transform_indices = #map1}, {transform_indices = #map1}, {transform_indices = #map1}, {transform_indices = #map1}, {transform_indices = #map1}]} {
    %mul3A = arith.constant 2 : i32
    %mul3A_0 = arith.muli %arg1, %mul3A : i32
    %add3A = arith.addi %mul3A_0, %arg0 : i32
    %mul3A_1 = arith.constant 1024 : i32
    %mul3A_2 = arith.muli %add3A, %mul3A_1 : i32
    %dma_start3A = arith.constant 0 : i32
    %dma_start3A_3 = tpu.memref_slice %arg2[%dma_start3A, %mul3A_2] : memref<32x32768xf32, #tpu.memory_space<hbm>> -> memref<32x1024xf32, #tpu.memory_space<hbm>>
    %dma_start3A_4 = arith.constant 0 : i32
    %dma_start3A_5 = tpu.memref_slice %arg2[%dma_start3A_4, %mul3A_2] : memref<32x32768xf32, #tpu.memory_space<hbm>> -> memref<32x1024xf32, #tpu.memory_space<hbm>>
    tpu.enqueue_dma source(%dma_start3A_5 : memref<32x1024xf32, #tpu.memory_space<hbm>>) target(%arg9 : memref<32x1024xf32, #tpu.memory_space<vmem>>) target_semaphore(%arg16 : memref<!tpu.dma_semaphore, #tpu.memory_space<semaphore_mem>>)
    %dma_start3A_6 = arith.constant 0 : i32
    %dma_start3A_7 = tpu.memref_slice %arg3[%dma_start3A_6, %mul3A_2] : memref<32x32768xf32, #tpu.memory_space<hbm>> -> memref<32x1024xf32, #tpu.memory_space<hbm>>
    %dma_start3A_8 = arith.constant 0 : i32
    %dma_start3A_9 = tpu.memref_slice %arg3[%dma_start3A_8, %mul3A_2] : memref<32x32768xf32, #tpu.memory_space<hbm>> -> memref<32x1024xf32, #tpu.memory_space<hbm>>
    tpu.enqueue_dma source(%dma_start3A_9 : memref<32x1024xf32, #tpu.memory_space<hbm>>) target(%arg10 : memref<32x1024xf32, #tpu.memory_space<vmem>>) target_semaphore(%arg16 : memref<!tpu.dma_semaphore, #tpu.memory_space<semaphore_mem>>)
    "tpu.region"() ({
      %run_scoped3A = tpu.sem_alloc : memref<!tpu.dma_semaphore, #tpu.memory_space<semaphore_mem>>
      %dma_start3A_29 = tpu.memref_slice %arg4[%mul3A_2] : memref<32768xi32, #tpu.memory_space<hbm>> -> memref<1024xi32, #tpu.memory_space<hbm>>
      %dma_start3A_30 = tpu.memref_slice %arg4[%mul3A_2] : memref<32768xi32, #tpu.memory_space<hbm>> -> memref<1024xi32, #tpu.memory_space<hbm>>
      tpu.enqueue_dma source(%dma_start3A_30 : memref<1024xi32, #tpu.memory_space<hbm>>) target(%arg11 : memref<1024xi32, #tpu.memory_space<vmem>>) target_semaphore(%run_scoped3A : memref<!tpu.dma_semaphore, #tpu.memory_space<semaphore_mem>>)
      %dma_wait3A_31 = tpu.memref_slice %arg4[%mul3A_2] : memref<32768xi32, #tpu.memory_space<hbm>> -> memref<1024xi32, #tpu.memory_space<hbm>>
      %dma_wait3A_32 = tpu.memref_slice %arg4[%mul3A_2] : memref<32768xi32, #tpu.memory_space<hbm>> -> memref<1024xi32, #tpu.memory_space<hbm>>
      tpu.wait_dma2 semaphore(%run_scoped3A : memref<!tpu.dma_semaphore, #tpu.memory_space<semaphore_mem>>) src(%dma_wait3A_32 : memref<1024xi32, #tpu.memory_space<hbm>>) dst(%arg11 : memref<1024xi32, #tpu.memory_space<vmem>>)
      tpu.yield
    }) : () -> ()
    "tpu.region"() ({
      %run_scoped3A = tpu.sem_alloc : memref<!tpu.dma_semaphore, #tpu.memory_space<semaphore_mem>>
      %dma_start3A_29 = tpu.memref_slice %arg5[%mul3A_2] : memref<32768xi32, #tpu.memory_space<hbm>> -> memref<1024xi32, #tpu.memory_space<hbm>>
      %dma_start3A_30 = tpu.memref_slice %arg5[%mul3A_2] : memref<32768xi32, #tpu.memory_space<hbm>> -> memref<1024xi32, #tpu.memory_space<hbm>>
      tpu.enqueue_dma source(%dma_start3A_30 : memref<1024xi32, #tpu.memory_space<hbm>>) target(%arg12 : memref<1024xi32, #tpu.memory_space<vmem>>) target_semaphore(%run_scoped3A : memref<!tpu.dma_semaphore, #tpu.memory_space<semaphore_mem>>)
      %dma_wait3A_31 = tpu.memref_slice %arg5[%mul3A_2] : memref<32768xi32, #tpu.memory_space<hbm>> -> memref<1024xi32, #tpu.memory_space<hbm>>
      %dma_wait3A_32 = tpu.memref_slice %arg5[%mul3A_2] : memref<32768xi32, #tpu.memory_space<hbm>> -> memref<1024xi32, #tpu.memory_space<hbm>>
      tpu.wait_dma2 semaphore(%run_scoped3A : memref<!tpu.dma_semaphore, #tpu.memory_space<semaphore_mem>>) src(%dma_wait3A_32 : memref<1024xi32, #tpu.memory_space<hbm>>) dst(%arg12 : memref<1024xi32, #tpu.memory_space<vmem>>)
      tpu.yield
    }) : () -> ()
    "tpu.region"() ({
      %run_scoped3A = tpu.sem_alloc : memref<!tpu.dma_semaphore, #tpu.memory_space<semaphore_mem>>
      tpu.enqueue_dma source(%arg6 : memref<16xf32, #tpu.memory_space<hbm>>) target(%arg13 : memref<16xf32, #tpu.memory_space<vmem>>) target_semaphore(%run_scoped3A : memref<!tpu.dma_semaphore, #tpu.memory_space<semaphore_mem>>)
      tpu.wait_dma2 semaphore(%run_scoped3A : memref<!tpu.dma_semaphore, #tpu.memory_space<semaphore_mem>>) src(%arg6 : memref<16xf32, #tpu.memory_space<hbm>>) dst(%arg13 : memref<16xf32, #tpu.memory_space<vmem>>)
      tpu.yield
    }) : () -> ()
    "tpu.region"() ({
      %run_scoped3A = tpu.sem_alloc : memref<!tpu.dma_semaphore, #tpu.memory_space<semaphore_mem>>
      tpu.enqueue_dma source(%arg7 : memref<16xf32, #tpu.memory_space<hbm>>) target(%arg14 : memref<16xf32, #tpu.memory_space<vmem>>) target_semaphore(%run_scoped3A : memref<!tpu.dma_semaphore, #tpu.memory_space<semaphore_mem>>)
      tpu.wait_dma2 semaphore(%run_scoped3A : memref<!tpu.dma_semaphore, #tpu.memory_space<semaphore_mem>>) src(%arg7 : memref<16xf32, #tpu.memory_space<hbm>>) dst(%arg14 : memref<16xf32, #tpu.memory_space<vmem>>)
      tpu.yield
    }) : () -> ()
    %dma_wait3A = arith.constant 0 : i32
    %dma_wait3A_10 = tpu.memref_slice %arg2[%dma_wait3A, %mul3A_2] : memref<32x32768xf32, #tpu.memory_space<hbm>> -> memref<32x1024xf32, #tpu.memory_space<hbm>>
    %dma_wait3A_11 = arith.constant 0 : i32
    %dma_wait3A_12 = tpu.memref_slice %arg2[%dma_wait3A_11, %mul3A_2] : memref<32x32768xf32, #tpu.memory_space<hbm>> -> memref<32x1024xf32, #tpu.memory_space<hbm>>
    tpu.wait_dma2 semaphore(%arg16 : memref<!tpu.dma_semaphore, #tpu.memory_space<semaphore_mem>>) src(%dma_wait3A_12 : memref<32x1024xf32, #tpu.memory_space<hbm>>) dst(%arg9 : memref<32x1024xf32, #tpu.memory_space<vmem>>)
    %dma_wait3A_13 = arith.constant 0 : i32
    %dma_wait3A_14 = tpu.memref_slice %arg3[%dma_wait3A_13, %mul3A_2] : memref<32x32768xf32, #tpu.memory_space<hbm>> -> memref<32x1024xf32, #tpu.memory_space<hbm>>
    %dma_wait3A_15 = arith.constant 0 : i32
    %dma_wait3A_16 = tpu.memref_slice %arg3[%dma_wait3A_15, %mul3A_2] : memref<32x32768xf32, #tpu.memory_space<hbm>> -> memref<32x1024xf32, #tpu.memory_space<hbm>>
    tpu.wait_dma2 semaphore(%arg16 : memref<!tpu.dma_semaphore, #tpu.memory_space<semaphore_mem>>) src(%dma_wait3A_16 : memref<32x1024xf32, #tpu.memory_space<hbm>>) dst(%arg10 : memref<32x1024xf32, #tpu.memory_space<vmem>>)
    %while3A = arith.constant 0 : i32
    %while3A_17 = arith.constant 3.125000e-02 : f32
    %while3A_18 = arith.constant 1.000000e+00 : f32
    %while3A_19 = arith.constant 0 : i32
    %while3A_20 = arith.constant 64 : i32
    %while3A_21 = arith.subi %while3A_20, %while3A_19 : i32
    %while3A_22 = arith.addi %while3A_19, %while3A_21 : i32
    %while3A_23 = arith.constant 1 : i32
    %while3A_24 = arith.divsi %while3A_21, %while3A_23 : i32
    %while3A_25 = arith.muli %while3A_24, %while3A_23 : i32
    %while3A_26 = arith.addi %while3A_19, %while3A_25 : i32
    %while3A_27 = arith.constant 1 : i32
    scf.for %while3A_29 = %while3A_19 to %while3A_26 step %while3A_27  : i32 {
      %mul3A_30 = arith.constant 16 : i32
      %mul3A_31 = arith.muli %while3A_29, %mul3A_30 : i32
      %get3A = arith.index_cast %mul3A_31 : i32 to index
      %get3A_32 = tpu.vector_load %arg11[%get3A] {strides = array<i32>} : memref<1024xi32, #tpu.memory_space<vmem>>, vector<16xi32>,
      %get3A_33 = arith.index_cast %mul3A_31 : i32 to index
      %get3A_34 = tpu.vector_load %arg12[%get3A_33] {strides = array<i32>} : memref<1024xi32, #tpu.memory_space<vmem>>, vector<16xi32>,
      %gather3A = tpu.vector_load_idx %arg13[%get3A_34] : memref<16xf32, #tpu.memory_space<vmem>>[vector<16xi32>], vector<16xf32>,
      %gather3A_35 = tpu.vector_load_idx %arg14[%get3A_34] : memref<16xf32, #tpu.memory_space<vmem>>[vector<16xi32>], vector<16xf32>,
      %mul3A_36 = vector.broadcast %while3A_17 : f32 to vector<16xf32>
      %mul3A_37 = arith.mulf %gather3A_35, %mul3A_36 : vector<16xf32>
      %sub3A = vector.broadcast %while3A_18 : f32 to vector<16xf32>
      %sub3A_38 = arith.subf %sub3A, %gather3A_35 : vector<16xf32>
      %add3A_39 = arith.addf %mul3A_37, %sub3A_38 : vector<16xf32>
      %sub3A_40 = vector.broadcast %while3A_18 : f32 to vector<16xf32>
      %sub3A_41 = arith.subf %sub3A_40, %gather3A : vector<16xf32>
      %mul3A_42 = vector.broadcast %while3A_17 : f32 to vector<16xf32>
      %mul3A_43 = arith.mulf %sub3A_41, %mul3A_42 : vector<16xf32>
      %mul3A_44 = arith.mulf %gather3A, %mul3A_37 : vector<16xf32>
      %add3A_45 = arith.addf %mul3A_44, %mul3A_43 : vector<16xf32>
      %mul3A_46 = arith.mulf %gather3A, %add3A_39 : vector<16xf32>
      %add3A_47 = arith.addf %mul3A_46, %mul3A_43 : vector<16xf32>
      %broadcast_in_dim3A = arith.constant 0.000000e+00 : f32
      %broadcast_in_dim3A_48 = vector.broadcast %broadcast_in_dim3A : f32 to vector<16xf32>
      %get3A_49 = arith.constant 0 : i64
      %get3A_50 = arith.index_cast %get3A_49 : i64 to index
      %get3A_51 = arith.index_cast %mul3A_31 : i32 to index
      %get3A_52 = tpu.vector_load %arg9[%get3A_50, %get3A_51] {strides = array<i32>} : memref<32x1024xf32, #tpu.memory_space<vmem>>, vector<16xf32>,
      %exp3A = math.exp %get3A_52 : vector<16xf32>
      %add3A_53 = arith.addf %broadcast_in_dim3A_48, %exp3A : vector<16xf32>
      %eq3A = arith.constant 0 : i32
      %eq3A_54 = vector.broadcast %eq3A : i32 to vector<16xi32>
      %eq3A_55 = arith.cmpi eq, %get3A_32, %eq3A_54 : vector<16xi32>
      %select_n3A = arith.select %eq3A_55, %exp3A, %broadcast_in_dim3A_48 : vector<16xi1>, vector<16xf32>
      %get3A_56 = arith.constant 1 : i64
      %get3A_57 = arith.index_cast %get3A_56 : i64 to index
      %get3A_58 = arith.index_cast %mul3A_31 : i32 to index
      %get3A_59 = tpu.vector_load %arg9[%get3A_57, %get3A_58] {strides = array<i32>} : memref<32x1024xf32, #tpu.memory_space<vmem>>, vector<16xf32>,
      %exp3A_60 = math.exp %get3A_59 : vector<16xf32>
      %add3A_61 = arith.addf %broadcast_in_dim3A_48, %exp3A_60 : vector<16xf32>
      %eq3A_62 = arith.constant 1 : i32
      %eq3A_63 = vector.broadcast %eq3A_62 : i32 to vector<16xi32>
      %eq3A_64 = arith.cmpi eq, %get3A_32, %eq3A_63 : vector<16xi32>
      %select_n3A_65 = arith.select %eq3A_64, %exp3A_60, %select_n3A : vector<16xi1>, vector<16xf32>
      %get3A_66 = arith.constant 2 : i64
      %get3A_67 = arith.index_cast %get3A_66 : i64 to index
      %get3A_68 = arith.index_cast %mul3A_31 : i32 to index
      %get3A_69 = tpu.vector_load %arg9[%get3A_67, %get3A_68] {strides = array<i32>} : memref<32x1024xf32, #tpu.memory_space<vmem>>, vector<16xf32>,
      %exp3A_70 = math.exp %get3A_69 : vector<16xf32>
      %add3A_71 = arith.addf %broadcast_in_dim3A_48, %exp3A_70 : vector<16xf32>
      %eq3A_72 = arith.constant 2 : i32
      %eq3A_73 = vector.broadcast %eq3A_72 : i32 to vector<16xi32>
      %eq3A_74 = arith.cmpi eq, %get3A_32, %eq3A_73 : vector<16xi32>
      %select_n3A_75 = arith.select %eq3A_74, %exp3A_70, %select_n3A_65 : vector<16xi1>, vector<16xf32>
      %get3A_76 = arith.constant 3 : i64
      %get3A_77 = arith.index_cast %get3A_76 : i64 to index
      %get3A_78 = arith.index_cast %mul3A_31 : i32 to index
      %get3A_79 = tpu.vector_load %arg9[%get3A_77, %get3A_78] {strides = array<i32>} : memref<32x1024xf32, #tpu.memory_space<vmem>>, vector<16xf32>,
      %exp3A_80 = math.exp %get3A_79 : vector<16xf32>
      %add3A_81 = arith.addf %broadcast_in_dim3A_48, %exp3A_80 : vector<16xf32>
      %eq3A_82 = arith.constant 3 : i32
      %eq3A_83 = vector.broadcast %eq3A_82 : i32 to vector<16xi32>
      %eq3A_84 = arith.cmpi eq, %get3A_32, %eq3A_83 : vector<16xi32>
      %select_n3A_85 = arith.select %eq3A_84, %exp3A_80, %select_n3A_75 : vector<16xi1>, vector<16xf32>
      %get3A_86 = arith.constant 4 : i64
      %get3A_87 = arith.index_cast %get3A_86 : i64 to index
      %get3A_88 = arith.index_cast %mul3A_31 : i32 to index
      %get3A_89 = tpu.vector_load %arg9[%get3A_87, %get3A_88] {strides = array<i32>} : memref<32x1024xf32, #tpu.memory_space<vmem>>, vector<16xf32>,
      %exp3A_90 = math.exp %get3A_89 : vector<16xf32>
      %add3A_91 = arith.addf %add3A_53, %exp3A_90 : vector<16xf32>
      %eq3A_92 = arith.constant 4 : i32
      %eq3A_93 = vector.broadcast %eq3A_92 : i32 to vector<16xi32>
      %eq3A_94 = arith.cmpi eq, %get3A_32, %eq3A_93 : vector<16xi32>
      %select_n3A_95 = arith.select %eq3A_94, %exp3A_90, %select_n3A_85 : vector<16xi1>, vector<16xf32>
      %get3A_96 = arith.constant 5 : i64
      %get3A_97 = arith.index_cast %get3A_96 : i64 to index
      %get3A_98 = arith.index_cast %mul3A_31 : i32 to index
      %get3A_99 = tpu.vector_load %arg9[%get3A_97, %get3A_98] {strides = array<i32>} : memref<32x1024xf32, #tpu.memory_space<vmem>>, vector<16xf32>,
      %exp3A_100 = math.exp %get3A_99 : vector<16xf32>
      %add3A_101 = arith.addf %add3A_61, %exp3A_100 : vector<16xf32>
      %eq3A_102 = arith.constant 5 : i32
      %eq3A_103 = vector.broadcast %eq3A_102 : i32 to vector<16xi32>
      %eq3A_104 = arith.cmpi eq, %get3A_32, %eq3A_103 : vector<16xi32>
      %select_n3A_105 = arith.select %eq3A_104, %exp3A_100, %select_n3A_95 : vector<16xi1>, vector<16xf32>
      %get3A_106 = arith.constant 6 : i64
      %get3A_107 = arith.index_cast %get3A_106 : i64 to index
      %get3A_108 = arith.index_cast %mul3A_31 : i32 to index
      %get3A_109 = tpu.vector_load %arg9[%get3A_107, %get3A_108] {strides = array<i32>} : memref<32x1024xf32, #tpu.memory_space<vmem>>, vector<16xf32>,
      %exp3A_110 = math.exp %get3A_109 : vector<16xf32>
      %add3A_111 = arith.addf %add3A_71, %exp3A_110 : vector<16xf32>
      %eq3A_112 = arith.constant 6 : i32
      %eq3A_113 = vector.broadcast %eq3A_112 : i32 to vector<16xi32>
      %eq3A_114 = arith.cmpi eq, %get3A_32, %eq3A_113 : vector<16xi32>
      %select_n3A_115 = arith.select %eq3A_114, %exp3A_110, %select_n3A_105 : vector<16xi1>, vector<16xf32>
      %get3A_116 = arith.constant 7 : i64
      %get3A_117 = arith.index_cast %get3A_116 : i64 to index
      %get3A_118 = arith.index_cast %mul3A_31 : i32 to index
      %get3A_119 = tpu.vector_load %arg9[%get3A_117, %get3A_118] {strides = array<i32>} : memref<32x1024xf32, #tpu.memory_space<vmem>>, vector<16xf32>,
      %exp3A_120 = math.exp %get3A_119 : vector<16xf32>
      %add3A_121 = arith.addf %add3A_81, %exp3A_120 : vector<16xf32>
      %eq3A_122 = arith.constant 7 : i32
      %eq3A_123 = vector.broadcast %eq3A_122 : i32 to vector<16xi32>
      %eq3A_124 = arith.cmpi eq, %get3A_32, %eq3A_123 : vector<16xi32>
      %select_n3A_125 = arith.select %eq3A_124, %exp3A_120, %select_n3A_115 : vector<16xi1>, vector<16xf32>
      %get3A_126 = arith.constant 8 : i64
      %get3A_127 = arith.index_cast %get3A_126 : i64 to index
      %get3A_128 = arith.index_cast %mul3A_31 : i32 to index
      %get3A_129 = tpu.vector_load %arg9[%get3A_127, %get3A_128] {strides = array<i32>} : memref<32x1024xf32, #tpu.memory_space<vmem>>, vector<16xf32>,
      %exp3A_130 = math.exp %get3A_129 : vector<16xf32>
      %add3A_131 = arith.addf %add3A_91, %exp3A_130 : vector<16xf32>
      %eq3A_132 = arith.constant 8 : i32
      %eq3A_133 = vector.broadcast %eq3A_132 : i32 to vector<16xi32>
      %eq3A_134 = arith.cmpi eq, %get3A_32, %eq3A_133 : vector<16xi32>
      %select_n3A_135 = arith.select %eq3A_134, %exp3A_130, %select_n3A_125 : vector<16xi1>, vector<16xf32>
      %get3A_136 = arith.constant 9 : i64
      %get3A_137 = arith.index_cast %get3A_136 : i64 to index
      %get3A_138 = arith.index_cast %mul3A_31 : i32 to index
      %get3A_139 = tpu.vector_load %arg9[%get3A_137, %get3A_138] {strides = array<i32>} : memref<32x1024xf32, #tpu.memory_space<vmem>>, vector<16xf32>,
      %exp3A_140 = math.exp %get3A_139 : vector<16xf32>
      %add3A_141 = arith.addf %add3A_101, %exp3A_140 : vector<16xf32>
      %eq3A_142 = arith.constant 9 : i32
      %eq3A_143 = vector.broadcast %eq3A_142 : i32 to vector<16xi32>
      %eq3A_144 = arith.cmpi eq, %get3A_32, %eq3A_143 : vector<16xi32>
      %select_n3A_145 = arith.select %eq3A_144, %exp3A_140, %select_n3A_135 : vector<16xi1>, vector<16xf32>
      %get3A_146 = arith.constant 10 : i64
      %get3A_147 = arith.index_cast %get3A_146 : i64 to index
      %get3A_148 = arith.index_cast %mul3A_31 : i32 to index
      %get3A_149 = tpu.vector_load %arg9[%get3A_147, %get3A_148] {strides = array<i32>} : memref<32x1024xf32, #tpu.memory_space<vmem>>, vector<16xf32>,
      %exp3A_150 = math.exp %get3A_149 : vector<16xf32>
      %add3A_151 = arith.addf %add3A_111, %exp3A_150 : vector<16xf32>
      %eq3A_152 = arith.constant 10 : i32
      %eq3A_153 = vector.broadcast %eq3A_152 : i32 to vector<16xi32>
      %eq3A_154 = arith.cmpi eq, %get3A_32, %eq3A_153 : vector<16xi32>
      %select_n3A_155 = arith.select %eq3A_154, %exp3A_150, %select_n3A_145 : vector<16xi1>, vector<16xf32>
      %get3A_156 = arith.constant 11 : i64
      %get3A_157 = arith.index_cast %get3A_156 : i64 to index
      %get3A_158 = arith.index_cast %mul3A_31 : i32 to index
      %get3A_159 = tpu.vector_load %arg9[%get3A_157, %get3A_158] {strides = array<i32>} : memref<32x1024xf32, #tpu.memory_space<vmem>>, vector<16xf32>,
      %exp3A_160 = math.exp %get3A_159 : vector<16xf32>
      %add3A_161 = arith.addf %add3A_121, %exp3A_160 : vector<16xf32>
      %eq3A_162 = arith.constant 11 : i32
      %eq3A_163 = vector.broadcast %eq3A_162 : i32 to vector<16xi32>
      %eq3A_164 = arith.cmpi eq, %get3A_32, %eq3A_163 : vector<16xi32>
      %select_n3A_165 = arith.select %eq3A_164, %exp3A_160, %select_n3A_155 : vector<16xi1>, vector<16xf32>
      %get3A_166 = arith.constant 12 : i64
      %get3A_167 = arith.index_cast %get3A_166 : i64 to index
      %get3A_168 = arith.index_cast %mul3A_31 : i32 to index
      %get3A_169 = tpu.vector_load %arg9[%get3A_167, %get3A_168] {strides = array<i32>} : memref<32x1024xf32, #tpu.memory_space<vmem>>, vector<16xf32>,
      %exp3A_170 = math.exp %get3A_169 : vector<16xf32>
      %add3A_171 = arith.addf %add3A_131, %exp3A_170 : vector<16xf32>
      %eq3A_172 = arith.constant 12 : i32
      %eq3A_173 = vector.broadcast %eq3A_172 : i32 to vector<16xi32>
      %eq3A_174 = arith.cmpi eq, %get3A_32, %eq3A_173 : vector<16xi32>
      %select_n3A_175 = arith.select %eq3A_174, %exp3A_170, %select_n3A_165 : vector<16xi1>, vector<16xf32>
      %get3A_176 = arith.constant 13 : i64
      %get3A_177 = arith.index_cast %get3A_176 : i64 to index
      %get3A_178 = arith.index_cast %mul3A_31 : i32 to index
      %get3A_179 = tpu.vector_load %arg9[%get3A_177, %get3A_178] {strides = array<i32>} : memref<32x1024xf32, #tpu.memory_space<vmem>>, vector<16xf32>,
      %exp3A_180 = math.exp %get3A_179 : vector<16xf32>
      %add3A_181 = arith.addf %add3A_141, %exp3A_180 : vector<16xf32>
      %eq3A_182 = arith.constant 13 : i32
      %eq3A_183 = vector.broadcast %eq3A_182 : i32 to vector<16xi32>
      %eq3A_184 = arith.cmpi eq, %get3A_32, %eq3A_183 : vector<16xi32>
      %select_n3A_185 = arith.select %eq3A_184, %exp3A_180, %select_n3A_175 : vector<16xi1>, vector<16xf32>
      %get3A_186 = arith.constant 14 : i64
      %get3A_187 = arith.index_cast %get3A_186 : i64 to index
      %get3A_188 = arith.index_cast %mul3A_31 : i32 to index
      %get3A_189 = tpu.vector_load %arg9[%get3A_187, %get3A_188] {strides = array<i32>} : memref<32x1024xf32, #tpu.memory_space<vmem>>, vector<16xf32>,
      %exp3A_190 = math.exp %get3A_189 : vector<16xf32>
      %add3A_191 = arith.addf %add3A_151, %exp3A_190 : vector<16xf32>
      %eq3A_192 = arith.constant 14 : i32
      %eq3A_193 = vector.broadcast %eq3A_192 : i32 to vector<16xi32>
      %eq3A_194 = arith.cmpi eq, %get3A_32, %eq3A_193 : vector<16xi32>
      %select_n3A_195 = arith.select %eq3A_194, %exp3A_190, %select_n3A_185 : vector<16xi1>, vector<16xf32>
      %get3A_196 = arith.constant 15 : i64
      %get3A_197 = arith.index_cast %get3A_196 : i64 to index
      %get3A_198 = arith.index_cast %mul3A_31 : i32 to index
      %get3A_199 = tpu.vector_load %arg9[%get3A_197, %get3A_198] {strides = array<i32>} : memref<32x1024xf32, #tpu.memory_space<vmem>>, vector<16xf32>,
      %exp3A_200 = math.exp %get3A_199 : vector<16xf32>
      %add3A_201 = arith.addf %add3A_161, %exp3A_200 : vector<16xf32>
      %eq3A_202 = arith.constant 15 : i32
      %eq3A_203 = vector.broadcast %eq3A_202 : i32 to vector<16xi32>
      %eq3A_204 = arith.cmpi eq, %get3A_32, %eq3A_203 : vector<16xi32>
      %select_n3A_205 = arith.select %eq3A_204, %exp3A_200, %select_n3A_195 : vector<16xi1>, vector<16xf32>
      %get3A_206 = arith.constant 16 : i64
      %get3A_207 = arith.index_cast %get3A_206 : i64 to index
      %get3A_208 = arith.index_cast %mul3A_31 : i32 to index
      %get3A_209 = tpu.vector_load %arg9[%get3A_207, %get3A_208] {strides = array<i32>} : memref<32x1024xf32, #tpu.memory_space<vmem>>, vector<16xf32>,
      %exp3A_210 = math.exp %get3A_209 : vector<16xf32>
      %add3A_211 = arith.addf %add3A_171, %exp3A_210 : vector<16xf32>
      %eq3A_212 = arith.constant 16 : i32
      %eq3A_213 = vector.broadcast %eq3A_212 : i32 to vector<16xi32>
      %eq3A_214 = arith.cmpi eq, %get3A_32, %eq3A_213 : vector<16xi32>
      %select_n3A_215 = arith.select %eq3A_214, %exp3A_210, %select_n3A_205 : vector<16xi1>, vector<16xf32>
      %get3A_216 = arith.constant 17 : i64
      %get3A_217 = arith.index_cast %get3A_216 : i64 to index
      %get3A_218 = arith.index_cast %mul3A_31 : i32 to index
      %get3A_219 = tpu.vector_load %arg9[%get3A_217, %get3A_218] {strides = array<i32>} : memref<32x1024xf32, #tpu.memory_space<vmem>>, vector<16xf32>,
      %exp3A_220 = math.exp %get3A_219 : vector<16xf32>
      %add3A_221 = arith.addf %add3A_181, %exp3A_220 : vector<16xf32>
      %eq3A_222 = arith.constant 17 : i32
      %eq3A_223 = vector.broadcast %eq3A_222 : i32 to vector<16xi32>
      %eq3A_224 = arith.cmpi eq, %get3A_32, %eq3A_223 : vector<16xi32>
      %select_n3A_225 = arith.select %eq3A_224, %exp3A_220, %select_n3A_215 : vector<16xi1>, vector<16xf32>
      %get3A_226 = arith.constant 18 : i64
      %get3A_227 = arith.index_cast %get3A_226 : i64 to index
      %get3A_228 = arith.index_cast %mul3A_31 : i32 to index
      %get3A_229 = tpu.vector_load %arg9[%get3A_227, %get3A_228] {strides = array<i32>} : memref<32x1024xf32, #tpu.memory_space<vmem>>, vector<16xf32>,
      %exp3A_230 = math.exp %get3A_229 : vector<16xf32>
      %add3A_231 = arith.addf %add3A_191, %exp3A_230 : vector<16xf32>
      %eq3A_232 = arith.constant 18 : i32
      %eq3A_233 = vector.broadcast %eq3A_232 : i32 to vector<16xi32>
      %eq3A_234 = arith.cmpi eq, %get3A_32, %eq3A_233 : vector<16xi32>
      %select_n3A_235 = arith.select %eq3A_234, %exp3A_230, %select_n3A_225 : vector<16xi1>, vector<16xf32>
      %get3A_236 = arith.constant 19 : i64
      %get3A_237 = arith.index_cast %get3A_236 : i64 to index
      %get3A_238 = arith.index_cast %mul3A_31 : i32 to index
      %get3A_239 = tpu.vector_load %arg9[%get3A_237, %get3A_238] {strides = array<i32>} : memref<32x1024xf32, #tpu.memory_space<vmem>>, vector<16xf32>,
      %exp3A_240 = math.exp %get3A_239 : vector<16xf32>
      %add3A_241 = arith.addf %add3A_201, %exp3A_240 : vector<16xf32>
      %eq3A_242 = arith.constant 19 : i32
      %eq3A_243 = vector.broadcast %eq3A_242 : i32 to vector<16xi32>
      %eq3A_244 = arith.cmpi eq, %get3A_32, %eq3A_243 : vector<16xi32>
      %select_n3A_245 = arith.select %eq3A_244, %exp3A_240, %select_n3A_235 : vector<16xi1>, vector<16xf32>
      %get3A_246 = arith.constant 20 : i64
      %get3A_247 = arith.index_cast %get3A_246 : i64 to index
      %get3A_248 = arith.index_cast %mul3A_31 : i32 to index
      %get3A_249 = tpu.vector_load %arg9[%get3A_247, %get3A_248] {strides = array<i32>} : memref<32x1024xf32, #tpu.memory_space<vmem>>, vector<16xf32>,
      %exp3A_250 = math.exp %get3A_249 : vector<16xf32>
      %add3A_251 = arith.addf %add3A_211, %exp3A_250 : vector<16xf32>
      %eq3A_252 = arith.constant 20 : i32
      %eq3A_253 = vector.broadcast %eq3A_252 : i32 to vector<16xi32>
      %eq3A_254 = arith.cmpi eq, %get3A_32, %eq3A_253 : vector<16xi32>
      %select_n3A_255 = arith.select %eq3A_254, %exp3A_250, %select_n3A_245 : vector<16xi1>, vector<16xf32>
      %get3A_256 = arith.constant 21 : i64
      %get3A_257 = arith.index_cast %get3A_256 : i64 to index
      %get3A_258 = arith.index_cast %mul3A_31 : i32 to index
      %get3A_259 = tpu.vector_load %arg9[%get3A_257, %get3A_258] {strides = array<i32>} : memref<32x1024xf32, #tpu.memory_space<vmem>>, vector<16xf32>,
      %exp3A_260 = math.exp %get3A_259 : vector<16xf32>
      %add3A_261 = arith.addf %add3A_221, %exp3A_260 : vector<16xf32>
      %eq3A_262 = arith.constant 21 : i32
      %eq3A_263 = vector.broadcast %eq3A_262 : i32 to vector<16xi32>
      %eq3A_264 = arith.cmpi eq, %get3A_32, %eq3A_263 : vector<16xi32>
      %select_n3A_265 = arith.select %eq3A_264, %exp3A_260, %select_n3A_255 : vector<16xi1>, vector<16xf32>
      %get3A_266 = arith.constant 22 : i64
      %get3A_267 = arith.index_cast %get3A_266 : i64 to index
      %get3A_268 = arith.index_cast %mul3A_31 : i32 to index
      %get3A_269 = tpu.vector_load %arg9[%get3A_267, %get3A_268] {strides = array<i32>} : memref<32x1024xf32, #tpu.memory_space<vmem>>, vector<16xf32>,
      %exp3A_270 = math.exp %get3A_269 : vector<16xf32>
      %add3A_271 = arith.addf %add3A_231, %exp3A_270 : vector<16xf32>
      %eq3A_272 = arith.constant 22 : i32
      %eq3A_273 = vector.broadcast %eq3A_272 : i32 to vector<16xi32>
      %eq3A_274 = arith.cmpi eq, %get3A_32, %eq3A_273 : vector<16xi32>
      %select_n3A_275 = arith.select %eq3A_274, %exp3A_270, %select_n3A_265 : vector<16xi1>, vector<16xf32>
      %get3A_276 = arith.constant 23 : i64
      %get3A_277 = arith.index_cast %get3A_276 : i64 to index
      %get3A_278 = arith.index_cast %mul3A_31 : i32 to index
      %get3A_279 = tpu.vector_load %arg9[%get3A_277, %get3A_278] {strides = array<i32>} : memref<32x1024xf32, #tpu.memory_space<vmem>>, vector<16xf32>,
      %exp3A_280 = math.exp %get3A_279 : vector<16xf32>
      %add3A_281 = arith.addf %add3A_241, %exp3A_280 : vector<16xf32>
      %eq3A_282 = arith.constant 23 : i32
      %eq3A_283 = vector.broadcast %eq3A_282 : i32 to vector<16xi32>
      %eq3A_284 = arith.cmpi eq, %get3A_32, %eq3A_283 : vector<16xi32>
      %select_n3A_285 = arith.select %eq3A_284, %exp3A_280, %select_n3A_275 : vector<16xi1>, vector<16xf32>
      %get3A_286 = arith.constant 24 : i64
      %get3A_287 = arith.index_cast %get3A_286 : i64 to index
      %get3A_288 = arith.index_cast %mul3A_31 : i32 to index
      %get3A_289 = tpu.vector_load %arg9[%get3A_287, %get3A_288] {strides = array<i32>} : memref<32x1024xf32, #tpu.memory_space<vmem>>, vector<16xf32>,
      %exp3A_290 = math.exp %get3A_289 : vector<16xf32>
      %add3A_291 = arith.addf %add3A_251, %exp3A_290 : vector<16xf32>
      %eq3A_292 = arith.constant 24 : i32
      %eq3A_293 = vector.broadcast %eq3A_292 : i32 to vector<16xi32>
      %eq3A_294 = arith.cmpi eq, %get3A_32, %eq3A_293 : vector<16xi32>
      %select_n3A_295 = arith.select %eq3A_294, %exp3A_290, %select_n3A_285 : vector<16xi1>, vector<16xf32>
      %get3A_296 = arith.constant 25 : i64
      %get3A_297 = arith.index_cast %get3A_296 : i64 to index
      %get3A_298 = arith.index_cast %mul3A_31 : i32 to index
      %get3A_299 = tpu.vector_load %arg9[%get3A_297, %get3A_298] {strides = array<i32>} : memref<32x1024xf32, #tpu.memory_space<vmem>>, vector<16xf32>,
      %exp3A_300 = math.exp %get3A_299 : vector<16xf32>
      %add3A_301 = arith.addf %add3A_261, %exp3A_300 : vector<16xf32>
      %eq3A_302 = arith.constant 25 : i32
      %eq3A_303 = vector.broadcast %eq3A_302 : i32 to vector<16xi32>
      %eq3A_304 = arith.cmpi eq, %get3A_32, %eq3A_303 : vector<16xi32>
      %select_n3A_305 = arith.select %eq3A_304, %exp3A_300, %select_n3A_295 : vector<16xi1>, vector<16xf32>
      %get3A_306 = arith.constant 26 : i64
      %get3A_307 = arith.index_cast %get3A_306 : i64 to index
      %get3A_308 = arith.index_cast %mul3A_31 : i32 to index
      %get3A_309 = tpu.vector_load %arg9[%get3A_307, %get3A_308] {strides = array<i32>} : memref<32x1024xf32, #tpu.memory_space<vmem>>, vector<16xf32>,
      %exp3A_310 = math.exp %get3A_309 : vector<16xf32>
      %add3A_311 = arith.addf %add3A_271, %exp3A_310 : vector<16xf32>
      %eq3A_312 = arith.constant 26 : i32
      %eq3A_313 = vector.broadcast %eq3A_312 : i32 to vector<16xi32>
      %eq3A_314 = arith.cmpi eq, %get3A_32, %eq3A_313 : vector<16xi32>
      %select_n3A_315 = arith.select %eq3A_314, %exp3A_310, %select_n3A_305 : vector<16xi1>, vector<16xf32>
      %get3A_316 = arith.constant 27 : i64
      %get3A_317 = arith.index_cast %get3A_316 : i64 to index
      %get3A_318 = arith.index_cast %mul3A_31 : i32 to index
      %get3A_319 = tpu.vector_load %arg9[%get3A_317, %get3A_318] {strides = array<i32>} : memref<32x1024xf32, #tpu.memory_space<vmem>>, vector<16xf32>,
      %exp3A_320 = math.exp %get3A_319 : vector<16xf32>
      %add3A_321 = arith.addf %add3A_281, %exp3A_320 : vector<16xf32>
      %eq3A_322 = arith.constant 27 : i32
      %eq3A_323 = vector.broadcast %eq3A_322 : i32 to vector<16xi32>
      %eq3A_324 = arith.cmpi eq, %get3A_32, %eq3A_323 : vector<16xi32>
      %select_n3A_325 = arith.select %eq3A_324, %exp3A_320, %select_n3A_315 : vector<16xi1>, vector<16xf32>
      %get3A_326 = arith.constant 28 : i64
      %get3A_327 = arith.index_cast %get3A_326 : i64 to index
      %get3A_328 = arith.index_cast %mul3A_31 : i32 to index
      %get3A_329 = tpu.vector_load %arg9[%get3A_327, %get3A_328] {strides = array<i32>} : memref<32x1024xf32, #tpu.memory_space<vmem>>, vector<16xf32>,
      %exp3A_330 = math.exp %get3A_329 : vector<16xf32>
      %add3A_331 = arith.addf %add3A_291, %exp3A_330 : vector<16xf32>
      %eq3A_332 = arith.constant 28 : i32
      %eq3A_333 = vector.broadcast %eq3A_332 : i32 to vector<16xi32>
      %eq3A_334 = arith.cmpi eq, %get3A_32, %eq3A_333 : vector<16xi32>
      %select_n3A_335 = arith.select %eq3A_334, %exp3A_330, %select_n3A_325 : vector<16xi1>, vector<16xf32>
      %get3A_336 = arith.constant 29 : i64
      %get3A_337 = arith.index_cast %get3A_336 : i64 to index
      %get3A_338 = arith.index_cast %mul3A_31 : i32 to index
      %get3A_339 = tpu.vector_load %arg9[%get3A_337, %get3A_338] {strides = array<i32>} : memref<32x1024xf32, #tpu.memory_space<vmem>>, vector<16xf32>,
      %exp3A_340 = math.exp %get3A_339 : vector<16xf32>
      %add3A_341 = arith.addf %add3A_301, %exp3A_340 : vector<16xf32>
      %eq3A_342 = arith.constant 29 : i32
      %eq3A_343 = vector.broadcast %eq3A_342 : i32 to vector<16xi32>
      %eq3A_344 = arith.cmpi eq, %get3A_32, %eq3A_343 : vector<16xi32>
      %select_n3A_345 = arith.select %eq3A_344, %exp3A_340, %select_n3A_335 : vector<16xi1>, vector<16xf32>
      %get3A_346 = arith.constant 30 : i64
      %get3A_347 = arith.index_cast %get3A_346 : i64 to index
      %get3A_348 = arith.index_cast %mul3A_31 : i32 to index
      %get3A_349 = tpu.vector_load %arg9[%get3A_347, %get3A_348] {strides = array<i32>} : memref<32x1024xf32, #tpu.memory_space<vmem>>, vector<16xf32>,
      %exp3A_350 = math.exp %get3A_349 : vector<16xf32>
      %add3A_351 = arith.addf %add3A_311, %exp3A_350 : vector<16xf32>
      %eq3A_352 = arith.constant 30 : i32
      %eq3A_353 = vector.broadcast %eq3A_352 : i32 to vector<16xi32>
      %eq3A_354 = arith.cmpi eq, %get3A_32, %eq3A_353 : vector<16xi32>
      %select_n3A_355 = arith.select %eq3A_354, %exp3A_350, %select_n3A_345 : vector<16xi1>, vector<16xf32>
      %get3A_356 = arith.constant 31 : i64
      %get3A_357 = arith.index_cast %get3A_356 : i64 to index
      %get3A_358 = arith.index_cast %mul3A_31 : i32 to index
      %get3A_359 = tpu.vector_load %arg9[%get3A_357, %get3A_358] {strides = array<i32>} : memref<32x1024xf32, #tpu.memory_space<vmem>>, vector<16xf32>,
      %exp3A_360 = math.exp %get3A_359 : vector<16xf32>
      %add3A_361 = arith.addf %add3A_321, %exp3A_360 : vector<16xf32>
      %eq3A_362 = arith.constant 31 : i32
      %eq3A_363 = vector.broadcast %eq3A_362 : i32 to vector<16xi32>
      %eq3A_364 = arith.cmpi eq, %get3A_32, %eq3A_363 : vector<16xi32>
      %select_n3A_365 = arith.select %eq3A_364, %exp3A_360, %select_n3A_355 : vector<16xi1>, vector<16xf32>
      %add3A_366 = arith.addf %add3A_331, %add3A_341 : vector<16xf32>
      %add3A_367 = arith.addf %add3A_351, %add3A_361 : vector<16xf32>
      %add3A_368 = arith.addf %add3A_366, %add3A_367 : vector<16xf32>
      %sub3A_369 = arith.subf %add3A_368, %select_n3A_365 : vector<16xf32>
      %div3A = arith.divf %sub3A_369, %add3A_45 : vector<16xf32>
      %div3A_370 = arith.divf %select_n3A_365, %add3A_47 : vector<16xf32>
      %add3A_371 = arith.addf %div3A, %div3A_370 : vector<16xf32>
      %mul3A_372 = arith.mulf %mul3A_37, %gather3A : vector<16xf32>
      %div3A_373 = arith.divf %mul3A_372, %add3A_45 : vector<16xf32>
      %mul3A_374 = arith.mulf %add3A_39, %gather3A : vector<16xf32>
      %div3A_375 = arith.divf %mul3A_374, %add3A_47 : vector<16xf32>
      %mul3A_376 = arith.mulf %mul3A_43, %add3A_371 : vector<16xf32>
      %mul3A_377 = arith.mulf %mul3A_37, %mul3A_376 : vector<16xf32>
      %mul3A_378 = arith.mulf %add3A_39, %mul3A_376 : vector<16xf32>
      %broadcast_in_dim3A_379 = arith.constant -1.000000e+00 : f32
      %broadcast_in_dim3A_380 = vector.broadcast %broadcast_in_dim3A_379 : f32 to vector<16xf32>
      %broadcast_in_dim3A_381 = arith.constant 0 : i32
      %broadcast_in_dim3A_382 = vector.broadcast %broadcast_in_dim3A_381 : i32 to vector<16xi32>
      %get3A_383 = arith.constant 0 : i64
      %get3A_384 = arith.index_cast %get3A_383 : i64 to index
      %get3A_385 = arith.index_cast %mul3A_31 : i32 to index
      %get3A_386 = tpu.vector_load %arg10[%get3A_384, %get3A_385] {strides = array<i32>} : memref<32x1024xf32, #tpu.memory_space<vmem>>, vector<16xf32>,
      %eq3A_387 = arith.constant 0 : i32
      %eq3A_388 = vector.broadcast %eq3A_387 : i32 to vector<16xi32>
      %eq3A_389 = arith.cmpi eq, %get3A_32, %eq3A_388 : vector<16xi32>
      %select_n3A_390 = arith.select %eq3A_389, %div3A_375, %div3A_373 : vector<16xi1>, vector<16xf32>
      %select_n3A_391 = arith.select %eq3A_389, %mul3A_378, %mul3A_377 : vector<16xi1>, vector<16xf32>
      %mul3A_392 = arith.mulf %select_n3A_390, %exp3A : vector<16xf32>
      %add3A_393 = arith.addf %mul3A_392, %select_n3A_391 : vector<16xf32>
      %mul3A_394 = arith.mulf %add3A_393, %get3A_386 : vector<16xf32>
      %gt3A = arith.cmpf ogt, %mul3A_394, %broadcast_in_dim3A_380 : vector<16xf32>
      %select_n3A_395 = arith.select %gt3A, %mul3A_394, %broadcast_in_dim3A_380 : vector<16xi1>, vector<16xf32>
      %jit3A = arith.constant 0 : i32
      %broadcast_in_dim3A_396 = vector.broadcast %jit3A : i32 to vector<16xi32>
      %select_n3A_397 = arith.select %gt3A, %broadcast_in_dim3A_396, %broadcast_in_dim3A_382 : vector<16xi1>, vector<16xi32>
      %get3A_398 = arith.constant 1 : i64
      %get3A_399 = arith.index_cast %get3A_398 : i64 to index
      %get3A_400 = arith.index_cast %mul3A_31 : i32 to index
      %get3A_401 = tpu.vector_load %arg10[%get3A_399, %get3A_400] {strides = array<i32>} : memref<32x1024xf32, #tpu.memory_space<vmem>>, vector<16xf32>,
      %eq3A_402 = arith.constant 1 : i32
      %eq3A_403 = vector.broadcast %eq3A_402 : i32 to vector<16xi32>
      %eq3A_404 = arith.cmpi eq, %get3A_32, %eq3A_403 : vector<16xi32>
      %select_n3A_405 = arith.select %eq3A_404, %div3A_375, %div3A_373 : vector<16xi1>, vector<16xf32>
      %select_n3A_406 = arith.select %eq3A_404, %mul3A_378, %mul3A_377 : vector<16xi1>, vector<16xf32>
      %mul3A_407 = arith.mulf %select_n3A_405, %exp3A_60 : vector<16xf32>
      %add3A_408 = arith.addf %mul3A_407, %select_n3A_406 : vector<16xf32>
      %mul3A_409 = arith.mulf %add3A_408, %get3A_401 : vector<16xf32>
      %gt3A_410 = arith.cmpf ogt, %mul3A_409, %broadcast_in_dim3A_380 : vector<16xf32>
      %select_n3A_411 = arith.select %gt3A_410, %mul3A_409, %broadcast_in_dim3A_380 : vector<16xi1>, vector<16xf32>
      %jit3A_412 = arith.constant 1 : i32
      %broadcast_in_dim3A_413 = vector.broadcast %jit3A_412 : i32 to vector<16xi32>
      %select_n3A_414 = arith.select %gt3A_410, %broadcast_in_dim3A_413, %broadcast_in_dim3A_382 : vector<16xi1>, vector<16xi32>
      %get3A_415 = arith.constant 2 : i64
      %get3A_416 = arith.index_cast %get3A_415 : i64 to index
      %get3A_417 = arith.index_cast %mul3A_31 : i32 to index
      %get3A_418 = tpu.vector_load %arg10[%get3A_416, %get3A_417] {strides = array<i32>} : memref<32x1024xf32, #tpu.memory_space<vmem>>, vector<16xf32>,
      %eq3A_419 = arith.constant 2 : i32
      %eq3A_420 = vector.broadcast %eq3A_419 : i32 to vector<16xi32>
      %eq3A_421 = arith.cmpi eq, %get3A_32, %eq3A_420 : vector<16xi32>
      %select_n3A_422 = arith.select %eq3A_421, %div3A_375, %div3A_373 : vector<16xi1>, vector<16xf32>
      %select_n3A_423 = arith.select %eq3A_421, %mul3A_378, %mul3A_377 : vector<16xi1>, vector<16xf32>
      %mul3A_424 = arith.mulf %select_n3A_422, %exp3A_70 : vector<16xf32>
      %add3A_425 = arith.addf %mul3A_424, %select_n3A_423 : vector<16xf32>
      %mul3A_426 = arith.mulf %add3A_425, %get3A_418 : vector<16xf32>
      %gt3A_427 = arith.cmpf ogt, %mul3A_426, %broadcast_in_dim3A_380 : vector<16xf32>
      %select_n3A_428 = arith.select %gt3A_427, %mul3A_426, %broadcast_in_dim3A_380 : vector<16xi1>, vector<16xf32>
      %jit3A_429 = arith.constant 2 : i32
      %broadcast_in_dim3A_430 = vector.broadcast %jit3A_429 : i32 to vector<16xi32>
      %select_n3A_431 = arith.select %gt3A_427, %broadcast_in_dim3A_430, %broadcast_in_dim3A_382 : vector<16xi1>, vector<16xi32>
      %get3A_432 = arith.constant 3 : i64
      %get3A_433 = arith.index_cast %get3A_432 : i64 to index
      %get3A_434 = arith.index_cast %mul3A_31 : i32 to index
      %get3A_435 = tpu.vector_load %arg10[%get3A_433, %get3A_434] {strides = array<i32>} : memref<32x1024xf32, #tpu.memory_space<vmem>>, vector<16xf32>,
      %eq3A_436 = arith.constant 3 : i32
      %eq3A_437 = vector.broadcast %eq3A_436 : i32 to vector<16xi32>
      %eq3A_438 = arith.cmpi eq, %get3A_32, %eq3A_437 : vector<16xi32>
      %select_n3A_439 = arith.select %eq3A_438, %div3A_375, %div3A_373 : vector<16xi1>, vector<16xf32>
      %select_n3A_440 = arith.select %eq3A_438, %mul3A_378, %mul3A_377 : vector<16xi1>, vector<16xf32>
      %mul3A_441 = arith.mulf %select_n3A_439, %exp3A_80 : vector<16xf32>
      %add3A_442 = arith.addf %mul3A_441, %select_n3A_440 : vector<16xf32>
      %mul3A_443 = arith.mulf %add3A_442, %get3A_435 : vector<16xf32>
      %gt3A_444 = arith.cmpf ogt, %mul3A_443, %broadcast_in_dim3A_380 : vector<16xf32>
      %select_n3A_445 = arith.select %gt3A_444, %mul3A_443, %broadcast_in_dim3A_380 : vector<16xi1>, vector<16xf32>
      %jit3A_446 = arith.constant 3 : i32
      %broadcast_in_dim3A_447 = vector.broadcast %jit3A_446 : i32 to vector<16xi32>
      %select_n3A_448 = arith.select %gt3A_444, %broadcast_in_dim3A_447, %broadcast_in_dim3A_382 : vector<16xi1>, vector<16xi32>
      %get3A_449 = arith.constant 4 : i64
      %get3A_450 = arith.index_cast %get3A_449 : i64 to index
      %get3A_451 = arith.index_cast %mul3A_31 : i32 to index
      %get3A_452 = tpu.vector_load %arg10[%get3A_450, %get3A_451] {strides = array<i32>} : memref<32x1024xf32, #tpu.memory_space<vmem>>, vector<16xf32>,
      %eq3A_453 = arith.constant 4 : i32
      %eq3A_454 = vector.broadcast %eq3A_453 : i32 to vector<16xi32>
      %eq3A_455 = arith.cmpi eq, %get3A_32, %eq3A_454 : vector<16xi32>
      %select_n3A_456 = arith.select %eq3A_455, %div3A_375, %div3A_373 : vector<16xi1>, vector<16xf32>
      %select_n3A_457 = arith.select %eq3A_455, %mul3A_378, %mul3A_377 : vector<16xi1>, vector<16xf32>
      %mul3A_458 = arith.mulf %select_n3A_456, %exp3A_90 : vector<16xf32>
      %add3A_459 = arith.addf %mul3A_458, %select_n3A_457 : vector<16xf32>
      %mul3A_460 = arith.mulf %add3A_459, %get3A_452 : vector<16xf32>
      %gt3A_461 = arith.cmpf ogt, %mul3A_460, %select_n3A_395 : vector<16xf32>
      %select_n3A_462 = arith.select %gt3A_461, %mul3A_460, %select_n3A_395 : vector<16xi1>, vector<16xf32>
      %jit3A_463 = arith.constant 4 : i32
      %broadcast_in_dim3A_464 = vector.broadcast %jit3A_463 : i32 to vector<16xi32>
      %select_n3A_465 = arith.select %gt3A_461, %broadcast_in_dim3A_464, %select_n3A_397 : vector<16xi1>, vector<16xi32>
      %get3A_466 = arith.constant 5 : i64
      %get3A_467 = arith.index_cast %get3A_466 : i64 to index
      %get3A_468 = arith.index_cast %mul3A_31 : i32 to index
      %get3A_469 = tpu.vector_load %arg10[%get3A_467, %get3A_468] {strides = array<i32>} : memref<32x1024xf32, #tpu.memory_space<vmem>>, vector<16xf32>,
      %eq3A_470 = arith.constant 5 : i32
      %eq3A_471 = vector.broadcast %eq3A_470 : i32 to vector<16xi32>
      %eq3A_472 = arith.cmpi eq, %get3A_32, %eq3A_471 : vector<16xi32>
      %select_n3A_473 = arith.select %eq3A_472, %div3A_375, %div3A_373 : vector<16xi1>, vector<16xf32>
      %select_n3A_474 = arith.select %eq3A_472, %mul3A_378, %mul3A_377 : vector<16xi1>, vector<16xf32>
      %mul3A_475 = arith.mulf %select_n3A_473, %exp3A_100 : vector<16xf32>
      %add3A_476 = arith.addf %mul3A_475, %select_n3A_474 : vector<16xf32>
      %mul3A_477 = arith.mulf %add3A_476, %get3A_469 : vector<16xf32>
      %gt3A_478 = arith.cmpf ogt, %mul3A_477, %select_n3A_411 : vector<16xf32>
      %select_n3A_479 = arith.select %gt3A_478, %mul3A_477, %select_n3A_411 : vector<16xi1>, vector<16xf32>
      %jit3A_480 = arith.constant 5 : i32
      %broadcast_in_dim3A_481 = vector.broadcast %jit3A_480 : i32 to vector<16xi32>
      %select_n3A_482 = arith.select %gt3A_478, %broadcast_in_dim3A_481, %select_n3A_414 : vector<16xi1>, vector<16xi32>
      %get3A_483 = arith.constant 6 : i64
      %get3A_484 = arith.index_cast %get3A_483 : i64 to index
      %get3A_485 = arith.index_cast %mul3A_31 : i32 to index
      %get3A_486 = tpu.vector_load %arg10[%get3A_484, %get3A_485] {strides = array<i32>} : memref<32x1024xf32, #tpu.memory_space<vmem>>, vector<16xf32>,
      %eq3A_487 = arith.constant 6 : i32
      %eq3A_488 = vector.broadcast %eq3A_487 : i32 to vector<16xi32>
      %eq3A_489 = arith.cmpi eq, %get3A_32, %eq3A_488 : vector<16xi32>
      %select_n3A_490 = arith.select %eq3A_489, %div3A_375, %div3A_373 : vector<16xi1>, vector<16xf32>
      %select_n3A_491 = arith.select %eq3A_489, %mul3A_378, %mul3A_377 : vector<16xi1>, vector<16xf32>
      %mul3A_492 = arith.mulf %select_n3A_490, %exp3A_110 : vector<16xf32>
      %add3A_493 = arith.addf %mul3A_492, %select_n3A_491 : vector<16xf32>
      %mul3A_494 = arith.mulf %add3A_493, %get3A_486 : vector<16xf32>
      %gt3A_495 = arith.cmpf ogt, %mul3A_494, %select_n3A_428 : vector<16xf32>
      %select_n3A_496 = arith.select %gt3A_495, %mul3A_494, %select_n3A_428 : vector<16xi1>, vector<16xf32>
      %jit3A_497 = arith.constant 6 : i32
      %broadcast_in_dim3A_498 = vector.broadcast %jit3A_497 : i32 to vector<16xi32>
      %select_n3A_499 = arith.select %gt3A_495, %broadcast_in_dim3A_498, %select_n3A_431 : vector<16xi1>, vector<16xi32>
      %get3A_500 = arith.constant 7 : i64
      %get3A_501 = arith.index_cast %get3A_500 : i64 to index
      %get3A_502 = arith.index_cast %mul3A_31 : i32 to index
      %get3A_503 = tpu.vector_load %arg10[%get3A_501, %get3A_502] {strides = array<i32>} : memref<32x1024xf32, #tpu.memory_space<vmem>>, vector<16xf32>,
      %eq3A_504 = arith.constant 7 : i32
      %eq3A_505 = vector.broadcast %eq3A_504 : i32 to vector<16xi32>
      %eq3A_506 = arith.cmpi eq, %get3A_32, %eq3A_505 : vector<16xi32>
      %select_n3A_507 = arith.select %eq3A_506, %div3A_375, %div3A_373 : vector<16xi1>, vector<16xf32>
      %select_n3A_508 = arith.select %eq3A_506, %mul3A_378, %mul3A_377 : vector<16xi1>, vector<16xf32>
      %mul3A_509 = arith.mulf %select_n3A_507, %exp3A_120 : vector<16xf32>
      %add3A_510 = arith.addf %mul3A_509, %select_n3A_508 : vector<16xf32>
      %mul3A_511 = arith.mulf %add3A_510, %get3A_503 : vector<16xf32>
      %gt3A_512 = arith.cmpf ogt, %mul3A_511, %select_n3A_445 : vector<16xf32>
      %select_n3A_513 = arith.select %gt3A_512, %mul3A_511, %select_n3A_445 : vector<16xi1>, vector<16xf32>
      %jit3A_514 = arith.constant 7 : i32
      %broadcast_in_dim3A_515 = vector.broadcast %jit3A_514 : i32 to vector<16xi32>
      %select_n3A_516 = arith.select %gt3A_512, %broadcast_in_dim3A_515, %select_n3A_448 : vector<16xi1>, vector<16xi32>
      %get3A_517 = arith.constant 8 : i64
      %get3A_518 = arith.index_cast %get3A_517 : i64 to index
      %get3A_519 = arith.index_cast %mul3A_31 : i32 to index
      %get3A_520 = tpu.vector_load %arg10[%get3A_518, %get3A_519] {strides = array<i32>} : memref<32x1024xf32, #tpu.memory_space<vmem>>, vector<16xf32>,
      %eq3A_521 = arith.constant 8 : i32
      %eq3A_522 = vector.broadcast %eq3A_521 : i32 to vector<16xi32>
      %eq3A_523 = arith.cmpi eq, %get3A_32, %eq3A_522 : vector<16xi32>
      %select_n3A_524 = arith.select %eq3A_523, %div3A_375, %div3A_373 : vector<16xi1>, vector<16xf32>
      %select_n3A_525 = arith.select %eq3A_523, %mul3A_378, %mul3A_377 : vector<16xi1>, vector<16xf32>
      %mul3A_526 = arith.mulf %select_n3A_524, %exp3A_130 : vector<16xf32>
      %add3A_527 = arith.addf %mul3A_526, %select_n3A_525 : vector<16xf32>
      %mul3A_528 = arith.mulf %add3A_527, %get3A_520 : vector<16xf32>
      %gt3A_529 = arith.cmpf ogt, %mul3A_528, %select_n3A_462 : vector<16xf32>
      %select_n3A_530 = arith.select %gt3A_529, %mul3A_528, %select_n3A_462 : vector<16xi1>, vector<16xf32>
      %jit3A_531 = arith.constant 8 : i32
      %broadcast_in_dim3A_532 = vector.broadcast %jit3A_531 : i32 to vector<16xi32>
      %select_n3A_533 = arith.select %gt3A_529, %broadcast_in_dim3A_532, %select_n3A_465 : vector<16xi1>, vector<16xi32>
      %get3A_534 = arith.constant 9 : i64
      %get3A_535 = arith.index_cast %get3A_534 : i64 to index
      %get3A_536 = arith.index_cast %mul3A_31 : i32 to index
      %get3A_537 = tpu.vector_load %arg10[%get3A_535, %get3A_536] {strides = array<i32>} : memref<32x1024xf32, #tpu.memory_space<vmem>>, vector<16xf32>,
      %eq3A_538 = arith.constant 9 : i32
      %eq3A_539 = vector.broadcast %eq3A_538 : i32 to vector<16xi32>
      %eq3A_540 = arith.cmpi eq, %get3A_32, %eq3A_539 : vector<16xi32>
      %select_n3A_541 = arith.select %eq3A_540, %div3A_375, %div3A_373 : vector<16xi1>, vector<16xf32>
      %select_n3A_542 = arith.select %eq3A_540, %mul3A_378, %mul3A_377 : vector<16xi1>, vector<16xf32>
      %mul3A_543 = arith.mulf %select_n3A_541, %exp3A_140 : vector<16xf32>
      %add3A_544 = arith.addf %mul3A_543, %select_n3A_542 : vector<16xf32>
      %mul3A_545 = arith.mulf %add3A_544, %get3A_537 : vector<16xf32>
      %gt3A_546 = arith.cmpf ogt, %mul3A_545, %select_n3A_479 : vector<16xf32>
      %select_n3A_547 = arith.select %gt3A_546, %mul3A_545, %select_n3A_479 : vector<16xi1>, vector<16xf32>
      %jit3A_548 = arith.constant 9 : i32
      %broadcast_in_dim3A_549 = vector.broadcast %jit3A_548 : i32 to vector<16xi32>
      %select_n3A_550 = arith.select %gt3A_546, %broadcast_in_dim3A_549, %select_n3A_482 : vector<16xi1>, vector<16xi32>
      %get3A_551 = arith.constant 10 : i64
      %get3A_552 = arith.index_cast %get3A_551 : i64 to index
      %get3A_553 = arith.index_cast %mul3A_31 : i32 to index
      %get3A_554 = tpu.vector_load %arg10[%get3A_552, %get3A_553] {strides = array<i32>} : memref<32x1024xf32, #tpu.memory_space<vmem>>, vector<16xf32>,
      %eq3A_555 = arith.constant 10 : i32
      %eq3A_556 = vector.broadcast %eq3A_555 : i32 to vector<16xi32>
      %eq3A_557 = arith.cmpi eq, %get3A_32, %eq3A_556 : vector<16xi32>
      %select_n3A_558 = arith.select %eq3A_557, %div3A_375, %div3A_373 : vector<16xi1>, vector<16xf32>
      %select_n3A_559 = arith.select %eq3A_557, %mul3A_378, %mul3A_377 : vector<16xi1>, vector<16xf32>
      %mul3A_560 = arith.mulf %select_n3A_558, %exp3A_150 : vector<16xf32>
      %add3A_561 = arith.addf %mul3A_560, %select_n3A_559 : vector<16xf32>
      %mul3A_562 = arith.mulf %add3A_561, %get3A_554 : vector<16xf32>
      %gt3A_563 = arith.cmpf ogt, %mul3A_562, %select_n3A_496 : vector<16xf32>
      %select_n3A_564 = arith.select %gt3A_563, %mul3A_562, %select_n3A_496 : vector<16xi1>, vector<16xf32>
      %jit3A_565 = arith.constant 10 : i32
      %broadcast_in_dim3A_566 = vector.broadcast %jit3A_565 : i32 to vector<16xi32>
      %select_n3A_567 = arith.select %gt3A_563, %broadcast_in_dim3A_566, %select_n3A_499 : vector<16xi1>, vector<16xi32>
      %get3A_568 = arith.constant 11 : i64
      %get3A_569 = arith.index_cast %get3A_568 : i64 to index
      %get3A_570 = arith.index_cast %mul3A_31 : i32 to index
      %get3A_571 = tpu.vector_load %arg10[%get3A_569, %get3A_570] {strides = array<i32>} : memref<32x1024xf32, #tpu.memory_space<vmem>>, vector<16xf32>,
      %eq3A_572 = arith.constant 11 : i32
      %eq3A_573 = vector.broadcast %eq3A_572 : i32 to vector<16xi32>
      %eq3A_574 = arith.cmpi eq, %get3A_32, %eq3A_573 : vector<16xi32>
      %select_n3A_575 = arith.select %eq3A_574, %div3A_375, %div3A_373 : vector<16xi1>, vector<16xf32>
      %select_n3A_576 = arith.select %eq3A_574, %mul3A_378, %mul3A_377 : vector<16xi1>, vector<16xf32>
      %mul3A_577 = arith.mulf %select_n3A_575, %exp3A_160 : vector<16xf32>
      %add3A_578 = arith.addf %mul3A_577, %select_n3A_576 : vector<16xf32>
      %mul3A_579 = arith.mulf %add3A_578, %get3A_571 : vector<16xf32>
      %gt3A_580 = arith.cmpf ogt, %mul3A_579, %select_n3A_513 : vector<16xf32>
      %select_n3A_581 = arith.select %gt3A_580, %mul3A_579, %select_n3A_513 : vector<16xi1>, vector<16xf32>
      %jit3A_582 = arith.constant 11 : i32
      %broadcast_in_dim3A_583 = vector.broadcast %jit3A_582 : i32 to vector<16xi32>
      %select_n3A_584 = arith.select %gt3A_580, %broadcast_in_dim3A_583, %select_n3A_516 : vector<16xi1>, vector<16xi32>
      %get3A_585 = arith.constant 12 : i64
      %get3A_586 = arith.index_cast %get3A_585 : i64 to index
      %get3A_587 = arith.index_cast %mul3A_31 : i32 to index
      %get3A_588 = tpu.vector_load %arg10[%get3A_586, %get3A_587] {strides = array<i32>} : memref<32x1024xf32, #tpu.memory_space<vmem>>, vector<16xf32>,
      %eq3A_589 = arith.constant 12 : i32
      %eq3A_590 = vector.broadcast %eq3A_589 : i32 to vector<16xi32>
      %eq3A_591 = arith.cmpi eq, %get3A_32, %eq3A_590 : vector<16xi32>
      %select_n3A_592 = arith.select %eq3A_591, %div3A_375, %div3A_373 : vector<16xi1>, vector<16xf32>
      %select_n3A_593 = arith.select %eq3A_591, %mul3A_378, %mul3A_377 : vector<16xi1>, vector<16xf32>
      %mul3A_594 = arith.mulf %select_n3A_592, %exp3A_170 : vector<16xf32>
      %add3A_595 = arith.addf %mul3A_594, %select_n3A_593 : vector<16xf32>
      %mul3A_596 = arith.mulf %add3A_595, %get3A_588 : vector<16xf32>
      %gt3A_597 = arith.cmpf ogt, %mul3A_596, %select_n3A_530 : vector<16xf32>
      %select_n3A_598 = arith.select %gt3A_597, %mul3A_596, %select_n3A_530 : vector<16xi1>, vector<16xf32>
      %jit3A_599 = arith.constant 12 : i32
      %broadcast_in_dim3A_600 = vector.broadcast %jit3A_599 : i32 to vector<16xi32>
      %select_n3A_601 = arith.select %gt3A_597, %broadcast_in_dim3A_600, %select_n3A_533 : vector<16xi1>, vector<16xi32>
      %get3A_602 = arith.constant 13 : i64
      %get3A_603 = arith.index_cast %get3A_602 : i64 to index
      %get3A_604 = arith.index_cast %mul3A_31 : i32 to index
      %get3A_605 = tpu.vector_load %arg10[%get3A_603, %get3A_604] {strides = array<i32>} : memref<32x1024xf32, #tpu.memory_space<vmem>>, vector<16xf32>,
      %eq3A_606 = arith.constant 13 : i32
      %eq3A_607 = vector.broadcast %eq3A_606 : i32 to vector<16xi32>
      %eq3A_608 = arith.cmpi eq, %get3A_32, %eq3A_607 : vector<16xi32>
      %select_n3A_609 = arith.select %eq3A_608, %div3A_375, %div3A_373 : vector<16xi1>, vector<16xf32>
      %select_n3A_610 = arith.select %eq3A_608, %mul3A_378, %mul3A_377 : vector<16xi1>, vector<16xf32>
      %mul3A_611 = arith.mulf %select_n3A_609, %exp3A_180 : vector<16xf32>
      %add3A_612 = arith.addf %mul3A_611, %select_n3A_610 : vector<16xf32>
      %mul3A_613 = arith.mulf %add3A_612, %get3A_605 : vector<16xf32>
      %gt3A_614 = arith.cmpf ogt, %mul3A_613, %select_n3A_547 : vector<16xf32>
      %select_n3A_615 = arith.select %gt3A_614, %mul3A_613, %select_n3A_547 : vector<16xi1>, vector<16xf32>
      %jit3A_616 = arith.constant 13 : i32
      %broadcast_in_dim3A_617 = vector.broadcast %jit3A_616 : i32 to vector<16xi32>
      %select_n3A_618 = arith.select %gt3A_614, %broadcast_in_dim3A_617, %select_n3A_550 : vector<16xi1>, vector<16xi32>
      %get3A_619 = arith.constant 14 : i64
      %get3A_620 = arith.index_cast %get3A_619 : i64 to index
      %get3A_621 = arith.index_cast %mul3A_31 : i32 to index
      %get3A_622 = tpu.vector_load %arg10[%get3A_620, %get3A_621] {strides = array<i32>} : memref<32x1024xf32, #tpu.memory_space<vmem>>, vector<16xf32>,
      %eq3A_623 = arith.constant 14 : i32
      %eq3A_624 = vector.broadcast %eq3A_623 : i32 to vector<16xi32>
      %eq3A_625 = arith.cmpi eq, %get3A_32, %eq3A_624 : vector<16xi32>
      %select_n3A_626 = arith.select %eq3A_625, %div3A_375, %div3A_373 : vector<16xi1>, vector<16xf32>
      %select_n3A_627 = arith.select %eq3A_625, %mul3A_378, %mul3A_377 : vector<16xi1>, vector<16xf32>
      %mul3A_628 = arith.mulf %select_n3A_626, %exp3A_190 : vector<16xf32>
      %add3A_629 = arith.addf %mul3A_628, %select_n3A_627 : vector<16xf32>
      %mul3A_630 = arith.mulf %add3A_629, %get3A_622 : vector<16xf32>
      %gt3A_631 = arith.cmpf ogt, %mul3A_630, %select_n3A_564 : vector<16xf32>
      %select_n3A_632 = arith.select %gt3A_631, %mul3A_630, %select_n3A_564 : vector<16xi1>, vector<16xf32>
      %jit3A_633 = arith.constant 14 : i32
      %broadcast_in_dim3A_634 = vector.broadcast %jit3A_633 : i32 to vector<16xi32>
      %select_n3A_635 = arith.select %gt3A_631, %broadcast_in_dim3A_634, %select_n3A_567 : vector<16xi1>, vector<16xi32>
      %get3A_636 = arith.constant 15 : i64
      %get3A_637 = arith.index_cast %get3A_636 : i64 to index
      %get3A_638 = arith.index_cast %mul3A_31 : i32 to index
      %get3A_639 = tpu.vector_load %arg10[%get3A_637, %get3A_638] {strides = array<i32>} : memref<32x1024xf32, #tpu.memory_space<vmem>>, vector<16xf32>,
      %eq3A_640 = arith.constant 15 : i32
      %eq3A_641 = vector.broadcast %eq3A_640 : i32 to vector<16xi32>
      %eq3A_642 = arith.cmpi eq, %get3A_32, %eq3A_641 : vector<16xi32>
      %select_n3A_643 = arith.select %eq3A_642, %div3A_375, %div3A_373 : vector<16xi1>, vector<16xf32>
      %select_n3A_644 = arith.select %eq3A_642, %mul3A_378, %mul3A_377 : vector<16xi1>, vector<16xf32>
      %mul3A_645 = arith.mulf %select_n3A_643, %exp3A_200 : vector<16xf32>
      %add3A_646 = arith.addf %mul3A_645, %select_n3A_644 : vector<16xf32>
      %mul3A_647 = arith.mulf %add3A_646, %get3A_639 : vector<16xf32>
      %gt3A_648 = arith.cmpf ogt, %mul3A_647, %select_n3A_581 : vector<16xf32>
      %select_n3A_649 = arith.select %gt3A_648, %mul3A_647, %select_n3A_581 : vector<16xi1>, vector<16xf32>
      %jit3A_650 = arith.constant 15 : i32
      %broadcast_in_dim3A_651 = vector.broadcast %jit3A_650 : i32 to vector<16xi32>
      %select_n3A_652 = arith.select %gt3A_648, %broadcast_in_dim3A_651, %select_n3A_584 : vector<16xi1>, vector<16xi32>
      %get3A_653 = arith.constant 16 : i64
      %get3A_654 = arith.index_cast %get3A_653 : i64 to index
      %get3A_655 = arith.index_cast %mul3A_31 : i32 to index
      %get3A_656 = tpu.vector_load %arg10[%get3A_654, %get3A_655] {strides = array<i32>} : memref<32x1024xf32, #tpu.memory_space<vmem>>, vector<16xf32>,
      %eq3A_657 = arith.constant 16 : i32
      %eq3A_658 = vector.broadcast %eq3A_657 : i32 to vector<16xi32>
      %eq3A_659 = arith.cmpi eq, %get3A_32, %eq3A_658 : vector<16xi32>
      %select_n3A_660 = arith.select %eq3A_659, %div3A_375, %div3A_373 : vector<16xi1>, vector<16xf32>
      %select_n3A_661 = arith.select %eq3A_659, %mul3A_378, %mul3A_377 : vector<16xi1>, vector<16xf32>
      %mul3A_662 = arith.mulf %select_n3A_660, %exp3A_210 : vector<16xf32>
      %add3A_663 = arith.addf %mul3A_662, %select_n3A_661 : vector<16xf32>
      %mul3A_664 = arith.mulf %add3A_663, %get3A_656 : vector<16xf32>
      %gt3A_665 = arith.cmpf ogt, %mul3A_664, %select_n3A_598 : vector<16xf32>
      %select_n3A_666 = arith.select %gt3A_665, %mul3A_664, %select_n3A_598 : vector<16xi1>, vector<16xf32>
      %jit3A_667 = arith.constant 16 : i32
      %broadcast_in_dim3A_668 = vector.broadcast %jit3A_667 : i32 to vector<16xi32>
      %select_n3A_669 = arith.select %gt3A_665, %broadcast_in_dim3A_668, %select_n3A_601 : vector<16xi1>, vector<16xi32>
      %get3A_670 = arith.constant 17 : i64
      %get3A_671 = arith.index_cast %get3A_670 : i64 to index
      %get3A_672 = arith.index_cast %mul3A_31 : i32 to index
      %get3A_673 = tpu.vector_load %arg10[%get3A_671, %get3A_672] {strides = array<i32>} : memref<32x1024xf32, #tpu.memory_space<vmem>>, vector<16xf32>,
      %eq3A_674 = arith.constant 17 : i32
      %eq3A_675 = vector.broadcast %eq3A_674 : i32 to vector<16xi32>
      %eq3A_676 = arith.cmpi eq, %get3A_32, %eq3A_675 : vector<16xi32>
      %select_n3A_677 = arith.select %eq3A_676, %div3A_375, %div3A_373 : vector<16xi1>, vector<16xf32>
      %select_n3A_678 = arith.select %eq3A_676, %mul3A_378, %mul3A_377 : vector<16xi1>, vector<16xf32>
      %mul3A_679 = arith.mulf %select_n3A_677, %exp3A_220 : vector<16xf32>
      %add3A_680 = arith.addf %mul3A_679, %select_n3A_678 : vector<16xf32>
      %mul3A_681 = arith.mulf %add3A_680, %get3A_673 : vector<16xf32>
      %gt3A_682 = arith.cmpf ogt, %mul3A_681, %select_n3A_615 : vector<16xf32>
      %select_n3A_683 = arith.select %gt3A_682, %mul3A_681, %select_n3A_615 : vector<16xi1>, vector<16xf32>
      %jit3A_684 = arith.constant 17 : i32
      %broadcast_in_dim3A_685 = vector.broadcast %jit3A_684 : i32 to vector<16xi32>
      %select_n3A_686 = arith.select %gt3A_682, %broadcast_in_dim3A_685, %select_n3A_618 : vector<16xi1>, vector<16xi32>
      %get3A_687 = arith.constant 18 : i64
      %get3A_688 = arith.index_cast %get3A_687 : i64 to index
      %get3A_689 = arith.index_cast %mul3A_31 : i32 to index
      %get3A_690 = tpu.vector_load %arg10[%get3A_688, %get3A_689] {strides = array<i32>} : memref<32x1024xf32, #tpu.memory_space<vmem>>, vector<16xf32>,
      %eq3A_691 = arith.constant 18 : i32
      %eq3A_692 = vector.broadcast %eq3A_691 : i32 to vector<16xi32>
      %eq3A_693 = arith.cmpi eq, %get3A_32, %eq3A_692 : vector<16xi32>
      %select_n3A_694 = arith.select %eq3A_693, %div3A_375, %div3A_373 : vector<16xi1>, vector<16xf32>
      %select_n3A_695 = arith.select %eq3A_693, %mul3A_378, %mul3A_377 : vector<16xi1>, vector<16xf32>
      %mul3A_696 = arith.mulf %select_n3A_694, %exp3A_230 : vector<16xf32>
      %add3A_697 = arith.addf %mul3A_696, %select_n3A_695 : vector<16xf32>
      %mul3A_698 = arith.mulf %add3A_697, %get3A_690 : vector<16xf32>
      %gt3A_699 = arith.cmpf ogt, %mul3A_698, %select_n3A_632 : vector<16xf32>
      %select_n3A_700 = arith.select %gt3A_699, %mul3A_698, %select_n3A_632 : vector<16xi1>, vector<16xf32>
      %jit3A_701 = arith.constant 18 : i32
      %broadcast_in_dim3A_702 = vector.broadcast %jit3A_701 : i32 to vector<16xi32>
      %select_n3A_703 = arith.select %gt3A_699, %broadcast_in_dim3A_702, %select_n3A_635 : vector<16xi1>, vector<16xi32>
      %get3A_704 = arith.constant 19 : i64
      %get3A_705 = arith.index_cast %get3A_704 : i64 to index
      %get3A_706 = arith.index_cast %mul3A_31 : i32 to index
      %get3A_707 = tpu.vector_load %arg10[%get3A_705, %get3A_706] {strides = array<i32>} : memref<32x1024xf32, #tpu.memory_space<vmem>>, vector<16xf32>,
      %eq3A_708 = arith.constant 19 : i32
      %eq3A_709 = vector.broadcast %eq3A_708 : i32 to vector<16xi32>
      %eq3A_710 = arith.cmpi eq, %get3A_32, %eq3A_709 : vector<16xi32>
      %select_n3A_711 = arith.select %eq3A_710, %div3A_375, %div3A_373 : vector<16xi1>, vector<16xf32>
      %select_n3A_712 = arith.select %eq3A_710, %mul3A_378, %mul3A_377 : vector<16xi1>, vector<16xf32>
      %mul3A_713 = arith.mulf %select_n3A_711, %exp3A_240 : vector<16xf32>
      %add3A_714 = arith.addf %mul3A_713, %select_n3A_712 : vector<16xf32>
      %mul3A_715 = arith.mulf %add3A_714, %get3A_707 : vector<16xf32>
      %gt3A_716 = arith.cmpf ogt, %mul3A_715, %select_n3A_649 : vector<16xf32>
      %select_n3A_717 = arith.select %gt3A_716, %mul3A_715, %select_n3A_649 : vector<16xi1>, vector<16xf32>
      %jit3A_718 = arith.constant 19 : i32
      %broadcast_in_dim3A_719 = vector.broadcast %jit3A_718 : i32 to vector<16xi32>
      %select_n3A_720 = arith.select %gt3A_716, %broadcast_in_dim3A_719, %select_n3A_652 : vector<16xi1>, vector<16xi32>
      %get3A_721 = arith.constant 20 : i64
      %get3A_722 = arith.index_cast %get3A_721 : i64 to index
      %get3A_723 = arith.index_cast %mul3A_31 : i32 to index
      %get3A_724 = tpu.vector_load %arg10[%get3A_722, %get3A_723] {strides = array<i32>} : memref<32x1024xf32, #tpu.memory_space<vmem>>, vector<16xf32>,
      %eq3A_725 = arith.constant 20 : i32
      %eq3A_726 = vector.broadcast %eq3A_725 : i32 to vector<16xi32>
      %eq3A_727 = arith.cmpi eq, %get3A_32, %eq3A_726 : vector<16xi32>
      %select_n3A_728 = arith.select %eq3A_727, %div3A_375, %div3A_373 : vector<16xi1>, vector<16xf32>
      %select_n3A_729 = arith.select %eq3A_727, %mul3A_378, %mul3A_377 : vector<16xi1>, vector<16xf32>
      %mul3A_730 = arith.mulf %select_n3A_728, %exp3A_250 : vector<16xf32>
      %add3A_731 = arith.addf %mul3A_730, %select_n3A_729 : vector<16xf32>
      %mul3A_732 = arith.mulf %add3A_731, %get3A_724 : vector<16xf32>
      %gt3A_733 = arith.cmpf ogt, %mul3A_732, %select_n3A_666 : vector<16xf32>
      %select_n3A_734 = arith.select %gt3A_733, %mul3A_732, %select_n3A_666 : vector<16xi1>, vector<16xf32>
      %jit3A_735 = arith.constant 20 : i32
      %broadcast_in_dim3A_736 = vector.broadcast %jit3A_735 : i32 to vector<16xi32>
      %select_n3A_737 = arith.select %gt3A_733, %broadcast_in_dim3A_736, %select_n3A_669 : vector<16xi1>, vector<16xi32>
      %get3A_738 = arith.constant 21 : i64
      %get3A_739 = arith.index_cast %get3A_738 : i64 to index
      %get3A_740 = arith.index_cast %mul3A_31 : i32 to index
      %get3A_741 = tpu.vector_load %arg10[%get3A_739, %get3A_740] {strides = array<i32>} : memref<32x1024xf32, #tpu.memory_space<vmem>>, vector<16xf32>,
      %eq3A_742 = arith.constant 21 : i32
      %eq3A_743 = vector.broadcast %eq3A_742 : i32 to vector<16xi32>
      %eq3A_744 = arith.cmpi eq, %get3A_32, %eq3A_743 : vector<16xi32>
      %select_n3A_745 = arith.select %eq3A_744, %div3A_375, %div3A_373 : vector<16xi1>, vector<16xf32>
      %select_n3A_746 = arith.select %eq3A_744, %mul3A_378, %mul3A_377 : vector<16xi1>, vector<16xf32>
      %mul3A_747 = arith.mulf %select_n3A_745, %exp3A_260 : vector<16xf32>
      %add3A_748 = arith.addf %mul3A_747, %select_n3A_746 : vector<16xf32>
      %mul3A_749 = arith.mulf %add3A_748, %get3A_741 : vector<16xf32>
      %gt3A_750 = arith.cmpf ogt, %mul3A_749, %select_n3A_683 : vector<16xf32>
      %select_n3A_751 = arith.select %gt3A_750, %mul3A_749, %select_n3A_683 : vector<16xi1>, vector<16xf32>
      %jit3A_752 = arith.constant 21 : i32
      %broadcast_in_dim3A_753 = vector.broadcast %jit3A_752 : i32 to vector<16xi32>
      %select_n3A_754 = arith.select %gt3A_750, %broadcast_in_dim3A_753, %select_n3A_686 : vector<16xi1>, vector<16xi32>
      %get3A_755 = arith.constant 22 : i64
      %get3A_756 = arith.index_cast %get3A_755 : i64 to index
      %get3A_757 = arith.index_cast %mul3A_31 : i32 to index
      %get3A_758 = tpu.vector_load %arg10[%get3A_756, %get3A_757] {strides = array<i32>} : memref<32x1024xf32, #tpu.memory_space<vmem>>, vector<16xf32>,
      %eq3A_759 = arith.constant 22 : i32
      %eq3A_760 = vector.broadcast %eq3A_759 : i32 to vector<16xi32>
      %eq3A_761 = arith.cmpi eq, %get3A_32, %eq3A_760 : vector<16xi32>
      %select_n3A_762 = arith.select %eq3A_761, %div3A_375, %div3A_373 : vector<16xi1>, vector<16xf32>
      %select_n3A_763 = arith.select %eq3A_761, %mul3A_378, %mul3A_377 : vector<16xi1>, vector<16xf32>
      %mul3A_764 = arith.mulf %select_n3A_762, %exp3A_270 : vector<16xf32>
      %add3A_765 = arith.addf %mul3A_764, %select_n3A_763 : vector<16xf32>
      %mul3A_766 = arith.mulf %add3A_765, %get3A_758 : vector<16xf32>
      %gt3A_767 = arith.cmpf ogt, %mul3A_766, %select_n3A_700 : vector<16xf32>
      %select_n3A_768 = arith.select %gt3A_767, %mul3A_766, %select_n3A_700 : vector<16xi1>, vector<16xf32>
      %jit3A_769 = arith.constant 22 : i32
      %broadcast_in_dim3A_770 = vector.broadcast %jit3A_769 : i32 to vector<16xi32>
      %select_n3A_771 = arith.select %gt3A_767, %broadcast_in_dim3A_770, %select_n3A_703 : vector<16xi1>, vector<16xi32>
      %get3A_772 = arith.constant 23 : i64
      %get3A_773 = arith.index_cast %get3A_772 : i64 to index
      %get3A_774 = arith.index_cast %mul3A_31 : i32 to index
      %get3A_775 = tpu.vector_load %arg10[%get3A_773, %get3A_774] {strides = array<i32>} : memref<32x1024xf32, #tpu.memory_space<vmem>>, vector<16xf32>,
      %eq3A_776 = arith.constant 23 : i32
      %eq3A_777 = vector.broadcast %eq3A_776 : i32 to vector<16xi32>
      %eq3A_778 = arith.cmpi eq, %get3A_32, %eq3A_777 : vector<16xi32>
      %select_n3A_779 = arith.select %eq3A_778, %div3A_375, %div3A_373 : vector<16xi1>, vector<16xf32>
      %select_n3A_780 = arith.select %eq3A_778, %mul3A_378, %mul3A_377 : vector<16xi1>, vector<16xf32>
      %mul3A_781 = arith.mulf %select_n3A_779, %exp3A_280 : vector<16xf32>
      %add3A_782 = arith.addf %mul3A_781, %select_n3A_780 : vector<16xf32>
      %mul3A_783 = arith.mulf %add3A_782, %get3A_775 : vector<16xf32>
      %gt3A_784 = arith.cmpf ogt, %mul3A_783, %select_n3A_717 : vector<16xf32>
      %select_n3A_785 = arith.select %gt3A_784, %mul3A_783, %select_n3A_717 : vector<16xi1>, vector<16xf32>
      %jit3A_786 = arith.constant 23 : i32
      %broadcast_in_dim3A_787 = vector.broadcast %jit3A_786 : i32 to vector<16xi32>
      %select_n3A_788 = arith.select %gt3A_784, %broadcast_in_dim3A_787, %select_n3A_720 : vector<16xi1>, vector<16xi32>
      %get3A_789 = arith.constant 24 : i64
      %get3A_790 = arith.index_cast %get3A_789 : i64 to index
      %get3A_791 = arith.index_cast %mul3A_31 : i32 to index
      %get3A_792 = tpu.vector_load %arg10[%get3A_790, %get3A_791] {strides = array<i32>} : memref<32x1024xf32, #tpu.memory_space<vmem>>, vector<16xf32>,
      %eq3A_793 = arith.constant 24 : i32
      %eq3A_794 = vector.broadcast %eq3A_793 : i32 to vector<16xi32>
      %eq3A_795 = arith.cmpi eq, %get3A_32, %eq3A_794 : vector<16xi32>
      %select_n3A_796 = arith.select %eq3A_795, %div3A_375, %div3A_373 : vector<16xi1>, vector<16xf32>
      %select_n3A_797 = arith.select %eq3A_795, %mul3A_378, %mul3A_377 : vector<16xi1>, vector<16xf32>
      %mul3A_798 = arith.mulf %select_n3A_796, %exp3A_290 : vector<16xf32>
      %add3A_799 = arith.addf %mul3A_798, %select_n3A_797 : vector<16xf32>
      %mul3A_800 = arith.mulf %add3A_799, %get3A_792 : vector<16xf32>
      %gt3A_801 = arith.cmpf ogt, %mul3A_800, %select_n3A_734 : vector<16xf32>
      %select_n3A_802 = arith.select %gt3A_801, %mul3A_800, %select_n3A_734 : vector<16xi1>, vector<16xf32>
      %jit3A_803 = arith.constant 24 : i32
      %broadcast_in_dim3A_804 = vector.broadcast %jit3A_803 : i32 to vector<16xi32>
      %select_n3A_805 = arith.select %gt3A_801, %broadcast_in_dim3A_804, %select_n3A_737 : vector<16xi1>, vector<16xi32>
      %get3A_806 = arith.constant 25 : i64
      %get3A_807 = arith.index_cast %get3A_806 : i64 to index
      %get3A_808 = arith.index_cast %mul3A_31 : i32 to index
      %get3A_809 = tpu.vector_load %arg10[%get3A_807, %get3A_808] {strides = array<i32>} : memref<32x1024xf32, #tpu.memory_space<vmem>>, vector<16xf32>,
      %eq3A_810 = arith.constant 25 : i32
      %eq3A_811 = vector.broadcast %eq3A_810 : i32 to vector<16xi32>
      %eq3A_812 = arith.cmpi eq, %get3A_32, %eq3A_811 : vector<16xi32>
      %select_n3A_813 = arith.select %eq3A_812, %div3A_375, %div3A_373 : vector<16xi1>, vector<16xf32>
      %select_n3A_814 = arith.select %eq3A_812, %mul3A_378, %mul3A_377 : vector<16xi1>, vector<16xf32>
      %mul3A_815 = arith.mulf %select_n3A_813, %exp3A_300 : vector<16xf32>
      %add3A_816 = arith.addf %mul3A_815, %select_n3A_814 : vector<16xf32>
      %mul3A_817 = arith.mulf %add3A_816, %get3A_809 : vector<16xf32>
      %gt3A_818 = arith.cmpf ogt, %mul3A_817, %select_n3A_751 : vector<16xf32>
      %select_n3A_819 = arith.select %gt3A_818, %mul3A_817, %select_n3A_751 : vector<16xi1>, vector<16xf32>
      %jit3A_820 = arith.constant 25 : i32
      %broadcast_in_dim3A_821 = vector.broadcast %jit3A_820 : i32 to vector<16xi32>
      %select_n3A_822 = arith.select %gt3A_818, %broadcast_in_dim3A_821, %select_n3A_754 : vector<16xi1>, vector<16xi32>
      %get3A_823 = arith.constant 26 : i64
      %get3A_824 = arith.index_cast %get3A_823 : i64 to index
      %get3A_825 = arith.index_cast %mul3A_31 : i32 to index
      %get3A_826 = tpu.vector_load %arg10[%get3A_824, %get3A_825] {strides = array<i32>} : memref<32x1024xf32, #tpu.memory_space<vmem>>, vector<16xf32>,
      %eq3A_827 = arith.constant 26 : i32
      %eq3A_828 = vector.broadcast %eq3A_827 : i32 to vector<16xi32>
      %eq3A_829 = arith.cmpi eq, %get3A_32, %eq3A_828 : vector<16xi32>
      %select_n3A_830 = arith.select %eq3A_829, %div3A_375, %div3A_373 : vector<16xi1>, vector<16xf32>
      %select_n3A_831 = arith.select %eq3A_829, %mul3A_378, %mul3A_377 : vector<16xi1>, vector<16xf32>
      %mul3A_832 = arith.mulf %select_n3A_830, %exp3A_310 : vector<16xf32>
      %add3A_833 = arith.addf %mul3A_832, %select_n3A_831 : vector<16xf32>
      %mul3A_834 = arith.mulf %add3A_833, %get3A_826 : vector<16xf32>
      %gt3A_835 = arith.cmpf ogt, %mul3A_834, %select_n3A_768 : vector<16xf32>
      %select_n3A_836 = arith.select %gt3A_835, %mul3A_834, %select_n3A_768 : vector<16xi1>, vector<16xf32>
      %jit3A_837 = arith.constant 26 : i32
      %broadcast_in_dim3A_838 = vector.broadcast %jit3A_837 : i32 to vector<16xi32>
      %select_n3A_839 = arith.select %gt3A_835, %broadcast_in_dim3A_838, %select_n3A_771 : vector<16xi1>, vector<16xi32>
      %get3A_840 = arith.constant 27 : i64
      %get3A_841 = arith.index_cast %get3A_840 : i64 to index
      %get3A_842 = arith.index_cast %mul3A_31 : i32 to index
      %get3A_843 = tpu.vector_load %arg10[%get3A_841, %get3A_842] {strides = array<i32>} : memref<32x1024xf32, #tpu.memory_space<vmem>>, vector<16xf32>,
      %eq3A_844 = arith.constant 27 : i32
      %eq3A_845 = vector.broadcast %eq3A_844 : i32 to vector<16xi32>
      %eq3A_846 = arith.cmpi eq, %get3A_32, %eq3A_845 : vector<16xi32>
      %select_n3A_847 = arith.select %eq3A_846, %div3A_375, %div3A_373 : vector<16xi1>, vector<16xf32>
      %select_n3A_848 = arith.select %eq3A_846, %mul3A_378, %mul3A_377 : vector<16xi1>, vector<16xf32>
      %mul3A_849 = arith.mulf %select_n3A_847, %exp3A_320 : vector<16xf32>
      %add3A_850 = arith.addf %mul3A_849, %select_n3A_848 : vector<16xf32>
      %mul3A_851 = arith.mulf %add3A_850, %get3A_843 : vector<16xf32>
      %gt3A_852 = arith.cmpf ogt, %mul3A_851, %select_n3A_785 : vector<16xf32>
      %select_n3A_853 = arith.select %gt3A_852, %mul3A_851, %select_n3A_785 : vector<16xi1>, vector<16xf32>
      %jit3A_854 = arith.constant 27 : i32
      %broadcast_in_dim3A_855 = vector.broadcast %jit3A_854 : i32 to vector<16xi32>
      %select_n3A_856 = arith.select %gt3A_852, %broadcast_in_dim3A_855, %select_n3A_788 : vector<16xi1>, vector<16xi32>
      %get3A_857 = arith.constant 28 : i64
      %get3A_858 = arith.index_cast %get3A_857 : i64 to index
      %get3A_859 = arith.index_cast %mul3A_31 : i32 to index
      %get3A_860 = tpu.vector_load %arg10[%get3A_858, %get3A_859] {strides = array<i32>} : memref<32x1024xf32, #tpu.memory_space<vmem>>, vector<16xf32>,
      %eq3A_861 = arith.constant 28 : i32
      %eq3A_862 = vector.broadcast %eq3A_861 : i32 to vector<16xi32>
      %eq3A_863 = arith.cmpi eq, %get3A_32, %eq3A_862 : vector<16xi32>
      %select_n3A_864 = arith.select %eq3A_863, %div3A_375, %div3A_373 : vector<16xi1>, vector<16xf32>
      %select_n3A_865 = arith.select %eq3A_863, %mul3A_378, %mul3A_377 : vector<16xi1>, vector<16xf32>
      %mul3A_866 = arith.mulf %select_n3A_864, %exp3A_330 : vector<16xf32>
      %add3A_867 = arith.addf %mul3A_866, %select_n3A_865 : vector<16xf32>
      %mul3A_868 = arith.mulf %add3A_867, %get3A_860 : vector<16xf32>
      %gt3A_869 = arith.cmpf ogt, %mul3A_868, %select_n3A_802 : vector<16xf32>
      %select_n3A_870 = arith.select %gt3A_869, %mul3A_868, %select_n3A_802 : vector<16xi1>, vector<16xf32>
      %jit3A_871 = arith.constant 28 : i32
      %broadcast_in_dim3A_872 = vector.broadcast %jit3A_871 : i32 to vector<16xi32>
      %select_n3A_873 = arith.select %gt3A_869, %broadcast_in_dim3A_872, %select_n3A_805 : vector<16xi1>, vector<16xi32>
      %get3A_874 = arith.constant 29 : i64
      %get3A_875 = arith.index_cast %get3A_874 : i64 to index
      %get3A_876 = arith.index_cast %mul3A_31 : i32 to index
      %get3A_877 = tpu.vector_load %arg10[%get3A_875, %get3A_876] {strides = array<i32>} : memref<32x1024xf32, #tpu.memory_space<vmem>>, vector<16xf32>,
      %eq3A_878 = arith.constant 29 : i32
      %eq3A_879 = vector.broadcast %eq3A_878 : i32 to vector<16xi32>
      %eq3A_880 = arith.cmpi eq, %get3A_32, %eq3A_879 : vector<16xi32>
      %select_n3A_881 = arith.select %eq3A_880, %div3A_375, %div3A_373 : vector<16xi1>, vector<16xf32>
      %select_n3A_882 = arith.select %eq3A_880, %mul3A_378, %mul3A_377 : vector<16xi1>, vector<16xf32>
      %mul3A_883 = arith.mulf %select_n3A_881, %exp3A_340 : vector<16xf32>
      %add3A_884 = arith.addf %mul3A_883, %select_n3A_882 : vector<16xf32>
      %mul3A_885 = arith.mulf %add3A_884, %get3A_877 : vector<16xf32>
      %gt3A_886 = arith.cmpf ogt, %mul3A_885, %select_n3A_819 : vector<16xf32>
      %select_n3A_887 = arith.select %gt3A_886, %mul3A_885, %select_n3A_819 : vector<16xi1>, vector<16xf32>
      %jit3A_888 = arith.constant 29 : i32
      %broadcast_in_dim3A_889 = vector.broadcast %jit3A_888 : i32 to vector<16xi32>
      %select_n3A_890 = arith.select %gt3A_886, %broadcast_in_dim3A_889, %select_n3A_822 : vector<16xi1>, vector<16xi32>
      %get3A_891 = arith.constant 30 : i64
      %get3A_892 = arith.index_cast %get3A_891 : i64 to index
      %get3A_893 = arith.index_cast %mul3A_31 : i32 to index
      %get3A_894 = tpu.vector_load %arg10[%get3A_892, %get3A_893] {strides = array<i32>} : memref<32x1024xf32, #tpu.memory_space<vmem>>, vector<16xf32>,
      %eq3A_895 = arith.constant 30 : i32
      %eq3A_896 = vector.broadcast %eq3A_895 : i32 to vector<16xi32>
      %eq3A_897 = arith.cmpi eq, %get3A_32, %eq3A_896 : vector<16xi32>
      %select_n3A_898 = arith.select %eq3A_897, %div3A_375, %div3A_373 : vector<16xi1>, vector<16xf32>
      %select_n3A_899 = arith.select %eq3A_897, %mul3A_378, %mul3A_377 : vector<16xi1>, vector<16xf32>
      %mul3A_900 = arith.mulf %select_n3A_898, %exp3A_350 : vector<16xf32>
      %add3A_901 = arith.addf %mul3A_900, %select_n3A_899 : vector<16xf32>
      %mul3A_902 = arith.mulf %add3A_901, %get3A_894 : vector<16xf32>
      %gt3A_903 = arith.cmpf ogt, %mul3A_902, %select_n3A_836 : vector<16xf32>
      %select_n3A_904 = arith.select %gt3A_903, %mul3A_902, %select_n3A_836 : vector<16xi1>, vector<16xf32>
      %jit3A_905 = arith.constant 30 : i32
      %broadcast_in_dim3A_906 = vector.broadcast %jit3A_905 : i32 to vector<16xi32>
      %select_n3A_907 = arith.select %gt3A_903, %broadcast_in_dim3A_906, %select_n3A_839 : vector<16xi1>, vector<16xi32>
      %get3A_908 = arith.constant 31 : i64
      %get3A_909 = arith.index_cast %get3A_908 : i64 to index
      %get3A_910 = arith.index_cast %mul3A_31 : i32 to index
      %get3A_911 = tpu.vector_load %arg10[%get3A_909, %get3A_910] {strides = array<i32>} : memref<32x1024xf32, #tpu.memory_space<vmem>>, vector<16xf32>,
      %eq3A_912 = arith.constant 31 : i32
      %eq3A_913 = vector.broadcast %eq3A_912 : i32 to vector<16xi32>
      %eq3A_914 = arith.cmpi eq, %get3A_32, %eq3A_913 : vector<16xi32>
      %select_n3A_915 = arith.select %eq3A_914, %div3A_375, %div3A_373 : vector<16xi1>, vector<16xf32>
      %select_n3A_916 = arith.select %eq3A_914, %mul3A_378, %mul3A_377 : vector<16xi1>, vector<16xf32>
      %mul3A_917 = arith.mulf %select_n3A_915, %exp3A_360 : vector<16xf32>
      %add3A_918 = arith.addf %mul3A_917, %select_n3A_916 : vector<16xf32>
      %mul3A_919 = arith.mulf %add3A_918, %get3A_911 : vector<16xf32>
      %gt3A_920 = arith.cmpf ogt, %mul3A_919, %select_n3A_853 : vector<16xf32>
      %select_n3A_921 = arith.select %gt3A_920, %mul3A_919, %select_n3A_853 : vector<16xi1>, vector<16xf32>
      %jit3A_922 = arith.constant 31 : i32
      %broadcast_in_dim3A_923 = vector.broadcast %jit3A_922 : i32 to vector<16xi32>
      %select_n3A_924 = arith.select %gt3A_920, %broadcast_in_dim3A_923, %select_n3A_856 : vector<16xi1>, vector<16xi32>
      %max3A = arith.maximumf %select_n3A_870, %select_n3A_887 : vector<16xf32>
      %gt3A_925 = arith.cmpf ogt, %select_n3A_887, %select_n3A_870 : vector<16xf32>
      %select_n3A_926 = arith.select %gt3A_925, %select_n3A_890, %select_n3A_873 : vector<16xi1>, vector<16xi32>
      %max3A_927 = arith.maximumf %select_n3A_904, %select_n3A_921 : vector<16xf32>
      %gt3A_928 = arith.cmpf ogt, %select_n3A_921, %select_n3A_904 : vector<16xf32>
      %select_n3A_929 = arith.select %gt3A_928, %select_n3A_924, %select_n3A_907 : vector<16xi1>, vector<16xi32>
      %gt3A_930 = arith.cmpf ogt, %max3A_927, %max3A : vector<16xf32>
      %select_n3A_931 = arith.select %gt3A_930, %select_n3A_929, %select_n3A_926 : vector<16xi1>, vector<16xi32>
      %swap3A = arith.index_cast %mul3A_31 : i32 to index
      %swap3A_932 = tpu.vector_load %arg15[%swap3A] {strides = array<i32>} : memref<1024xi32, #tpu.memory_space<vmem>>, vector<16xi32>,
      tpu.vector_store %arg15[%swap3A], %select_n3A_931 {strides = array<i32>} : memref<1024xi32, #tpu.memory_space<vmem>>, vector<16xi32>,
    }
    %while3A_28 = arith.constant 1 : i32
    scf.for %while3A_29 = %while3A_26 to %while3A_22 step %while3A_28  : i32 {
      %mul3A_30 = arith.constant 16 : i32
      %mul3A_31 = arith.muli %while3A_29, %mul3A_30 : i32
      %get3A = arith.index_cast %mul3A_31 : i32 to index
      %get3A_32 = tpu.vector_load %arg11[%get3A] {strides = array<i32>} : memref<1024xi32, #tpu.memory_space<vmem>>, vector<16xi32>,
      %get3A_33 = arith.index_cast %mul3A_31 : i32 to index
      %get3A_34 = tpu.vector_load %arg12[%get3A_33] {strides = array<i32>} : memref<1024xi32, #tpu.memory_space<vmem>>, vector<16xi32>,
      %gather3A = tpu.vector_load_idx %arg13[%get3A_34] : memref<16xf32, #tpu.memory_space<vmem>>[vector<16xi32>], vector<16xf32>,
      %gather3A_35 = tpu.vector_load_idx %arg14[%get3A_34] : memref<16xf32, #tpu.memory_space<vmem>>[vector<16xi32>], vector<16xf32>,
      %mul3A_36 = vector.broadcast %while3A_17 : f32 to vector<16xf32>
      %mul3A_37 = arith.mulf %gather3A_35, %mul3A_36 : vector<16xf32>
      %sub3A = vector.broadcast %while3A_18 : f32 to vector<16xf32>
      %sub3A_38 = arith.subf %sub3A, %gather3A_35 : vector<16xf32>
      %add3A_39 = arith.addf %mul3A_37, %sub3A_38 : vector<16xf32>
      %sub3A_40 = vector.broadcast %while3A_18 : f32 to vector<16xf32>
      %sub3A_41 = arith.subf %sub3A_40, %gather3A : vector<16xf32>
      %mul3A_42 = vector.broadcast %while3A_17 : f32 to vector<16xf32>
      %mul3A_43 = arith.mulf %sub3A_41, %mul3A_42 : vector<16xf32>
      %mul3A_44 = arith.mulf %gather3A, %mul3A_37 : vector<16xf32>
      %add3A_45 = arith.addf %mul3A_44, %mul3A_43 : vector<16xf32>
      %mul3A_46 = arith.mulf %gather3A, %add3A_39 : vector<16xf32>
      %add3A_47 = arith.addf %mul3A_46, %mul3A_43 : vector<16xf32>
      %broadcast_in_dim3A = arith.constant 0.000000e+00 : f32
      %broadcast_in_dim3A_48 = vector.broadcast %broadcast_in_dim3A : f32 to vector<16xf32>
      %get3A_49 = arith.constant 0 : i64
      %get3A_50 = arith.index_cast %get3A_49 : i64 to index
      %get3A_51 = arith.index_cast %mul3A_31 : i32 to index
      %get3A_52 = tpu.vector_load %arg9[%get3A_50, %get3A_51] {strides = array<i32>} : memref<32x1024xf32, #tpu.memory_space<vmem>>, vector<16xf32>,
      %exp3A = math.exp %get3A_52 : vector<16xf32>
      %add3A_53 = arith.addf %broadcast_in_dim3A_48, %exp3A : vector<16xf32>
      %eq3A = arith.constant 0 : i32
      %eq3A_54 = vector.broadcast %eq3A : i32 to vector<16xi32>
      %eq3A_55 = arith.cmpi eq, %get3A_32, %eq3A_54 : vector<16xi32>
      %select_n3A = arith.select %eq3A_55, %exp3A, %broadcast_in_dim3A_48 : vector<16xi1>, vector<16xf32>
      %get3A_56 = arith.constant 1 : i64
      %get3A_57 = arith.index_cast %get3A_56 : i64 to index
      %get3A_58 = arith.index_cast %mul3A_31 : i32 to index
      %get3A_59 = tpu.vector_load %arg9[%get3A_57, %get3A_58] {strides = array<i32>} : memref<32x1024xf32, #tpu.memory_space<vmem>>, vector<16xf32>,
      %exp3A_60 = math.exp %get3A_59 : vector<16xf32>
      %add3A_61 = arith.addf %broadcast_in_dim3A_48, %exp3A_60 : vector<16xf32>
      %eq3A_62 = arith.constant 1 : i32
      %eq3A_63 = vector.broadcast %eq3A_62 : i32 to vector<16xi32>
      %eq3A_64 = arith.cmpi eq, %get3A_32, %eq3A_63 : vector<16xi32>
      %select_n3A_65 = arith.select %eq3A_64, %exp3A_60, %select_n3A : vector<16xi1>, vector<16xf32>
      %get3A_66 = arith.constant 2 : i64
      %get3A_67 = arith.index_cast %get3A_66 : i64 to index
      %get3A_68 = arith.index_cast %mul3A_31 : i32 to index
      %get3A_69 = tpu.vector_load %arg9[%get3A_67, %get3A_68] {strides = array<i32>} : memref<32x1024xf32, #tpu.memory_space<vmem>>, vector<16xf32>,
      %exp3A_70 = math.exp %get3A_69 : vector<16xf32>
      %add3A_71 = arith.addf %broadcast_in_dim3A_48, %exp3A_70 : vector<16xf32>
      %eq3A_72 = arith.constant 2 : i32
      %eq3A_73 = vector.broadcast %eq3A_72 : i32 to vector<16xi32>
      %eq3A_74 = arith.cmpi eq, %get3A_32, %eq3A_73 : vector<16xi32>
      %select_n3A_75 = arith.select %eq3A_74, %exp3A_70, %select_n3A_65 : vector<16xi1>, vector<16xf32>
      %get3A_76 = arith.constant 3 : i64
      %get3A_77 = arith.index_cast %get3A_76 : i64 to index
      %get3A_78 = arith.index_cast %mul3A_31 : i32 to index
      %get3A_79 = tpu.vector_load %arg9[%get3A_77, %get3A_78] {strides = array<i32>} : memref<32x1024xf32, #tpu.memory_space<vmem>>, vector<16xf32>,
      %exp3A_80 = math.exp %get3A_79 : vector<16xf32>
      %add3A_81 = arith.addf %broadcast_in_dim3A_48, %exp3A_80 : vector<16xf32>
      %eq3A_82 = arith.constant 3 : i32
      %eq3A_83 = vector.broadcast %eq3A_82 : i32 to vector<16xi32>
      %eq3A_84 = arith.cmpi eq, %get3A_32, %eq3A_83 : vector<16xi32>
      %select_n3A_85 = arith.select %eq3A_84, %exp3A_80, %select_n3A_75 : vector<16xi1>, vector<16xf32>
      %get3A_86 = arith.constant 4 : i64
      %get3A_87 = arith.index_cast %get3A_86 : i64 to index
      %get3A_88 = arith.index_cast %mul3A_31 : i32 to index
      %get3A_89 = tpu.vector_load %arg9[%get3A_87, %get3A_88] {strides = array<i32>} : memref<32x1024xf32, #tpu.memory_space<vmem>>, vector<16xf32>,
      %exp3A_90 = math.exp %get3A_89 : vector<16xf32>
      %add3A_91 = arith.addf %add3A_53, %exp3A_90 : vector<16xf32>
      %eq3A_92 = arith.constant 4 : i32
      %eq3A_93 = vector.broadcast %eq3A_92 : i32 to vector<16xi32>
      %eq3A_94 = arith.cmpi eq, %get3A_32, %eq3A_93 : vector<16xi32>
      %select_n3A_95 = arith.select %eq3A_94, %exp3A_90, %select_n3A_85 : vector<16xi1>, vector<16xf32>
      %get3A_96 = arith.constant 5 : i64
      %get3A_97 = arith.index_cast %get3A_96 : i64 to index
      %get3A_98 = arith.index_cast %mul3A_31 : i32 to index
      %get3A_99 = tpu.vector_load %arg9[%get3A_97, %get3A_98] {strides = array<i32>} : memref<32x1024xf32, #tpu.memory_space<vmem>>, vector<16xf32>,
      %exp3A_100 = math.exp %get3A_99 : vector<16xf32>
      %add3A_101 = arith.addf %add3A_61, %exp3A_100 : vector<16xf32>
      %eq3A_102 = arith.constant 5 : i32
      %eq3A_103 = vector.broadcast %eq3A_102 : i32 to vector<16xi32>
      %eq3A_104 = arith.cmpi eq, %get3A_32, %eq3A_103 : vector<16xi32>
      %select_n3A_105 = arith.select %eq3A_104, %exp3A_100, %select_n3A_95 : vector<16xi1>, vector<16xf32>
      %get3A_106 = arith.constant 6 : i64
      %get3A_107 = arith.index_cast %get3A_106 : i64 to index
      %get3A_108 = arith.index_cast %mul3A_31 : i32 to index
      %get3A_109 = tpu.vector_load %arg9[%get3A_107, %get3A_108] {strides = array<i32>} : memref<32x1024xf32, #tpu.memory_space<vmem>>, vector<16xf32>,
      %exp3A_110 = math.exp %get3A_109 : vector<16xf32>
      %add3A_111 = arith.addf %add3A_71, %exp3A_110 : vector<16xf32>
      %eq3A_112 = arith.constant 6 : i32
      %eq3A_113 = vector.broadcast %eq3A_112 : i32 to vector<16xi32>
      %eq3A_114 = arith.cmpi eq, %get3A_32, %eq3A_113 : vector<16xi32>
      %select_n3A_115 = arith.select %eq3A_114, %exp3A_110, %select_n3A_105 : vector<16xi1>, vector<16xf32>
      %get3A_116 = arith.constant 7 : i64
      %get3A_117 = arith.index_cast %get3A_116 : i64 to index
      %get3A_118 = arith.index_cast %mul3A_31 : i32 to index
      %get3A_119 = tpu.vector_load %arg9[%get3A_117, %get3A_118] {strides = array<i32>} : memref<32x1024xf32, #tpu.memory_space<vmem>>, vector<16xf32>,
      %exp3A_120 = math.exp %get3A_119 : vector<16xf32>
      %add3A_121 = arith.addf %add3A_81, %exp3A_120 : vector<16xf32>
      %eq3A_122 = arith.constant 7 : i32
      %eq3A_123 = vector.broadcast %eq3A_122 : i32 to vector<16xi32>
      %eq3A_124 = arith.cmpi eq, %get3A_32, %eq3A_123 : vector<16xi32>
      %select_n3A_125 = arith.select %eq3A_124, %exp3A_120, %select_n3A_115 : vector<16xi1>, vector<16xf32>
      %get3A_126 = arith.constant 8 : i64
      %get3A_127 = arith.index_cast %get3A_126 : i64 to index
      %get3A_128 = arith.index_cast %mul3A_31 : i32 to index
      %get3A_129 = tpu.vector_load %arg9[%get3A_127, %get3A_128] {strides = array<i32>} : memref<32x1024xf32, #tpu.memory_space<vmem>>, vector<16xf32>,
      %exp3A_130 = math.exp %get3A_129 : vector<16xf32>
      %add3A_131 = arith.addf %add3A_91, %exp3A_130 : vector<16xf32>
      %eq3A_132 = arith.constant 8 : i32
      %eq3A_133 = vector.broadcast %eq3A_132 : i32 to vector<16xi32>
      %eq3A_134 = arith.cmpi eq, %get3A_32, %eq3A_133 : vector<16xi32>
      %select_n3A_135 = arith.select %eq3A_134, %exp3A_130, %select_n3A_125 : vector<16xi1>, vector<16xf32>
      %get3A_136 = arith.constant 9 : i64
      %get3A_137 = arith.index_cast %get3A_136 : i64 to index
      %get3A_138 = arith.index_cast %mul3A_31 : i32 to index
      %get3A_139 = tpu.vector_load %arg9[%get3A_137, %get3A_138] {strides = array<i32>} : memref<32x1024xf32, #tpu.memory_space<vmem>>, vector<16xf32>,
      %exp3A_140 = math.exp %get3A_139 : vector<16xf32>
      %add3A_141 = arith.addf %add3A_101, %exp3A_140 : vector<16xf32>
      %eq3A_142 = arith.constant 9 : i32
      %eq3A_143 = vector.broadcast %eq3A_142 : i32 to vector<16xi32>
      %eq3A_144 = arith.cmpi eq, %get3A_32, %eq3A_143 : vector<16xi32>
      %select_n3A_145 = arith.select %eq3A_144, %exp3A_140, %select_n3A_135 : vector<16xi1>, vector<16xf32>
      %get3A_146 = arith.constant 10 : i64
      %get3A_147 = arith.index_cast %get3A_146 : i64 to index
      %get3A_148 = arith.index_cast %mul3A_31 : i32 to index
      %get3A_149 = tpu.vector_load %arg9[%get3A_147, %get3A_148] {strides = array<i32>} : memref<32x1024xf32, #tpu.memory_space<vmem>>, vector<16xf32>,
      %exp3A_150 = math.exp %get3A_149 : vector<16xf32>
      %add3A_151 = arith.addf %add3A_111, %exp3A_150 : vector<16xf32>
      %eq3A_152 = arith.constant 10 : i32
      %eq3A_153 = vector.broadcast %eq3A_152 : i32 to vector<16xi32>
      %eq3A_154 = arith.cmpi eq, %get3A_32, %eq3A_153 : vector<16xi32>
      %select_n3A_155 = arith.select %eq3A_154, %exp3A_150, %select_n3A_145 : vector<16xi1>, vector<16xf32>
      %get3A_156 = arith.constant 11 : i64
      %get3A_157 = arith.index_cast %get3A_156 : i64 to index
      %get3A_158 = arith.index_cast %mul3A_31 : i32 to index
      %get3A_159 = tpu.vector_load %arg9[%get3A_157, %get3A_158] {strides = array<i32>} : memref<32x1024xf32, #tpu.memory_space<vmem>>, vector<16xf32>,
      %exp3A_160 = math.exp %get3A_159 : vector<16xf32>
      %add3A_161 = arith.addf %add3A_121, %exp3A_160 : vector<16xf32>
      %eq3A_162 = arith.constant 11 : i32
      %eq3A_163 = vector.broadcast %eq3A_162 : i32 to vector<16xi32>
      %eq3A_164 = arith.cmpi eq, %get3A_32, %eq3A_163 : vector<16xi32>
      %select_n3A_165 = arith.select %eq3A_164, %exp3A_160, %select_n3A_155 : vector<16xi1>, vector<16xf32>
      %get3A_166 = arith.constant 12 : i64
      %get3A_167 = arith.index_cast %get3A_166 : i64 to index
      %get3A_168 = arith.index_cast %mul3A_31 : i32 to index
      %get3A_169 = tpu.vector_load %arg9[%get3A_167, %get3A_168] {strides = array<i32>} : memref<32x1024xf32, #tpu.memory_space<vmem>>, vector<16xf32>,
      %exp3A_170 = math.exp %get3A_169 : vector<16xf32>
      %add3A_171 = arith.addf %add3A_131, %exp3A_170 : vector<16xf32>
      %eq3A_172 = arith.constant 12 : i32
      %eq3A_173 = vector.broadcast %eq3A_172 : i32 to vector<16xi32>
      %eq3A_174 = arith.cmpi eq, %get3A_32, %eq3A_173 : vector<16xi32>
      %select_n3A_175 = arith.select %eq3A_174, %exp3A_170, %select_n3A_165 : vector<16xi1>, vector<16xf32>
      %get3A_176 = arith.constant 13 : i64
      %get3A_177 = arith.index_cast %get3A_176 : i64 to index
      %get3A_178 = arith.index_cast %mul3A_31 : i32 to index
      %get3A_179 = tpu.vector_load %arg9[%get3A_177, %get3A_178] {strides = array<i32>} : memref<32x1024xf32, #tpu.memory_space<vmem>>, vector<16xf32>,
      %exp3A_180 = math.exp %get3A_179 : vector<16xf32>
      %add3A_181 = arith.addf %add3A_141, %exp3A_180 : vector<16xf32>
      %eq3A_182 = arith.constant 13 : i32
      %eq3A_183 = vector.broadcast %eq3A_182 : i32 to vector<16xi32>
      %eq3A_184 = arith.cmpi eq, %get3A_32, %eq3A_183 : vector<16xi32>
      %select_n3A_185 = arith.select %eq3A_184, %exp3A_180, %select_n3A_175 : vector<16xi1>, vector<16xf32>
      %get3A_186 = arith.constant 14 : i64
      %get3A_187 = arith.index_cast %get3A_186 : i64 to index
      %get3A_188 = arith.index_cast %mul3A_31 : i32 to index
      %get3A_189 = tpu.vector_load %arg9[%get3A_187, %get3A_188] {strides = array<i32>} : memref<32x1024xf32, #tpu.memory_space<vmem>>, vector<16xf32>,
      %exp3A_190 = math.exp %get3A_189 : vector<16xf32>
      %add3A_191 = arith.addf %add3A_151, %exp3A_190 : vector<16xf32>
      %eq3A_192 = arith.constant 14 : i32
      %eq3A_193 = vector.broadcast %eq3A_192 : i32 to vector<16xi32>
      %eq3A_194 = arith.cmpi eq, %get3A_32, %eq3A_193 : vector<16xi32>
      %select_n3A_195 = arith.select %eq3A_194, %exp3A_190, %select_n3A_185 : vector<16xi1>, vector<16xf32>
      %get3A_196 = arith.constant 15 : i64
      %get3A_197 = arith.index_cast %get3A_196 : i64 to index
      %get3A_198 = arith.index_cast %mul3A_31 : i32 to index
      %get3A_199 = tpu.vector_load %arg9[%get3A_197, %get3A_198] {strides = array<i32>} : memref<32x1024xf32, #tpu.memory_space<vmem>>, vector<16xf32>,
      %exp3A_200 = math.exp %get3A_199 : vector<16xf32>
      %add3A_201 = arith.addf %add3A_161, %exp3A_200 : vector<16xf32>
      %eq3A_202 = arith.constant 15 : i32
      %eq3A_203 = vector.broadcast %eq3A_202 : i32 to vector<16xi32>
      %eq3A_204 = arith.cmpi eq, %get3A_32, %eq3A_203 : vector<16xi32>
      %select_n3A_205 = arith.select %eq3A_204, %exp3A_200, %select_n3A_195 : vector<16xi1>, vector<16xf32>
      %get3A_206 = arith.constant 16 : i64
      %get3A_207 = arith.index_cast %get3A_206 : i64 to index
      %get3A_208 = arith.index_cast %mul3A_31 : i32 to index
      %get3A_209 = tpu.vector_load %arg9[%get3A_207, %get3A_208] {strides = array<i32>} : memref<32x1024xf32, #tpu.memory_space<vmem>>, vector<16xf32>,
      %exp3A_210 = math.exp %get3A_209 : vector<16xf32>
      %add3A_211 = arith.addf %add3A_171, %exp3A_210 : vector<16xf32>
      %eq3A_212 = arith.constant 16 : i32
      %eq3A_213 = vector.broadcast %eq3A_212 : i32 to vector<16xi32>
      %eq3A_214 = arith.cmpi eq, %get3A_32, %eq3A_213 : vector<16xi32>
      %select_n3A_215 = arith.select %eq3A_214, %exp3A_210, %select_n3A_205 : vector<16xi1>, vector<16xf32>
      %get3A_216 = arith.constant 17 : i64
      %get3A_217 = arith.index_cast %get3A_216 : i64 to index
      %get3A_218 = arith.index_cast %mul3A_31 : i32 to index
      %get3A_219 = tpu.vector_load %arg9[%get3A_217, %get3A_218] {strides = array<i32>} : memref<32x1024xf32, #tpu.memory_space<vmem>>, vector<16xf32>,
      %exp3A_220 = math.exp %get3A_219 : vector<16xf32>
      %add3A_221 = arith.addf %add3A_181, %exp3A_220 : vector<16xf32>
      %eq3A_222 = arith.constant 17 : i32
      %eq3A_223 = vector.broadcast %eq3A_222 : i32 to vector<16xi32>
      %eq3A_224 = arith.cmpi eq, %get3A_32, %eq3A_223 : vector<16xi32>
      %select_n3A_225 = arith.select %eq3A_224, %exp3A_220, %select_n3A_215 : vector<16xi1>, vector<16xf32>
      %get3A_226 = arith.constant 18 : i64
      %get3A_227 = arith.index_cast %get3A_226 : i64 to index
      %get3A_228 = arith.index_cast %mul3A_31 : i32 to index
      %get3A_229 = tpu.vector_load %arg9[%get3A_227, %get3A_228] {strides = array<i32>} : memref<32x1024xf32, #tpu.memory_space<vmem>>, vector<16xf32>,
      %exp3A_230 = math.exp %get3A_229 : vector<16xf32>
      %add3A_231 = arith.addf %add3A_191, %exp3A_230 : vector<16xf32>
      %eq3A_232 = arith.constant 18 : i32
      %eq3A_233 = vector.broadcast %eq3A_232 : i32 to vector<16xi32>
      %eq3A_234 = arith.cmpi eq, %get3A_32, %eq3A_233 : vector<16xi32>
      %select_n3A_235 = arith.select %eq3A_234, %exp3A_230, %select_n3A_225 : vector<16xi1>, vector<16xf32>
      %get3A_236 = arith.constant 19 : i64
      %get3A_237 = arith.index_cast %get3A_236 : i64 to index
      %get3A_238 = arith.index_cast %mul3A_31 : i32 to index
      %get3A_239 = tpu.vector_load %arg9[%get3A_237, %get3A_238] {strides = array<i32>} : memref<32x1024xf32, #tpu.memory_space<vmem>>, vector<16xf32>,
      %exp3A_240 = math.exp %get3A_239 : vector<16xf32>
      %add3A_241 = arith.addf %add3A_201, %exp3A_240 : vector<16xf32>
      %eq3A_242 = arith.constant 19 : i32
      %eq3A_243 = vector.broadcast %eq3A_242 : i32 to vector<16xi32>
      %eq3A_244 = arith.cmpi eq, %get3A_32, %eq3A_243 : vector<16xi32>
      %select_n3A_245 = arith.select %eq3A_244, %exp3A_240, %select_n3A_235 : vector<16xi1>, vector<16xf32>
      %get3A_246 = arith.constant 20 : i64
      %get3A_247 = arith.index_cast %get3A_246 : i64 to index
      %get3A_248 = arith.index_cast %mul3A_31 : i32 to index
      %get3A_249 = tpu.vector_load %arg9[%get3A_247, %get3A_248] {strides = array<i32>} : memref<32x1024xf32, #tpu.memory_space<vmem>>, vector<16xf32>,
      %exp3A_250 = math.exp %get3A_249 : vector<16xf32>
      %add3A_251 = arith.addf %add3A_211, %exp3A_250 : vector<16xf32>
      %eq3A_252 = arith.constant 20 : i32
      %eq3A_253 = vector.broadcast %eq3A_252 : i32 to vector<16xi32>
      %eq3A_254 = arith.cmpi eq, %get3A_32, %eq3A_253 : vector<16xi32>
      %select_n3A_255 = arith.select %eq3A_254, %exp3A_250, %select_n3A_245 : vector<16xi1>, vector<16xf32>
      %get3A_256 = arith.constant 21 : i64
      %get3A_257 = arith.index_cast %get3A_256 : i64 to index
      %get3A_258 = arith.index_cast %mul3A_31 : i32 to index
      %get3A_259 = tpu.vector_load %arg9[%get3A_257, %get3A_258] {strides = array<i32>} : memref<32x1024xf32, #tpu.memory_space<vmem>>, vector<16xf32>,
      %exp3A_260 = math.exp %get3A_259 : vector<16xf32>
      %add3A_261 = arith.addf %add3A_221, %exp3A_260 : vector<16xf32>
      %eq3A_262 = arith.constant 21 : i32
      %eq3A_263 = vector.broadcast %eq3A_262 : i32 to vector<16xi32>
      %eq3A_264 = arith.cmpi eq, %get3A_32, %eq3A_263 : vector<16xi32>
      %select_n3A_265 = arith.select %eq3A_264, %exp3A_260, %select_n3A_255 : vector<16xi1>, vector<16xf32>
      %get3A_266 = arith.constant 22 : i64
      %get3A_267 = arith.index_cast %get3A_266 : i64 to index
      %get3A_268 = arith.index_cast %mul3A_31 : i32 to index
      %get3A_269 = tpu.vector_load %arg9[%get3A_267, %get3A_268] {strides = array<i32>} : memref<32x1024xf32, #tpu.memory_space<vmem>>, vector<16xf32>,
      %exp3A_270 = math.exp %get3A_269 : vector<16xf32>
      %add3A_271 = arith.addf %add3A_231, %exp3A_270 : vector<16xf32>
      %eq3A_272 = arith.constant 22 : i32
      %eq3A_273 = vector.broadcast %eq3A_272 : i32 to vector<16xi32>
      %eq3A_274 = arith.cmpi eq, %get3A_32, %eq3A_273 : vector<16xi32>
      %select_n3A_275 = arith.select %eq3A_274, %exp3A_270, %select_n3A_265 : vector<16xi1>, vector<16xf32>
      %get3A_276 = arith.constant 23 : i64
      %get3A_277 = arith.index_cast %get3A_276 : i64 to index
      %get3A_278 = arith.index_cast %mul3A_31 : i32 to index
      %get3A_279 = tpu.vector_load %arg9[%get3A_277, %get3A_278] {strides = array<i32>} : memref<32x1024xf32, #tpu.memory_space<vmem>>, vector<16xf32>,
      %exp3A_280 = math.exp %get3A_279 : vector<16xf32>
      %add3A_281 = arith.addf %add3A_241, %exp3A_280 : vector<16xf32>
      %eq3A_282 = arith.constant 23 : i32
      %eq3A_283 = vector.broadcast %eq3A_282 : i32 to vector<16xi32>
      %eq3A_284 = arith.cmpi eq, %get3A_32, %eq3A_283 : vector<16xi32>
      %select_n3A_285 = arith.select %eq3A_284, %exp3A_280, %select_n3A_275 : vector<16xi1>, vector<16xf32>
      %get3A_286 = arith.constant 24 : i64
      %get3A_287 = arith.index_cast %get3A_286 : i64 to index
      %get3A_288 = arith.index_cast %mul3A_31 : i32 to index
      %get3A_289 = tpu.vector_load %arg9[%get3A_287, %get3A_288] {strides = array<i32>} : memref<32x1024xf32, #tpu.memory_space<vmem>>, vector<16xf32>,
      %exp3A_290 = math.exp %get3A_289 : vector<16xf32>
      %add3A_291 = arith.addf %add3A_251, %exp3A_290 : vector<16xf32>
      %eq3A_292 = arith.constant 24 : i32
      %eq3A_293 = vector.broadcast %eq3A_292 : i32 to vector<16xi32>
      %eq3A_294 = arith.cmpi eq, %get3A_32, %eq3A_293 : vector<16xi32>
      %select_n3A_295 = arith.select %eq3A_294, %exp3A_290, %select_n3A_285 : vector<16xi1>, vector<16xf32>
      %get3A_296 = arith.constant 25 : i64
      %get3A_297 = arith.index_cast %get3A_296 : i64 to index
      %get3A_298 = arith.index_cast %mul3A_31 : i32 to index
      %get3A_299 = tpu.vector_load %arg9[%get3A_297, %get3A_298] {strides = array<i32>} : memref<32x1024xf32, #tpu.memory_space<vmem>>, vector<16xf32>,
      %exp3A_300 = math.exp %get3A_299 : vector<16xf32>
      %add3A_301 = arith.addf %add3A_261, %exp3A_300 : vector<16xf32>
      %eq3A_302 = arith.constant 25 : i32
      %eq3A_303 = vector.broadcast %eq3A_302 : i32 to vector<16xi32>
      %eq3A_304 = arith.cmpi eq, %get3A_32, %eq3A_303 : vector<16xi32>
      %select_n3A_305 = arith.select %eq3A_304, %exp3A_300, %select_n3A_295 : vector<16xi1>, vector<16xf32>
      %get3A_306 = arith.constant 26 : i64
      %get3A_307 = arith.index_cast %get3A_306 : i64 to index
      %get3A_308 = arith.index_cast %mul3A_31 : i32 to index
      %get3A_309 = tpu.vector_load %arg9[%get3A_307, %get3A_308] {strides = array<i32>} : memref<32x1024xf32, #tpu.memory_space<vmem>>, vector<16xf32>,
      %exp3A_310 = math.exp %get3A_309 : vector<16xf32>
      %add3A_311 = arith.addf %add3A_271, %exp3A_310 : vector<16xf32>
      %eq3A_312 = arith.constant 26 : i32
      %eq3A_313 = vector.broadcast %eq3A_312 : i32 to vector<16xi32>
      %eq3A_314 = arith.cmpi eq, %get3A_32, %eq3A_313 : vector<16xi32>
      %select_n3A_315 = arith.select %eq3A_314, %exp3A_310, %select_n3A_305 : vector<16xi1>, vector<16xf32>
      %get3A_316 = arith.constant 27 : i64
      %get3A_317 = arith.index_cast %get3A_316 : i64 to index
      %get3A_318 = arith.index_cast %mul3A_31 : i32 to index
      %get3A_319 = tpu.vector_load %arg9[%get3A_317, %get3A_318] {strides = array<i32>} : memref<32x1024xf32, #tpu.memory_space<vmem>>, vector<16xf32>,
      %exp3A_320 = math.exp %get3A_319 : vector<16xf32>
      %add3A_321 = arith.addf %add3A_281, %exp3A_320 : vector<16xf32>
      %eq3A_322 = arith.constant 27 : i32
      %eq3A_323 = vector.broadcast %eq3A_322 : i32 to vector<16xi32>
      %eq3A_324 = arith.cmpi eq, %get3A_32, %eq3A_323 : vector<16xi32>
      %select_n3A_325 = arith.select %eq3A_324, %exp3A_320, %select_n3A_315 : vector<16xi1>, vector<16xf32>
      %get3A_326 = arith.constant 28 : i64
      %get3A_327 = arith.index_cast %get3A_326 : i64 to index
      %get3A_328 = arith.index_cast %mul3A_31 : i32 to index
      %get3A_329 = tpu.vector_load %arg9[%get3A_327, %get3A_328] {strides = array<i32>} : memref<32x1024xf32, #tpu.memory_space<vmem>>, vector<16xf32>,
      %exp3A_330 = math.exp %get3A_329 : vector<16xf32>
      %add3A_331 = arith.addf %add3A_291, %exp3A_330 : vector<16xf32>
      %eq3A_332 = arith.constant 28 : i32
      %eq3A_333 = vector.broadcast %eq3A_332 : i32 to vector<16xi32>
      %eq3A_334 = arith.cmpi eq, %get3A_32, %eq3A_333 : vector<16xi32>
      %select_n3A_335 = arith.select %eq3A_334, %exp3A_330, %select_n3A_325 : vector<16xi1>, vector<16xf32>
      %get3A_336 = arith.constant 29 : i64
      %get3A_337 = arith.index_cast %get3A_336 : i64 to index
      %get3A_338 = arith.index_cast %mul3A_31 : i32 to index
      %get3A_339 = tpu.vector_load %arg9[%get3A_337, %get3A_338] {strides = array<i32>} : memref<32x1024xf32, #tpu.memory_space<vmem>>, vector<16xf32>,
      %exp3A_340 = math.exp %get3A_339 : vector<16xf32>
      %add3A_341 = arith.addf %add3A_301, %exp3A_340 : vector<16xf32>
      %eq3A_342 = arith.constant 29 : i32
      %eq3A_343 = vector.broadcast %eq3A_342 : i32 to vector<16xi32>
      %eq3A_344 = arith.cmpi eq, %get3A_32, %eq3A_343 : vector<16xi32>
      %select_n3A_345 = arith.select %eq3A_344, %exp3A_340, %select_n3A_335 : vector<16xi1>, vector<16xf32>
      %get3A_346 = arith.constant 30 : i64
      %get3A_347 = arith.index_cast %get3A_346 : i64 to index
      %get3A_348 = arith.index_cast %mul3A_31 : i32 to index
      %get3A_349 = tpu.vector_load %arg9[%get3A_347, %get3A_348] {strides = array<i32>} : memref<32x1024xf32, #tpu.memory_space<vmem>>, vector<16xf32>,
      %exp3A_350 = math.exp %get3A_349 : vector<16xf32>
      %add3A_351 = arith.addf %add3A_311, %exp3A_350 : vector<16xf32>
      %eq3A_352 = arith.constant 30 : i32
      %eq3A_353 = vector.broadcast %eq3A_352 : i32 to vector<16xi32>
      %eq3A_354 = arith.cmpi eq, %get3A_32, %eq3A_353 : vector<16xi32>
      %select_n3A_355 = arith.select %eq3A_354, %exp3A_350, %select_n3A_345 : vector<16xi1>, vector<16xf32>
      %get3A_356 = arith.constant 31 : i64
      %get3A_357 = arith.index_cast %get3A_356 : i64 to index
      %get3A_358 = arith.index_cast %mul3A_31 : i32 to index
      %get3A_359 = tpu.vector_load %arg9[%get3A_357, %get3A_358] {strides = array<i32>} : memref<32x1024xf32, #tpu.memory_space<vmem>>, vector<16xf32>,
      %exp3A_360 = math.exp %get3A_359 : vector<16xf32>
      %add3A_361 = arith.addf %add3A_321, %exp3A_360 : vector<16xf32>
      %eq3A_362 = arith.constant 31 : i32
      %eq3A_363 = vector.broadcast %eq3A_362 : i32 to vector<16xi32>
      %eq3A_364 = arith.cmpi eq, %get3A_32, %eq3A_363 : vector<16xi32>
      %select_n3A_365 = arith.select %eq3A_364, %exp3A_360, %select_n3A_355 : vector<16xi1>, vector<16xf32>
      %add3A_366 = arith.addf %add3A_331, %add3A_341 : vector<16xf32>
      %add3A_367 = arith.addf %add3A_351, %add3A_361 : vector<16xf32>
      %add3A_368 = arith.addf %add3A_366, %add3A_367 : vector<16xf32>
      %sub3A_369 = arith.subf %add3A_368, %select_n3A_365 : vector<16xf32>
      %div3A = arith.divf %sub3A_369, %add3A_45 : vector<16xf32>
      %div3A_370 = arith.divf %select_n3A_365, %add3A_47 : vector<16xf32>
      %add3A_371 = arith.addf %div3A, %div3A_370 : vector<16xf32>
      %mul3A_372 = arith.mulf %mul3A_37, %gather3A : vector<16xf32>
      %div3A_373 = arith.divf %mul3A_372, %add3A_45 : vector<16xf32>
      %mul3A_374 = arith.mulf %add3A_39, %gather3A : vector<16xf32>
      %div3A_375 = arith.divf %mul3A_374, %add3A_47 : vector<16xf32>
      %mul3A_376 = arith.mulf %mul3A_43, %add3A_371 : vector<16xf32>
      %mul3A_377 = arith.mulf %mul3A_37, %mul3A_376 : vector<16xf32>
      %mul3A_378 = arith.mulf %add3A_39, %mul3A_376 : vector<16xf32>
      %broadcast_in_dim3A_379 = arith.constant -1.000000e+00 : f32
      %broadcast_in_dim3A_380 = vector.broadcast %broadcast_in_dim3A_379 : f32 to vector<16xf32>
      %broadcast_in_dim3A_381 = arith.constant 0 : i32
      %broadcast_in_dim3A_382 = vector.broadcast %broadcast_in_dim3A_381 : i32 to vector<16xi32>
      %get3A_383 = arith.constant 0 : i64
      %get3A_384 = arith.index_cast %get3A_383 : i64 to index
      %get3A_385 = arith.index_cast %mul3A_31 : i32 to index
      %get3A_386 = tpu.vector_load %arg10[%get3A_384, %get3A_385] {strides = array<i32>} : memref<32x1024xf32, #tpu.memory_space<vmem>>, vector<16xf32>,
      %eq3A_387 = arith.constant 0 : i32
      %eq3A_388 = vector.broadcast %eq3A_387 : i32 to vector<16xi32>
      %eq3A_389 = arith.cmpi eq, %get3A_32, %eq3A_388 : vector<16xi32>
      %select_n3A_390 = arith.select %eq3A_389, %div3A_375, %div3A_373 : vector<16xi1>, vector<16xf32>
      %select_n3A_391 = arith.select %eq3A_389, %mul3A_378, %mul3A_377 : vector<16xi1>, vector<16xf32>
      %mul3A_392 = arith.mulf %select_n3A_390, %exp3A : vector<16xf32>
      %add3A_393 = arith.addf %mul3A_392, %select_n3A_391 : vector<16xf32>
      %mul3A_394 = arith.mulf %add3A_393, %get3A_386 : vector<16xf32>
      %gt3A = arith.cmpf ogt, %mul3A_394, %broadcast_in_dim3A_380 : vector<16xf32>
      %select_n3A_395 = arith.select %gt3A, %mul3A_394, %broadcast_in_dim3A_380 : vector<16xi1>, vector<16xf32>
      %jit3A = arith.constant 0 : i32
      %broadcast_in_dim3A_396 = vector.broadcast %jit3A : i32 to vector<16xi32>
      %select_n3A_397 = arith.select %gt3A, %broadcast_in_dim3A_396, %broadcast_in_dim3A_382 : vector<16xi1>, vector<16xi32>
      %get3A_398 = arith.constant 1 : i64
      %get3A_399 = arith.index_cast %get3A_398 : i64 to index
      %get3A_400 = arith.index_cast %mul3A_31 : i32 to index
      %get3A_401 = tpu.vector_load %arg10[%get3A_399, %get3A_400] {strides = array<i32>} : memref<32x1024xf32, #tpu.memory_space<vmem>>, vector<16xf32>,
      %eq3A_402 = arith.constant 1 : i32
      %eq3A_403 = vector.broadcast %eq3A_402 : i32 to vector<16xi32>
      %eq3A_404 = arith.cmpi eq, %get3A_32, %eq3A_403 : vector<16xi32>
      %select_n3A_405 = arith.select %eq3A_404, %div3A_375, %div3A_373 : vector<16xi1>, vector<16xf32>
      %select_n3A_406 = arith.select %eq3A_404, %mul3A_378, %mul3A_377 : vector<16xi1>, vector<16xf32>
      %mul3A_407 = arith.mulf %select_n3A_405, %exp3A_60 : vector<16xf32>
      %add3A_408 = arith.addf %mul3A_407, %select_n3A_406 : vector<16xf32>
      %mul3A_409 = arith.mulf %add3A_408, %get3A_401 : vector<16xf32>
      %gt3A_410 = arith.cmpf ogt, %mul3A_409, %broadcast_in_dim3A_380 : vector<16xf32>
      %select_n3A_411 = arith.select %gt3A_410, %mul3A_409, %broadcast_in_dim3A_380 : vector<16xi1>, vector<16xf32>
      %jit3A_412 = arith.constant 1 : i32
      %broadcast_in_dim3A_413 = vector.broadcast %jit3A_412 : i32 to vector<16xi32>
      %select_n3A_414 = arith.select %gt3A_410, %broadcast_in_dim3A_413, %broadcast_in_dim3A_382 : vector<16xi1>, vector<16xi32>
      %get3A_415 = arith.constant 2 : i64
      %get3A_416 = arith.index_cast %get3A_415 : i64 to index
      %get3A_417 = arith.index_cast %mul3A_31 : i32 to index
      %get3A_418 = tpu.vector_load %arg10[%get3A_416, %get3A_417] {strides = array<i32>} : memref<32x1024xf32, #tpu.memory_space<vmem>>, vector<16xf32>,
      %eq3A_419 = arith.constant 2 : i32
      %eq3A_420 = vector.broadcast %eq3A_419 : i32 to vector<16xi32>
      %eq3A_421 = arith.cmpi eq, %get3A_32, %eq3A_420 : vector<16xi32>
      %select_n3A_422 = arith.select %eq3A_421, %div3A_375, %div3A_373 : vector<16xi1>, vector<16xf32>
      %select_n3A_423 = arith.select %eq3A_421, %mul3A_378, %mul3A_377 : vector<16xi1>, vector<16xf32>
      %mul3A_424 = arith.mulf %select_n3A_422, %exp3A_70 : vector<16xf32>
      %add3A_425 = arith.addf %mul3A_424, %select_n3A_423 : vector<16xf32>
      %mul3A_426 = arith.mulf %add3A_425, %get3A_418 : vector<16xf32>
      %gt3A_427 = arith.cmpf ogt, %mul3A_426, %broadcast_in_dim3A_380 : vector<16xf32>
      %select_n3A_428 = arith.select %gt3A_427, %mul3A_426, %broadcast_in_dim3A_380 : vector<16xi1>, vector<16xf32>
      %jit3A_429 = arith.constant 2 : i32
      %broadcast_in_dim3A_430 = vector.broadcast %jit3A_429 : i32 to vector<16xi32>
      %select_n3A_431 = arith.select %gt3A_427, %broadcast_in_dim3A_430, %broadcast_in_dim3A_382 : vector<16xi1>, vector<16xi32>
      %get3A_432 = arith.constant 3 : i64
      %get3A_433 = arith.index_cast %get3A_432 : i64 to index
      %get3A_434 = arith.index_cast %mul3A_31 : i32 to index
      %get3A_435 = tpu.vector_load %arg10[%get3A_433, %get3A_434] {strides = array<i32>} : memref<32x1024xf32, #tpu.memory_space<vmem>>, vector<16xf32>,
      %eq3A_436 = arith.constant 3 : i32
      %eq3A_437 = vector.broadcast %eq3A_436 : i32 to vector<16xi32>
      %eq3A_438 = arith.cmpi eq, %get3A_32, %eq3A_437 : vector<16xi32>
      %select_n3A_439 = arith.select %eq3A_438, %div3A_375, %div3A_373 : vector<16xi1>, vector<16xf32>
      %select_n3A_440 = arith.select %eq3A_438, %mul3A_378, %mul3A_377 : vector<16xi1>, vector<16xf32>
      %mul3A_441 = arith.mulf %select_n3A_439, %exp3A_80 : vector<16xf32>
      %add3A_442 = arith.addf %mul3A_441, %select_n3A_440 : vector<16xf32>
      %mul3A_443 = arith.mulf %add3A_442, %get3A_435 : vector<16xf32>
      %gt3A_444 = arith.cmpf ogt, %mul3A_443, %broadcast_in_dim3A_380 : vector<16xf32>
      %select_n3A_445 = arith.select %gt3A_444, %mul3A_443, %broadcast_in_dim3A_380 : vector<16xi1>, vector<16xf32>
      %jit3A_446 = arith.constant 3 : i32
      %broadcast_in_dim3A_447 = vector.broadcast %jit3A_446 : i32 to vector<16xi32>
      %select_n3A_448 = arith.select %gt3A_444, %broadcast_in_dim3A_447, %broadcast_in_dim3A_382 : vector<16xi1>, vector<16xi32>
      %get3A_449 = arith.constant 4 : i64
      %get3A_450 = arith.index_cast %get3A_449 : i64 to index
      %get3A_451 = arith.index_cast %mul3A_31 : i32 to index
      %get3A_452 = tpu.vector_load %arg10[%get3A_450, %get3A_451] {strides = array<i32>} : memref<32x1024xf32, #tpu.memory_space<vmem>>, vector<16xf32>,
      %eq3A_453 = arith.constant 4 : i32
      %eq3A_454 = vector.broadcast %eq3A_453 : i32 to vector<16xi32>
      %eq3A_455 = arith.cmpi eq, %get3A_32, %eq3A_454 : vector<16xi32>
      %select_n3A_456 = arith.select %eq3A_455, %div3A_375, %div3A_373 : vector<16xi1>, vector<16xf32>
      %select_n3A_457 = arith.select %eq3A_455, %mul3A_378, %mul3A_377 : vector<16xi1>, vector<16xf32>
      %mul3A_458 = arith.mulf %select_n3A_456, %exp3A_90 : vector<16xf32>
      %add3A_459 = arith.addf %mul3A_458, %select_n3A_457 : vector<16xf32>
      %mul3A_460 = arith.mulf %add3A_459, %get3A_452 : vector<16xf32>
      %gt3A_461 = arith.cmpf ogt, %mul3A_460, %select_n3A_395 : vector<16xf32>
      %select_n3A_462 = arith.select %gt3A_461, %mul3A_460, %select_n3A_395 : vector<16xi1>, vector<16xf32>
      %jit3A_463 = arith.constant 4 : i32
      %broadcast_in_dim3A_464 = vector.broadcast %jit3A_463 : i32 to vector<16xi32>
      %select_n3A_465 = arith.select %gt3A_461, %broadcast_in_dim3A_464, %select_n3A_397 : vector<16xi1>, vector<16xi32>
      %get3A_466 = arith.constant 5 : i64
      %get3A_467 = arith.index_cast %get3A_466 : i64 to index
      %get3A_468 = arith.index_cast %mul3A_31 : i32 to index
      %get3A_469 = tpu.vector_load %arg10[%get3A_467, %get3A_468] {strides = array<i32>} : memref<32x1024xf32, #tpu.memory_space<vmem>>, vector<16xf32>,
      %eq3A_470 = arith.constant 5 : i32
      %eq3A_471 = vector.broadcast %eq3A_470 : i32 to vector<16xi32>
      %eq3A_472 = arith.cmpi eq, %get3A_32, %eq3A_471 : vector<16xi32>
      %select_n3A_473 = arith.select %eq3A_472, %div3A_375, %div3A_373 : vector<16xi1>, vector<16xf32>
      %select_n3A_474 = arith.select %eq3A_472, %mul3A_378, %mul3A_377 : vector<16xi1>, vector<16xf32>
      %mul3A_475 = arith.mulf %select_n3A_473, %exp3A_100 : vector<16xf32>
      %add3A_476 = arith.addf %mul3A_475, %select_n3A_474 : vector<16xf32>
      %mul3A_477 = arith.mulf %add3A_476, %get3A_469 : vector<16xf32>
      %gt3A_478 = arith.cmpf ogt, %mul3A_477, %select_n3A_411 : vector<16xf32>
      %select_n3A_479 = arith.select %gt3A_478, %mul3A_477, %select_n3A_411 : vector<16xi1>, vector<16xf32>
      %jit3A_480 = arith.constant 5 : i32
      %broadcast_in_dim3A_481 = vector.broadcast %jit3A_480 : i32 to vector<16xi32>
      %select_n3A_482 = arith.select %gt3A_478, %broadcast_in_dim3A_481, %select_n3A_414 : vector<16xi1>, vector<16xi32>
      %get3A_483 = arith.constant 6 : i64
      %get3A_484 = arith.index_cast %get3A_483 : i64 to index
      %get3A_485 = arith.index_cast %mul3A_31 : i32 to index
      %get3A_486 = tpu.vector_load %arg10[%get3A_484, %get3A_485] {strides = array<i32>} : memref<32x1024xf32, #tpu.memory_space<vmem>>, vector<16xf32>,
      %eq3A_487 = arith.constant 6 : i32
      %eq3A_488 = vector.broadcast %eq3A_487 : i32 to vector<16xi32>
      %eq3A_489 = arith.cmpi eq, %get3A_32, %eq3A_488 : vector<16xi32>
      %select_n3A_490 = arith.select %eq3A_489, %div3A_375, %div3A_373 : vector<16xi1>, vector<16xf32>
      %select_n3A_491 = arith.select %eq3A_489, %mul3A_378, %mul3A_377 : vector<16xi1>, vector<16xf32>
      %mul3A_492 = arith.mulf %select_n3A_490, %exp3A_110 : vector<16xf32>
      %add3A_493 = arith.addf %mul3A_492, %select_n3A_491 : vector<16xf32>
      %mul3A_494 = arith.mulf %add3A_493, %get3A_486 : vector<16xf32>
      %gt3A_495 = arith.cmpf ogt, %mul3A_494, %select_n3A_428 : vector<16xf32>
      %select_n3A_496 = arith.select %gt3A_495, %mul3A_494, %select_n3A_428 : vector<16xi1>, vector<16xf32>
      %jit3A_497 = arith.constant 6 : i32
      %broadcast_in_dim3A_498 = vector.broadcast %jit3A_497 : i32 to vector<16xi32>
      %select_n3A_499 = arith.select %gt3A_495, %broadcast_in_dim3A_498, %select_n3A_431 : vector<16xi1>, vector<16xi32>
      %get3A_500 = arith.constant 7 : i64
      %get3A_501 = arith.index_cast %get3A_500 : i64 to index
      %get3A_502 = arith.index_cast %mul3A_31 : i32 to index
      %get3A_503 = tpu.vector_load %arg10[%get3A_501, %get3A_502] {strides = array<i32>} : memref<32x1024xf32, #tpu.memory_space<vmem>>, vector<16xf32>,
      %eq3A_504 = arith.constant 7 : i32
      %eq3A_505 = vector.broadcast %eq3A_504 : i32 to vector<16xi32>
      %eq3A_506 = arith.cmpi eq, %get3A_32, %eq3A_505 : vector<16xi32>
      %select_n3A_507 = arith.select %eq3A_506, %div3A_375, %div3A_373 : vector<16xi1>, vector<16xf32>
      %select_n3A_508 = arith.select %eq3A_506, %mul3A_378, %mul3A_377 : vector<16xi1>, vector<16xf32>
      %mul3A_509 = arith.mulf %select_n3A_507, %exp3A_120 : vector<16xf32>
      %add3A_510 = arith.addf %mul3A_509, %select_n3A_508 : vector<16xf32>
      %mul3A_511 = arith.mulf %add3A_510, %get3A_503 : vector<16xf32>
      %gt3A_512 = arith.cmpf ogt, %mul3A_511, %select_n3A_445 : vector<16xf32>
      %select_n3A_513 = arith.select %gt3A_512, %mul3A_511, %select_n3A_445 : vector<16xi1>, vector<16xf32>
      %jit3A_514 = arith.constant 7 : i32
      %broadcast_in_dim3A_515 = vector.broadcast %jit3A_514 : i32 to vector<16xi32>
      %select_n3A_516 = arith.select %gt3A_512, %broadcast_in_dim3A_515, %select_n3A_448 : vector<16xi1>, vector<16xi32>
      %get3A_517 = arith.constant 8 : i64
      %get3A_518 = arith.index_cast %get3A_517 : i64 to index
      %get3A_519 = arith.index_cast %mul3A_31 : i32 to index
      %get3A_520 = tpu.vector_load %arg10[%get3A_518, %get3A_519] {strides = array<i32>} : memref<32x1024xf32, #tpu.memory_space<vmem>>, vector<16xf32>,
      %eq3A_521 = arith.constant 8 : i32
      %eq3A_522 = vector.broadcast %eq3A_521 : i32 to vector<16xi32>
      %eq3A_523 = arith.cmpi eq, %get3A_32, %eq3A_522 : vector<16xi32>
      %select_n3A_524 = arith.select %eq3A_523, %div3A_375, %div3A_373 : vector<16xi1>, vector<16xf32>
      %select_n3A_525 = arith.select %eq3A_523, %mul3A_378, %mul3A_377 : vector<16xi1>, vector<16xf32>
      %mul3A_526 = arith.mulf %select_n3A_524, %exp3A_130 : vector<16xf32>
      %add3A_527 = arith.addf %mul3A_526, %select_n3A_525 : vector<16xf32>
      %mul3A_528 = arith.mulf %add3A_527, %get3A_520 : vector<16xf32>
      %gt3A_529 = arith.cmpf ogt, %mul3A_528, %select_n3A_462 : vector<16xf32>
      %select_n3A_530 = arith.select %gt3A_529, %mul3A_528, %select_n3A_462 : vector<16xi1>, vector<16xf32>
      %jit3A_531 = arith.constant 8 : i32
      %broadcast_in_dim3A_532 = vector.broadcast %jit3A_531 : i32 to vector<16xi32>
      %select_n3A_533 = arith.select %gt3A_529, %broadcast_in_dim3A_532, %select_n3A_465 : vector<16xi1>, vector<16xi32>
      %get3A_534 = arith.constant 9 : i64
      %get3A_535 = arith.index_cast %get3A_534 : i64 to index
      %get3A_536 = arith.index_cast %mul3A_31 : i32 to index
      %get3A_537 = tpu.vector_load %arg10[%get3A_535, %get3A_536] {strides = array<i32>} : memref<32x1024xf32, #tpu.memory_space<vmem>>, vector<16xf32>,
      %eq3A_538 = arith.constant 9 : i32
      %eq3A_539 = vector.broadcast %eq3A_538 : i32 to vector<16xi32>
      %eq3A_540 = arith.cmpi eq, %get3A_32, %eq3A_539 : vector<16xi32>
      %select_n3A_541 = arith.select %eq3A_540, %div3A_375, %div3A_373 : vector<16xi1>, vector<16xf32>
      %select_n3A_542 = arith.select %eq3A_540, %mul3A_378, %mul3A_377 : vector<16xi1>, vector<16xf32>
      %mul3A_543 = arith.mulf %select_n3A_541, %exp3A_140 : vector<16xf32>
      %add3A_544 = arith.addf %mul3A_543, %select_n3A_542 : vector<16xf32>
      %mul3A_545 = arith.mulf %add3A_544, %get3A_537 : vector<16xf32>
      %gt3A_546 = arith.cmpf ogt, %mul3A_545, %select_n3A_479 : vector<16xf32>
      %select_n3A_547 = arith.select %gt3A_546, %mul3A_545, %select_n3A_479 : vector<16xi1>, vector<16xf32>
      %jit3A_548 = arith.constant 9 : i32
      %broadcast_in_dim3A_549 = vector.broadcast %jit3A_548 : i32 to vector<16xi32>
      %select_n3A_550 = arith.select %gt3A_546, %broadcast_in_dim3A_549, %select_n3A_482 : vector<16xi1>, vector<16xi32>
      %get3A_551 = arith.constant 10 : i64
      %get3A_552 = arith.index_cast %get3A_551 : i64 to index
      %get3A_553 = arith.index_cast %mul3A_31 : i32 to index
      %get3A_554 = tpu.vector_load %arg10[%get3A_552, %get3A_553] {strides = array<i32>} : memref<32x1024xf32, #tpu.memory_space<vmem>>, vector<16xf32>,
      %eq3A_555 = arith.constant 10 : i32
      %eq3A_556 = vector.broadcast %eq3A_555 : i32 to vector<16xi32>
      %eq3A_557 = arith.cmpi eq, %get3A_32, %eq3A_556 : vector<16xi32>
      %select_n3A_558 = arith.select %eq3A_557, %div3A_375, %div3A_373 : vector<16xi1>, vector<16xf32>
      %select_n3A_559 = arith.select %eq3A_557, %mul3A_378, %mul3A_377 : vector<16xi1>, vector<16xf32>
      %mul3A_560 = arith.mulf %select_n3A_558, %exp3A_150 : vector<16xf32>
      %add3A_561 = arith.addf %mul3A_560, %select_n3A_559 : vector<16xf32>
      %mul3A_562 = arith.mulf %add3A_561, %get3A_554 : vector<16xf32>
      %gt3A_563 = arith.cmpf ogt, %mul3A_562, %select_n3A_496 : vector<16xf32>
      %select_n3A_564 = arith.select %gt3A_563, %mul3A_562, %select_n3A_496 : vector<16xi1>, vector<16xf32>
      %jit3A_565 = arith.constant 10 : i32
      %broadcast_in_dim3A_566 = vector.broadcast %jit3A_565 : i32 to vector<16xi32>
      %select_n3A_567 = arith.select %gt3A_563, %broadcast_in_dim3A_566, %select_n3A_499 : vector<16xi1>, vector<16xi32>
      %get3A_568 = arith.constant 11 : i64
      %get3A_569 = arith.index_cast %get3A_568 : i64 to index
      %get3A_570 = arith.index_cast %mul3A_31 : i32 to index
      %get3A_571 = tpu.vector_load %arg10[%get3A_569, %get3A_570] {strides = array<i32>} : memref<32x1024xf32, #tpu.memory_space<vmem>>, vector<16xf32>,
      %eq3A_572 = arith.constant 11 : i32
      %eq3A_573 = vector.broadcast %eq3A_572 : i32 to vector<16xi32>
      %eq3A_574 = arith.cmpi eq, %get3A_32, %eq3A_573 : vector<16xi32>
      %select_n3A_575 = arith.select %eq3A_574, %div3A_375, %div3A_373 : vector<16xi1>, vector<16xf32>
      %select_n3A_576 = arith.select %eq3A_574, %mul3A_378, %mul3A_377 : vector<16xi1>, vector<16xf32>
      %mul3A_577 = arith.mulf %select_n3A_575, %exp3A_160 : vector<16xf32>
      %add3A_578 = arith.addf %mul3A_577, %select_n3A_576 : vector<16xf32>
      %mul3A_579 = arith.mulf %add3A_578, %get3A_571 : vector<16xf32>
      %gt3A_580 = arith.cmpf ogt, %mul3A_579, %select_n3A_513 : vector<16xf32>
      %select_n3A_581 = arith.select %gt3A_580, %mul3A_579, %select_n3A_513 : vector<16xi1>, vector<16xf32>
      %jit3A_582 = arith.constant 11 : i32
      %broadcast_in_dim3A_583 = vector.broadcast %jit3A_582 : i32 to vector<16xi32>
      %select_n3A_584 = arith.select %gt3A_580, %broadcast_in_dim3A_583, %select_n3A_516 : vector<16xi1>, vector<16xi32>
      %get3A_585 = arith.constant 12 : i64
      %get3A_586 = arith.index_cast %get3A_585 : i64 to index
      %get3A_587 = arith.index_cast %mul3A_31 : i32 to index
      %get3A_588 = tpu.vector_load %arg10[%get3A_586, %get3A_587] {strides = array<i32>} : memref<32x1024xf32, #tpu.memory_space<vmem>>, vector<16xf32>,
      %eq3A_589 = arith.constant 12 : i32
      %eq3A_590 = vector.broadcast %eq3A_589 : i32 to vector<16xi32>
      %eq3A_591 = arith.cmpi eq, %get3A_32, %eq3A_590 : vector<16xi32>
      %select_n3A_592 = arith.select %eq3A_591, %div3A_375, %div3A_373 : vector<16xi1>, vector<16xf32>
      %select_n3A_593 = arith.select %eq3A_591, %mul3A_378, %mul3A_377 : vector<16xi1>, vector<16xf32>
      %mul3A_594 = arith.mulf %select_n3A_592, %exp3A_170 : vector<16xf32>
      %add3A_595 = arith.addf %mul3A_594, %select_n3A_593 : vector<16xf32>
      %mul3A_596 = arith.mulf %add3A_595, %get3A_588 : vector<16xf32>
      %gt3A_597 = arith.cmpf ogt, %mul3A_596, %select_n3A_530 : vector<16xf32>
      %select_n3A_598 = arith.select %gt3A_597, %mul3A_596, %select_n3A_530 : vector<16xi1>, vector<16xf32>
      %jit3A_599 = arith.constant 12 : i32
      %broadcast_in_dim3A_600 = vector.broadcast %jit3A_599 : i32 to vector<16xi32>
      %select_n3A_601 = arith.select %gt3A_597, %broadcast_in_dim3A_600, %select_n3A_533 : vector<16xi1>, vector<16xi32>
      %get3A_602 = arith.constant 13 : i64
      %get3A_603 = arith.index_cast %get3A_602 : i64 to index
      %get3A_604 = arith.index_cast %mul3A_31 : i32 to index
      %get3A_605 = tpu.vector_load %arg10[%get3A_603, %get3A_604] {strides = array<i32>} : memref<32x1024xf32, #tpu.memory_space<vmem>>, vector<16xf32>,
      %eq3A_606 = arith.constant 13 : i32
      %eq3A_607 = vector.broadcast %eq3A_606 : i32 to vector<16xi32>
      %eq3A_608 = arith.cmpi eq, %get3A_32, %eq3A_607 : vector<16xi32>
      %select_n3A_609 = arith.select %eq3A_608, %div3A_375, %div3A_373 : vector<16xi1>, vector<16xf32>
      %select_n3A_610 = arith.select %eq3A_608, %mul3A_378, %mul3A_377 : vector<16xi1>, vector<16xf32>
      %mul3A_611 = arith.mulf %select_n3A_609, %exp3A_180 : vector<16xf32>
      %add3A_612 = arith.addf %mul3A_611, %select_n3A_610 : vector<16xf32>
      %mul3A_613 = arith.mulf %add3A_612, %get3A_605 : vector<16xf32>
      %gt3A_614 = arith.cmpf ogt, %mul3A_613, %select_n3A_547 : vector<16xf32>
      %select_n3A_615 = arith.select %gt3A_614, %mul3A_613, %select_n3A_547 : vector<16xi1>, vector<16xf32>
      %jit3A_616 = arith.constant 13 : i32
      %broadcast_in_dim3A_617 = vector.broadcast %jit3A_616 : i32 to vector<16xi32>
      %select_n3A_618 = arith.select %gt3A_614, %broadcast_in_dim3A_617, %select_n3A_550 : vector<16xi1>, vector<16xi32>
      %get3A_619 = arith.constant 14 : i64
      %get3A_620 = arith.index_cast %get3A_619 : i64 to index
      %get3A_621 = arith.index_cast %mul3A_31 : i32 to index
      %get3A_622 = tpu.vector_load %arg10[%get3A_620, %get3A_621] {strides = array<i32>} : memref<32x1024xf32, #tpu.memory_space<vmem>>, vector<16xf32>,
      %eq3A_623 = arith.constant 14 : i32
      %eq3A_624 = vector.broadcast %eq3A_623 : i32 to vector<16xi32>
      %eq3A_625 = arith.cmpi eq, %get3A_32, %eq3A_624 : vector<16xi32>
      %select_n3A_626 = arith.select %eq3A_625, %div3A_375, %div3A_373 : vector<16xi1>, vector<16xf32>
      %select_n3A_627 = arith.select %eq3A_625, %mul3A_378, %mul3A_377 : vector<16xi1>, vector<16xf32>
      %mul3A_628 = arith.mulf %select_n3A_626, %exp3A_190 : vector<16xf32>
      %add3A_629 = arith.addf %mul3A_628, %select_n3A_627 : vector<16xf32>
      %mul3A_630 = arith.mulf %add3A_629, %get3A_622 : vector<16xf32>
      %gt3A_631 = arith.cmpf ogt, %mul3A_630, %select_n3A_564 : vector<16xf32>
      %select_n3A_632 = arith.select %gt3A_631, %mul3A_630, %select_n3A_564 : vector<16xi1>, vector<16xf32>
      %jit3A_633 = arith.constant 14 : i32
      %broadcast_in_dim3A_634 = vector.broadcast %jit3A_633 : i32 to vector<16xi32>
      %select_n3A_635 = arith.select %gt3A_631, %broadcast_in_dim3A_634, %select_n3A_567 : vector<16xi1>, vector<16xi32>
      %get3A_636 = arith.constant 15 : i64
      %get3A_637 = arith.index_cast %get3A_636 : i64 to index
      %get3A_638 = arith.index_cast %mul3A_31 : i32 to index
      %get3A_639 = tpu.vector_load %arg10[%get3A_637, %get3A_638] {strides = array<i32>} : memref<32x1024xf32, #tpu.memory_space<vmem>>, vector<16xf32>,
      %eq3A_640 = arith.constant 15 : i32
      %eq3A_641 = vector.broadcast %eq3A_640 : i32 to vector<16xi32>
      %eq3A_642 = arith.cmpi eq, %get3A_32, %eq3A_641 : vector<16xi32>
      %select_n3A_643 = arith.select %eq3A_642, %div3A_375, %div3A_373 : vector<16xi1>, vector<16xf32>
      %select_n3A_644 = arith.select %eq3A_642, %mul3A_378, %mul3A_377 : vector<16xi1>, vector<16xf32>
      %mul3A_645 = arith.mulf %select_n3A_643, %exp3A_200 : vector<16xf32>
      %add3A_646 = arith.addf %mul3A_645, %select_n3A_644 : vector<16xf32>
      %mul3A_647 = arith.mulf %add3A_646, %get3A_639 : vector<16xf32>
      %gt3A_648 = arith.cmpf ogt, %mul3A_647, %select_n3A_581 : vector<16xf32>
      %select_n3A_649 = arith.select %gt3A_648, %mul3A_647, %select_n3A_581 : vector<16xi1>, vector<16xf32>
      %jit3A_650 = arith.constant 15 : i32
      %broadcast_in_dim3A_651 = vector.broadcast %jit3A_650 : i32 to vector<16xi32>
      %select_n3A_652 = arith.select %gt3A_648, %broadcast_in_dim3A_651, %select_n3A_584 : vector<16xi1>, vector<16xi32>
      %get3A_653 = arith.constant 16 : i64
      %get3A_654 = arith.index_cast %get3A_653 : i64 to index
      %get3A_655 = arith.index_cast %mul3A_31 : i32 to index
      %get3A_656 = tpu.vector_load %arg10[%get3A_654, %get3A_655] {strides = array<i32>} : memref<32x1024xf32, #tpu.memory_space<vmem>>, vector<16xf32>,
      %eq3A_657 = arith.constant 16 : i32
      %eq3A_658 = vector.broadcast %eq3A_657 : i32 to vector<16xi32>
      %eq3A_659 = arith.cmpi eq, %get3A_32, %eq3A_658 : vector<16xi32>
      %select_n3A_660 = arith.select %eq3A_659, %div3A_375, %div3A_373 : vector<16xi1>, vector<16xf32>
      %select_n3A_661 = arith.select %eq3A_659, %mul3A_378, %mul3A_377 : vector<16xi1>, vector<16xf32>
      %mul3A_662 = arith.mulf %select_n3A_660, %exp3A_210 : vector<16xf32>
      %add3A_663 = arith.addf %mul3A_662, %select_n3A_661 : vector<16xf32>
      %mul3A_664 = arith.mulf %add3A_663, %get3A_656 : vector<16xf32>
      %gt3A_665 = arith.cmpf ogt, %mul3A_664, %select_n3A_598 : vector<16xf32>
      %select_n3A_666 = arith.select %gt3A_665, %mul3A_664, %select_n3A_598 : vector<16xi1>, vector<16xf32>
      %jit3A_667 = arith.constant 16 : i32
      %broadcast_in_dim3A_668 = vector.broadcast %jit3A_667 : i32 to vector<16xi32>
      %select_n3A_669 = arith.select %gt3A_665, %broadcast_in_dim3A_668, %select_n3A_601 : vector<16xi1>, vector<16xi32>
      %get3A_670 = arith.constant 17 : i64
      %get3A_671 = arith.index_cast %get3A_670 : i64 to index
      %get3A_672 = arith.index_cast %mul3A_31 : i32 to index
      %get3A_673 = tpu.vector_load %arg10[%get3A_671, %get3A_672] {strides = array<i32>} : memref<32x1024xf32, #tpu.memory_space<vmem>>, vector<16xf32>,
      %eq3A_674 = arith.constant 17 : i32
      %eq3A_675 = vector.broadcast %eq3A_674 : i32 to vector<16xi32>
      %eq3A_676 = arith.cmpi eq, %get3A_32, %eq3A_675 : vector<16xi32>
      %select_n3A_677 = arith.select %eq3A_676, %div3A_375, %div3A_373 : vector<16xi1>, vector<16xf32>
      %select_n3A_678 = arith.select %eq3A_676, %mul3A_378, %mul3A_377 : vector<16xi1>, vector<16xf32>
      %mul3A_679 = arith.mulf %select_n3A_677, %exp3A_220 : vector<16xf32>
      %add3A_680 = arith.addf %mul3A_679, %select_n3A_678 : vector<16xf32>
      %mul3A_681 = arith.mulf %add3A_680, %get3A_673 : vector<16xf32>
      %gt3A_682 = arith.cmpf ogt, %mul3A_681, %select_n3A_615 : vector<16xf32>
      %select_n3A_683 = arith.select %gt3A_682, %mul3A_681, %select_n3A_615 : vector<16xi1>, vector<16xf32>
      %jit3A_684 = arith.constant 17 : i32
      %broadcast_in_dim3A_685 = vector.broadcast %jit3A_684 : i32 to vector<16xi32>
      %select_n3A_686 = arith.select %gt3A_682, %broadcast_in_dim3A_685, %select_n3A_618 : vector<16xi1>, vector<16xi32>
      %get3A_687 = arith.constant 18 : i64
      %get3A_688 = arith.index_cast %get3A_687 : i64 to index
      %get3A_689 = arith.index_cast %mul3A_31 : i32 to index
      %get3A_690 = tpu.vector_load %arg10[%get3A_688, %get3A_689] {strides = array<i32>} : memref<32x1024xf32, #tpu.memory_space<vmem>>, vector<16xf32>,
      %eq3A_691 = arith.constant 18 : i32
      %eq3A_692 = vector.broadcast %eq3A_691 : i32 to vector<16xi32>
      %eq3A_693 = arith.cmpi eq, %get3A_32, %eq3A_692 : vector<16xi32>
      %select_n3A_694 = arith.select %eq3A_693, %div3A_375, %div3A_373 : vector<16xi1>, vector<16xf32>
      %select_n3A_695 = arith.select %eq3A_693, %mul3A_378, %mul3A_377 : vector<16xi1>, vector<16xf32>
      %mul3A_696 = arith.mulf %select_n3A_694, %exp3A_230 : vector<16xf32>
      %add3A_697 = arith.addf %mul3A_696, %select_n3A_695 : vector<16xf32>
      %mul3A_698 = arith.mulf %add3A_697, %get3A_690 : vector<16xf32>
      %gt3A_699 = arith.cmpf ogt, %mul3A_698, %select_n3A_632 : vector<16xf32>
      %select_n3A_700 = arith.select %gt3A_699, %mul3A_698, %select_n3A_632 : vector<16xi1>, vector<16xf32>
      %jit3A_701 = arith.constant 18 : i32
      %broadcast_in_dim3A_702 = vector.broadcast %jit3A_701 : i32 to vector<16xi32>
      %select_n3A_703 = arith.select %gt3A_699, %broadcast_in_dim3A_702, %select_n3A_635 : vector<16xi1>, vector<16xi32>
      %get3A_704 = arith.constant 19 : i64
      %get3A_705 = arith.index_cast %get3A_704 : i64 to index
      %get3A_706 = arith.index_cast %mul3A_31 : i32 to index
      %get3A_707 = tpu.vector_load %arg10[%get3A_705, %get3A_706] {strides = array<i32>} : memref<32x1024xf32, #tpu.memory_space<vmem>>, vector<16xf32>,
      %eq3A_708 = arith.constant 19 : i32
      %eq3A_709 = vector.broadcast %eq3A_708 : i32 to vector<16xi32>
      %eq3A_710 = arith.cmpi eq, %get3A_32, %eq3A_709 : vector<16xi32>
      %select_n3A_711 = arith.select %eq3A_710, %div3A_375, %div3A_373 : vector<16xi1>, vector<16xf32>
      %select_n3A_712 = arith.select %eq3A_710, %mul3A_378, %mul3A_377 : vector<16xi1>, vector<16xf32>
      %mul3A_713 = arith.mulf %select_n3A_711, %exp3A_240 : vector<16xf32>
      %add3A_714 = arith.addf %mul3A_713, %select_n3A_712 : vector<16xf32>
      %mul3A_715 = arith.mulf %add3A_714, %get3A_707 : vector<16xf32>
      %gt3A_716 = arith.cmpf ogt, %mul3A_715, %select_n3A_649 : vector<16xf32>
      %select_n3A_717 = arith.select %gt3A_716, %mul3A_715, %select_n3A_649 : vector<16xi1>, vector<16xf32>
      %jit3A_718 = arith.constant 19 : i32
      %broadcast_in_dim3A_719 = vector.broadcast %jit3A_718 : i32 to vector<16xi32>
      %select_n3A_720 = arith.select %gt3A_716, %broadcast_in_dim3A_719, %select_n3A_652 : vector<16xi1>, vector<16xi32>
      %get3A_721 = arith.constant 20 : i64
      %get3A_722 = arith.index_cast %get3A_721 : i64 to index
      %get3A_723 = arith.index_cast %mul3A_31 : i32 to index
      %get3A_724 = tpu.vector_load %arg10[%get3A_722, %get3A_723] {strides = array<i32>} : memref<32x1024xf32, #tpu.memory_space<vmem>>, vector<16xf32>,
      %eq3A_725 = arith.constant 20 : i32
      %eq3A_726 = vector.broadcast %eq3A_725 : i32 to vector<16xi32>
      %eq3A_727 = arith.cmpi eq, %get3A_32, %eq3A_726 : vector<16xi32>
      %select_n3A_728 = arith.select %eq3A_727, %div3A_375, %div3A_373 : vector<16xi1>, vector<16xf32>
      %select_n3A_729 = arith.select %eq3A_727, %mul3A_378, %mul3A_377 : vector<16xi1>, vector<16xf32>
      %mul3A_730 = arith.mulf %select_n3A_728, %exp3A_250 : vector<16xf32>
      %add3A_731 = arith.addf %mul3A_730, %select_n3A_729 : vector<16xf32>
      %mul3A_732 = arith.mulf %add3A_731, %get3A_724 : vector<16xf32>
      %gt3A_733 = arith.cmpf ogt, %mul3A_732, %select_n3A_666 : vector<16xf32>
      %select_n3A_734 = arith.select %gt3A_733, %mul3A_732, %select_n3A_666 : vector<16xi1>, vector<16xf32>
      %jit3A_735 = arith.constant 20 : i32
      %broadcast_in_dim3A_736 = vector.broadcast %jit3A_735 : i32 to vector<16xi32>
      %select_n3A_737 = arith.select %gt3A_733, %broadcast_in_dim3A_736, %select_n3A_669 : vector<16xi1>, vector<16xi32>
      %get3A_738 = arith.constant 21 : i64
      %get3A_739 = arith.index_cast %get3A_738 : i64 to index
      %get3A_740 = arith.index_cast %mul3A_31 : i32 to index
      %get3A_741 = tpu.vector_load %arg10[%get3A_739, %get3A_740] {strides = array<i32>} : memref<32x1024xf32, #tpu.memory_space<vmem>>, vector<16xf32>,
      %eq3A_742 = arith.constant 21 : i32
      %eq3A_743 = vector.broadcast %eq3A_742 : i32 to vector<16xi32>
      %eq3A_744 = arith.cmpi eq, %get3A_32, %eq3A_743 : vector<16xi32>
      %select_n3A_745 = arith.select %eq3A_744, %div3A_375, %div3A_373 : vector<16xi1>, vector<16xf32>
      %select_n3A_746 = arith.select %eq3A_744, %mul3A_378, %mul3A_377 : vector<16xi1>, vector<16xf32>
      %mul3A_747 = arith.mulf %select_n3A_745, %exp3A_260 : vector<16xf32>
      %add3A_748 = arith.addf %mul3A_747, %select_n3A_746 : vector<16xf32>
      %mul3A_749 = arith.mulf %add3A_748, %get3A_741 : vector<16xf32>
      %gt3A_750 = arith.cmpf ogt, %mul3A_749, %select_n3A_683 : vector<16xf32>
      %select_n3A_751 = arith.select %gt3A_750, %mul3A_749, %select_n3A_683 : vector<16xi1>, vector<16xf32>
      %jit3A_752 = arith.constant 21 : i32
      %broadcast_in_dim3A_753 = vector.broadcast %jit3A_752 : i32 to vector<16xi32>
      %select_n3A_754 = arith.select %gt3A_750, %broadcast_in_dim3A_753, %select_n3A_686 : vector<16xi1>, vector<16xi32>
      %get3A_755 = arith.constant 22 : i64
      %get3A_756 = arith.index_cast %get3A_755 : i64 to index
      %get3A_757 = arith.index_cast %mul3A_31 : i32 to index
      %get3A_758 = tpu.vector_load %arg10[%get3A_756, %get3A_757] {strides = array<i32>} : memref<32x1024xf32, #tpu.memory_space<vmem>>, vector<16xf32>,
      %eq3A_759 = arith.constant 22 : i32
      %eq3A_760 = vector.broadcast %eq3A_759 : i32 to vector<16xi32>
      %eq3A_761 = arith.cmpi eq, %get3A_32, %eq3A_760 : vector<16xi32>
      %select_n3A_762 = arith.select %eq3A_761, %div3A_375, %div3A_373 : vector<16xi1>, vector<16xf32>
      %select_n3A_763 = arith.select %eq3A_761, %mul3A_378, %mul3A_377 : vector<16xi1>, vector<16xf32>
      %mul3A_764 = arith.mulf %select_n3A_762, %exp3A_270 : vector<16xf32>
      %add3A_765 = arith.addf %mul3A_764, %select_n3A_763 : vector<16xf32>
      %mul3A_766 = arith.mulf %add3A_765, %get3A_758 : vector<16xf32>
      %gt3A_767 = arith.cmpf ogt, %mul3A_766, %select_n3A_700 : vector<16xf32>
      %select_n3A_768 = arith.select %gt3A_767, %mul3A_766, %select_n3A_700 : vector<16xi1>, vector<16xf32>
      %jit3A_769 = arith.constant 22 : i32
      %broadcast_in_dim3A_770 = vector.broadcast %jit3A_769 : i32 to vector<16xi32>
      %select_n3A_771 = arith.select %gt3A_767, %broadcast_in_dim3A_770, %select_n3A_703 : vector<16xi1>, vector<16xi32>
      %get3A_772 = arith.constant 23 : i64
      %get3A_773 = arith.index_cast %get3A_772 : i64 to index
      %get3A_774 = arith.index_cast %mul3A_31 : i32 to index
      %get3A_775 = tpu.vector_load %arg10[%get3A_773, %get3A_774] {strides = array<i32>} : memref<32x1024xf32, #tpu.memory_space<vmem>>, vector<16xf32>,
      %eq3A_776 = arith.constant 23 : i32
      %eq3A_777 = vector.broadcast %eq3A_776 : i32 to vector<16xi32>
      %eq3A_778 = arith.cmpi eq, %get3A_32, %eq3A_777 : vector<16xi32>
      %select_n3A_779 = arith.select %eq3A_778, %div3A_375, %div3A_373 : vector<16xi1>, vector<16xf32>
      %select_n3A_780 = arith.select %eq3A_778, %mul3A_378, %mul3A_377 : vector<16xi1>, vector<16xf32>
      %mul3A_781 = arith.mulf %select_n3A_779, %exp3A_280 : vector<16xf32>
      %add3A_782 = arith.addf %mul3A_781, %select_n3A_780 : vector<16xf32>
      %mul3A_783 = arith.mulf %add3A_782, %get3A_775 : vector<16xf32>
      %gt3A_784 = arith.cmpf ogt, %mul3A_783, %select_n3A_717 : vector<16xf32>
      %select_n3A_785 = arith.select %gt3A_784, %mul3A_783, %select_n3A_717 : vector<16xi1>, vector<16xf32>
      %jit3A_786 = arith.constant 23 : i32
      %broadcast_in_dim3A_787 = vector.broadcast %jit3A_786 : i32 to vector<16xi32>
      %select_n3A_788 = arith.select %gt3A_784, %broadcast_in_dim3A_787, %select_n3A_720 : vector<16xi1>, vector<16xi32>
      %get3A_789 = arith.constant 24 : i64
      %get3A_790 = arith.index_cast %get3A_789 : i64 to index
      %get3A_791 = arith.index_cast %mul3A_31 : i32 to index
      %get3A_792 = tpu.vector_load %arg10[%get3A_790, %get3A_791] {strides = array<i32>} : memref<32x1024xf32, #tpu.memory_space<vmem>>, vector<16xf32>,
      %eq3A_793 = arith.constant 24 : i32
      %eq3A_794 = vector.broadcast %eq3A_793 : i32 to vector<16xi32>
      %eq3A_795 = arith.cmpi eq, %get3A_32, %eq3A_794 : vector<16xi32>
      %select_n3A_796 = arith.select %eq3A_795, %div3A_375, %div3A_373 : vector<16xi1>, vector<16xf32>
      %select_n3A_797 = arith.select %eq3A_795, %mul3A_378, %mul3A_377 : vector<16xi1>, vector<16xf32>
      %mul3A_798 = arith.mulf %select_n3A_796, %exp3A_290 : vector<16xf32>
      %add3A_799 = arith.addf %mul3A_798, %select_n3A_797 : vector<16xf32>
      %mul3A_800 = arith.mulf %add3A_799, %get3A_792 : vector<16xf32>
      %gt3A_801 = arith.cmpf ogt, %mul3A_800, %select_n3A_734 : vector<16xf32>
      %select_n3A_802 = arith.select %gt3A_801, %mul3A_800, %select_n3A_734 : vector<16xi1>, vector<16xf32>
      %jit3A_803 = arith.constant 24 : i32
      %broadcast_in_dim3A_804 = vector.broadcast %jit3A_803 : i32 to vector<16xi32>
      %select_n3A_805 = arith.select %gt3A_801, %broadcast_in_dim3A_804, %select_n3A_737 : vector<16xi1>, vector<16xi32>
      %get3A_806 = arith.constant 25 : i64
      %get3A_807 = arith.index_cast %get3A_806 : i64 to index
      %get3A_808 = arith.index_cast %mul3A_31 : i32 to index
      %get3A_809 = tpu.vector_load %arg10[%get3A_807, %get3A_808] {strides = array<i32>} : memref<32x1024xf32, #tpu.memory_space<vmem>>, vector<16xf32>,
      %eq3A_810 = arith.constant 25 : i32
      %eq3A_811 = vector.broadcast %eq3A_810 : i32 to vector<16xi32>
      %eq3A_812 = arith.cmpi eq, %get3A_32, %eq3A_811 : vector<16xi32>
      %select_n3A_813 = arith.select %eq3A_812, %div3A_375, %div3A_373 : vector<16xi1>, vector<16xf32>
      %select_n3A_814 = arith.select %eq3A_812, %mul3A_378, %mul3A_377 : vector<16xi1>, vector<16xf32>
      %mul3A_815 = arith.mulf %select_n3A_813, %exp3A_300 : vector<16xf32>
      %add3A_816 = arith.addf %mul3A_815, %select_n3A_814 : vector<16xf32>
      %mul3A_817 = arith.mulf %add3A_816, %get3A_809 : vector<16xf32>
      %gt3A_818 = arith.cmpf ogt, %mul3A_817, %select_n3A_751 : vector<16xf32>
      %select_n3A_819 = arith.select %gt3A_818, %mul3A_817, %select_n3A_751 : vector<16xi1>, vector<16xf32>
      %jit3A_820 = arith.constant 25 : i32
      %broadcast_in_dim3A_821 = vector.broadcast %jit3A_820 : i32 to vector<16xi32>
      %select_n3A_822 = arith.select %gt3A_818, %broadcast_in_dim3A_821, %select_n3A_754 : vector<16xi1>, vector<16xi32>
      %get3A_823 = arith.constant 26 : i64
      %get3A_824 = arith.index_cast %get3A_823 : i64 to index
      %get3A_825 = arith.index_cast %mul3A_31 : i32 to index
      %get3A_826 = tpu.vector_load %arg10[%get3A_824, %get3A_825] {strides = array<i32>} : memref<32x1024xf32, #tpu.memory_space<vmem>>, vector<16xf32>,
      %eq3A_827 = arith.constant 26 : i32
      %eq3A_828 = vector.broadcast %eq3A_827 : i32 to vector<16xi32>
      %eq3A_829 = arith.cmpi eq, %get3A_32, %eq3A_828 : vector<16xi32>
      %select_n3A_830 = arith.select %eq3A_829, %div3A_375, %div3A_373 : vector<16xi1>, vector<16xf32>
      %select_n3A_831 = arith.select %eq3A_829, %mul3A_378, %mul3A_377 : vector<16xi1>, vector<16xf32>
      %mul3A_832 = arith.mulf %select_n3A_830, %exp3A_310 : vector<16xf32>
      %add3A_833 = arith.addf %mul3A_832, %select_n3A_831 : vector<16xf32>
      %mul3A_834 = arith.mulf %add3A_833, %get3A_826 : vector<16xf32>
      %gt3A_835 = arith.cmpf ogt, %mul3A_834, %select_n3A_768 : vector<16xf32>
      %select_n3A_836 = arith.select %gt3A_835, %mul3A_834, %select_n3A_768 : vector<16xi1>, vector<16xf32>
      %jit3A_837 = arith.constant 26 : i32
      %broadcast_in_dim3A_838 = vector.broadcast %jit3A_837 : i32 to vector<16xi32>
      %select_n3A_839 = arith.select %gt3A_835, %broadcast_in_dim3A_838, %select_n3A_771 : vector<16xi1>, vector<16xi32>
      %get3A_840 = arith.constant 27 : i64
      %get3A_841 = arith.index_cast %get3A_840 : i64 to index
      %get3A_842 = arith.index_cast %mul3A_31 : i32 to index
      %get3A_843 = tpu.vector_load %arg10[%get3A_841, %get3A_842] {strides = array<i32>} : memref<32x1024xf32, #tpu.memory_space<vmem>>, vector<16xf32>,
      %eq3A_844 = arith.constant 27 : i32
      %eq3A_845 = vector.broadcast %eq3A_844 : i32 to vector<16xi32>
      %eq3A_846 = arith.cmpi eq, %get3A_32, %eq3A_845 : vector<16xi32>
      %select_n3A_847 = arith.select %eq3A_846, %div3A_375, %div3A_373 : vector<16xi1>, vector<16xf32>
      %select_n3A_848 = arith.select %eq3A_846, %mul3A_378, %mul3A_377 : vector<16xi1>, vector<16xf32>
      %mul3A_849 = arith.mulf %select_n3A_847, %exp3A_320 : vector<16xf32>
      %add3A_850 = arith.addf %mul3A_849, %select_n3A_848 : vector<16xf32>
      %mul3A_851 = arith.mulf %add3A_850, %get3A_843 : vector<16xf32>
      %gt3A_852 = arith.cmpf ogt, %mul3A_851, %select_n3A_785 : vector<16xf32>
      %select_n3A_853 = arith.select %gt3A_852, %mul3A_851, %select_n3A_785 : vector<16xi1>, vector<16xf32>
      %jit3A_854 = arith.constant 27 : i32
      %broadcast_in_dim3A_855 = vector.broadcast %jit3A_854 : i32 to vector<16xi32>
      %select_n3A_856 = arith.select %gt3A_852, %broadcast_in_dim3A_855, %select_n3A_788 : vector<16xi1>, vector<16xi32>
      %get3A_857 = arith.constant 28 : i64
      %get3A_858 = arith.index_cast %get3A_857 : i64 to index
      %get3A_859 = arith.index_cast %mul3A_31 : i32 to index
      %get3A_860 = tpu.vector_load %arg10[%get3A_858, %get3A_859] {strides = array<i32>} : memref<32x1024xf32, #tpu.memory_space<vmem>>, vector<16xf32>,
      %eq3A_861 = arith.constant 28 : i32
      %eq3A_862 = vector.broadcast %eq3A_861 : i32 to vector<16xi32>
      %eq3A_863 = arith.cmpi eq, %get3A_32, %eq3A_862 : vector<16xi32>
      %select_n3A_864 = arith.select %eq3A_863, %div3A_375, %div3A_373 : vector<16xi1>, vector<16xf32>
      %select_n3A_865 = arith.select %eq3A_863, %mul3A_378, %mul3A_377 : vector<16xi1>, vector<16xf32>
      %mul3A_866 = arith.mulf %select_n3A_864, %exp3A_330 : vector<16xf32>
      %add3A_867 = arith.addf %mul3A_866, %select_n3A_865 : vector<16xf32>
      %mul3A_868 = arith.mulf %add3A_867, %get3A_860 : vector<16xf32>
      %gt3A_869 = arith.cmpf ogt, %mul3A_868, %select_n3A_802 : vector<16xf32>
      %select_n3A_870 = arith.select %gt3A_869, %mul3A_868, %select_n3A_802 : vector<16xi1>, vector<16xf32>
      %jit3A_871 = arith.constant 28 : i32
      %broadcast_in_dim3A_872 = vector.broadcast %jit3A_871 : i32 to vector<16xi32>
      %select_n3A_873 = arith.select %gt3A_869, %broadcast_in_dim3A_872, %select_n3A_805 : vector<16xi1>, vector<16xi32>
      %get3A_874 = arith.constant 29 : i64
      %get3A_875 = arith.index_cast %get3A_874 : i64 to index
      %get3A_876 = arith.index_cast %mul3A_31 : i32 to index
      %get3A_877 = tpu.vector_load %arg10[%get3A_875, %get3A_876] {strides = array<i32>} : memref<32x1024xf32, #tpu.memory_space<vmem>>, vector<16xf32>,
      %eq3A_878 = arith.constant 29 : i32
      %eq3A_879 = vector.broadcast %eq3A_878 : i32 to vector<16xi32>
      %eq3A_880 = arith.cmpi eq, %get3A_32, %eq3A_879 : vector<16xi32>
      %select_n3A_881 = arith.select %eq3A_880, %div3A_375, %div3A_373 : vector<16xi1>, vector<16xf32>
      %select_n3A_882 = arith.select %eq3A_880, %mul3A_378, %mul3A_377 : vector<16xi1>, vector<16xf32>
      %mul3A_883 = arith.mulf %select_n3A_881, %exp3A_340 : vector<16xf32>
      %add3A_884 = arith.addf %mul3A_883, %select_n3A_882 : vector<16xf32>
      %mul3A_885 = arith.mulf %add3A_884, %get3A_877 : vector<16xf32>
      %gt3A_886 = arith.cmpf ogt, %mul3A_885, %select_n3A_819 : vector<16xf32>
      %select_n3A_887 = arith.select %gt3A_886, %mul3A_885, %select_n3A_819 : vector<16xi1>, vector<16xf32>
      %jit3A_888 = arith.constant 29 : i32
      %broadcast_in_dim3A_889 = vector.broadcast %jit3A_888 : i32 to vector<16xi32>
      %select_n3A_890 = arith.select %gt3A_886, %broadcast_in_dim3A_889, %select_n3A_822 : vector<16xi1>, vector<16xi32>
      %get3A_891 = arith.constant 30 : i64
      %get3A_892 = arith.index_cast %get3A_891 : i64 to index
      %get3A_893 = arith.index_cast %mul3A_31 : i32 to index
      %get3A_894 = tpu.vector_load %arg10[%get3A_892, %get3A_893] {strides = array<i32>} : memref<32x1024xf32, #tpu.memory_space<vmem>>, vector<16xf32>,
      %eq3A_895 = arith.constant 30 : i32
      %eq3A_896 = vector.broadcast %eq3A_895 : i32 to vector<16xi32>
      %eq3A_897 = arith.cmpi eq, %get3A_32, %eq3A_896 : vector<16xi32>
      %select_n3A_898 = arith.select %eq3A_897, %div3A_375, %div3A_373 : vector<16xi1>, vector<16xf32>
      %select_n3A_899 = arith.select %eq3A_897, %mul3A_378, %mul3A_377 : vector<16xi1>, vector<16xf32>
      %mul3A_900 = arith.mulf %select_n3A_898, %exp3A_350 : vector<16xf32>
      %add3A_901 = arith.addf %mul3A_900, %select_n3A_899 : vector<16xf32>
      %mul3A_902 = arith.mulf %add3A_901, %get3A_894 : vector<16xf32>
      %gt3A_903 = arith.cmpf ogt, %mul3A_902, %select_n3A_836 : vector<16xf32>
      %select_n3A_904 = arith.select %gt3A_903, %mul3A_902, %select_n3A_836 : vector<16xi1>, vector<16xf32>
      %jit3A_905 = arith.constant 30 : i32
      %broadcast_in_dim3A_906 = vector.broadcast %jit3A_905 : i32 to vector<16xi32>
      %select_n3A_907 = arith.select %gt3A_903, %broadcast_in_dim3A_906, %select_n3A_839 : vector<16xi1>, vector<16xi32>
      %get3A_908 = arith.constant 31 : i64
      %get3A_909 = arith.index_cast %get3A_908 : i64 to index
      %get3A_910 = arith.index_cast %mul3A_31 : i32 to index
      %get3A_911 = tpu.vector_load %arg10[%get3A_909, %get3A_910] {strides = array<i32>} : memref<32x1024xf32, #tpu.memory_space<vmem>>, vector<16xf32>,
      %eq3A_912 = arith.constant 31 : i32
      %eq3A_913 = vector.broadcast %eq3A_912 : i32 to vector<16xi32>
      %eq3A_914 = arith.cmpi eq, %get3A_32, %eq3A_913 : vector<16xi32>
      %select_n3A_915 = arith.select %eq3A_914, %div3A_375, %div3A_373 : vector<16xi1>, vector<16xf32>
      %select_n3A_916 = arith.select %eq3A_914, %mul3A_378, %mul3A_377 : vector<16xi1>, vector<16xf32>
      %mul3A_917 = arith.mulf %select_n3A_915, %exp3A_360 : vector<16xf32>
      %add3A_918 = arith.addf %mul3A_917, %select_n3A_916 : vector<16xf32>
      %mul3A_919 = arith.mulf %add3A_918, %get3A_911 : vector<16xf32>
      %gt3A_920 = arith.cmpf ogt, %mul3A_919, %select_n3A_853 : vector<16xf32>
      %select_n3A_921 = arith.select %gt3A_920, %mul3A_919, %select_n3A_853 : vector<16xi1>, vector<16xf32>
      %jit3A_922 = arith.constant 31 : i32
      %broadcast_in_dim3A_923 = vector.broadcast %jit3A_922 : i32 to vector<16xi32>
      %select_n3A_924 = arith.select %gt3A_920, %broadcast_in_dim3A_923, %select_n3A_856 : vector<16xi1>, vector<16xi32>
      %max3A = arith.maximumf %select_n3A_870, %select_n3A_887 : vector<16xf32>
      %gt3A_925 = arith.cmpf ogt, %select_n3A_887, %select_n3A_870 : vector<16xf32>
      %select_n3A_926 = arith.select %gt3A_925, %select_n3A_890, %select_n3A_873 : vector<16xi1>, vector<16xi32>
      %max3A_927 = arith.maximumf %select_n3A_904, %select_n3A_921 : vector<16xf32>
      %gt3A_928 = arith.cmpf ogt, %select_n3A_921, %select_n3A_904 : vector<16xf32>
      %select_n3A_929 = arith.select %gt3A_928, %select_n3A_924, %select_n3A_907 : vector<16xi1>, vector<16xi32>
      %gt3A_930 = arith.cmpf ogt, %max3A_927, %max3A : vector<16xf32>
      %select_n3A_931 = arith.select %gt3A_930, %select_n3A_929, %select_n3A_926 : vector<16xi1>, vector<16xi32>
      %swap3A = arith.index_cast %mul3A_31 : i32 to index
      %swap3A_932 = tpu.vector_load %arg15[%swap3A] {strides = array<i32>} : memref<1024xi32, #tpu.memory_space<vmem>>, vector<16xi32>,
      tpu.vector_store %arg15[%swap3A], %select_n3A_931 {strides = array<i32>} : memref<1024xi32, #tpu.memory_space<vmem>>, vector<16xi32>,
    }
    "tpu.region"() ({
      %run_scoped3A = tpu.sem_alloc : memref<!tpu.dma_semaphore, #tpu.memory_space<semaphore_mem>>
      %dma_start3A_29 = tpu.memref_slice %arg8[%mul3A_2] : memref<32768xi32, #tpu.memory_space<hbm>> -> memref<1024xi32, #tpu.memory_space<hbm>>
      %dma_start3A_30 = tpu.memref_slice %arg8[%mul3A_2] : memref<32768xi32, #tpu.memory_space<hbm>> -> memref<1024xi32, #tpu.memory_space<hbm>>
      tpu.enqueue_dma source(%arg15 : memref<1024xi32, #tpu.memory_space<vmem>>) target(%dma_start3A_30 : memref<1024xi32, #tpu.memory_space<hbm>>) target_semaphore(%run_scoped3A : memref<!tpu.dma_semaphore, #tpu.memory_space<semaphore_mem>>)
      %dma_wait3A_31 = tpu.memref_slice %arg8[%mul3A_2] : memref<32768xi32, #tpu.memory_space<hbm>> -> memref<1024xi32, #tpu.memory_space<hbm>>
      %dma_wait3A_32 = tpu.memref_slice %arg8[%mul3A_2] : memref<32768xi32, #tpu.memory_space<hbm>> -> memref<1024xi32, #tpu.memory_space<hbm>>
      tpu.wait_dma2 semaphore(%run_scoped3A : memref<!tpu.dma_semaphore, #tpu.memory_space<semaphore_mem>>) src(%arg15 : memref<1024xi32, #tpu.memory_space<vmem>>) dst(%dma_wait3A_32 : memref<1024xi32, #tpu.memory_space<hbm>>)
      tpu.yield
    }) : () -> ()
    return
  }
}

module attributes {stable_mosaic.version = 14 : i64} {
  func.func @_noise_body(%arg0: i32, %arg1: memref<1xi32, #tpu.memory_space<smem>>, %arg2: memref<32x4096xf32, #tpu.memory_space<vmem>>) attributes {dimension_semantics = [#tpu.dimension_semantics<arbitrary>], iteration_bounds = array<i64: 8>, scalar_prefetch = 0 : i64, scratch_operands = 0 : i64, tpu.core_type = #tpu.core_type<tc>, window_params = [{transform_indices = @transform_0, window_bounds = array<i64: 1>}, {transform_indices = @transform_1, window_bounds = array<i64: 32, 4096>}]} {
    %get3A = arith.constant 0 : index
    %get3A_0 = memref.load %arg1[%get3A] : memref<1xi32, #tpu.memory_space<smem>>
    %xor3A = arith.constant 0 : i32
    %xor3A_1 = arith.xori %xor3A, %get3A_0 : i32
    %xor3A_2 = arith.constant 466688986 : i32
    %xor3A_3 = arith.xori %xor3A_1, %xor3A_2 : i32
    %iota3A = tpu.iota {dimensions = array<i32: 0>} : vector<32x4096xi32>
    %iota3A_4 = tpu.iota {dimensions = array<i32: 1>} : vector<32x4096xi32>
    %mul3A = arith.constant 4096 : i32
    %mul3A_5 = arith.muli %arg0, %mul3A : i32
    %add3A = vector.broadcast %mul3A_5 : i32 to vector<32x4096xi32>
    %add3A_6 = arith.addi %add3A, %iota3A_4 : vector<32x4096xi32>
    %mul3A_7 = arith.constant 32 : i32
    %mul3A_8 = vector.broadcast %mul3A_7 : i32 to vector<32x4096xi32>
    %mul3A_9 = arith.muli %add3A_6, %mul3A_8 : vector<32x4096xi32>
    %add3A_10 = arith.addi %mul3A_9, %iota3A : vector<32x4096xi32>
    %broadcast_in_dim3A = arith.constant 0 : i32
    %broadcast_in_dim3A_11 = vector.broadcast %broadcast_in_dim3A : i32 to vector<32x4096xi32>
    %add3A_12 = arith.constant 0 : i32
    %add3A_13 = vector.broadcast %add3A_12 : i32 to vector<32x4096xi32>
    %add3A_14 = arith.addi %broadcast_in_dim3A_11, %add3A_13 : vector<32x4096xi32>
    %add3A_15 = vector.broadcast %get3A_0 : i32 to vector<32x4096xi32>
    %add3A_16 = arith.addi %add3A_10, %add3A_15 : vector<32x4096xi32>
    %add3A_17 = arith.addi %add3A_14, %add3A_16 : vector<32x4096xi32>
    %shift_left3A = arith.constant 13 : i32
    %shift_left3A_18 = vector.broadcast %shift_left3A : i32 to vector<32x4096xi32>
    %shift_left3A_19 = arith.shli %add3A_16, %shift_left3A_18 : vector<32x4096xi32>
    %shift_right_logical3A = arith.constant 19 : i32
    %shift_right_logical3A_20 = vector.broadcast %shift_right_logical3A : i32 to vector<32x4096xi32>
    %shift_right_logical3A_21 = arith.shrui %add3A_16, %shift_right_logical3A_20 : vector<32x4096xi32>
    %or3A = arith.ori %shift_left3A_19, %shift_right_logical3A_21 : vector<32x4096xi32>
    %xor3A_22 = arith.xori %add3A_17, %or3A : vector<32x4096xi32>
    %add3A_23 = arith.addi %add3A_17, %xor3A_22 : vector<32x4096xi32>
    %shift_left3A_24 = arith.constant 15 : i32
    %shift_left3A_25 = vector.broadcast %shift_left3A_24 : i32 to vector<32x4096xi32>
    %shift_left3A_26 = arith.shli %xor3A_22, %shift_left3A_25 : vector<32x4096xi32>
    %shift_right_logical3A_27 = arith.constant 17 : i32
    %shift_right_logical3A_28 = vector.broadcast %shift_right_logical3A_27 : i32 to vector<32x4096xi32>
    %shift_right_logical3A_29 = arith.shrui %xor3A_22, %shift_right_logical3A_28 : vector<32x4096xi32>
    %or3A_30 = arith.ori %shift_left3A_26, %shift_right_logical3A_29 : vector<32x4096xi32>
    %xor3A_31 = arith.xori %add3A_23, %or3A_30 : vector<32x4096xi32>
    %add3A_32 = arith.addi %add3A_23, %xor3A_31 : vector<32x4096xi32>
    %shift_left3A_33 = arith.constant 26 : i32
    %shift_left3A_34 = vector.broadcast %shift_left3A_33 : i32 to vector<32x4096xi32>
    %shift_left3A_35 = arith.shli %xor3A_31, %shift_left3A_34 : vector<32x4096xi32>
    %shift_right_logical3A_36 = arith.constant 6 : i32
    %shift_right_logical3A_37 = vector.broadcast %shift_right_logical3A_36 : i32 to vector<32x4096xi32>
    %shift_right_logical3A_38 = arith.shrui %xor3A_31, %shift_right_logical3A_37 : vector<32x4096xi32>
    %or3A_39 = arith.ori %shift_left3A_35, %shift_right_logical3A_38 : vector<32x4096xi32>
    %xor3A_40 = arith.xori %add3A_32, %or3A_39 : vector<32x4096xi32>
    %add3A_41 = arith.addi %add3A_32, %xor3A_40 : vector<32x4096xi32>
    %shift_left3A_42 = arith.constant 6 : i32
    %shift_left3A_43 = vector.broadcast %shift_left3A_42 : i32 to vector<32x4096xi32>
    %shift_left3A_44 = arith.shli %xor3A_40, %shift_left3A_43 : vector<32x4096xi32>
    %shift_right_logical3A_45 = arith.constant 26 : i32
    %shift_right_logical3A_46 = vector.broadcast %shift_right_logical3A_45 : i32 to vector<32x4096xi32>
    %shift_right_logical3A_47 = arith.shrui %xor3A_40, %shift_right_logical3A_46 : vector<32x4096xi32>
    %or3A_48 = arith.ori %shift_left3A_44, %shift_right_logical3A_47 : vector<32x4096xi32>
    %xor3A_49 = arith.xori %add3A_41, %or3A_48 : vector<32x4096xi32>
    %add3A_50 = vector.broadcast %get3A_0 : i32 to vector<32x4096xi32>
    %add3A_51 = arith.addi %add3A_41, %add3A_50 : vector<32x4096xi32>
    %add3A_52 = arith.constant 1 : i32
    %add3A_53 = arith.addi %xor3A_3, %add3A_52 : i32
    %add3A_54 = vector.broadcast %add3A_53 : i32 to vector<32x4096xi32>
    %add3A_55 = arith.addi %xor3A_49, %add3A_54 : vector<32x4096xi32>
    %add3A_56 = arith.addi %add3A_51, %add3A_55 : vector<32x4096xi32>
    %shift_left3A_57 = arith.constant 17 : i32
    %shift_left3A_58 = vector.broadcast %shift_left3A_57 : i32 to vector<32x4096xi32>
    %shift_left3A_59 = arith.shli %add3A_55, %shift_left3A_58 : vector<32x4096xi32>
    %shift_right_logical3A_60 = arith.constant 15 : i32
    %shift_right_logical3A_61 = vector.broadcast %shift_right_logical3A_60 : i32 to vector<32x4096xi32>
    %shift_right_logical3A_62 = arith.shrui %add3A_55, %shift_right_logical3A_61 : vector<32x4096xi32>
    %or3A_63 = arith.ori %shift_left3A_59, %shift_right_logical3A_62 : vector<32x4096xi32>
    %xor3A_64 = arith.xori %add3A_56, %or3A_63 : vector<32x4096xi32>
    %add3A_65 = arith.addi %add3A_56, %xor3A_64 : vector<32x4096xi32>
    %shift_left3A_66 = arith.constant 29 : i32
    %shift_left3A_67 = vector.broadcast %shift_left3A_66 : i32 to vector<32x4096xi32>
    %shift_left3A_68 = arith.shli %xor3A_64, %shift_left3A_67 : vector<32x4096xi32>
    %shift_right_logical3A_69 = arith.constant 3 : i32
    %shift_right_logical3A_70 = vector.broadcast %shift_right_logical3A_69 : i32 to vector<32x4096xi32>
    %shift_right_logical3A_71 = arith.shrui %xor3A_64, %shift_right_logical3A_70 : vector<32x4096xi32>
    %or3A_72 = arith.ori %shift_left3A_68, %shift_right_logical3A_71 : vector<32x4096xi32>
    %xor3A_73 = arith.xori %add3A_65, %or3A_72 : vector<32x4096xi32>
    %add3A_74 = arith.addi %add3A_65, %xor3A_73 : vector<32x4096xi32>
    %shift_left3A_75 = arith.constant 16 : i32
    %shift_left3A_76 = vector.broadcast %shift_left3A_75 : i32 to vector<32x4096xi32>
    %shift_left3A_77 = arith.shli %xor3A_73, %shift_left3A_76 : vector<32x4096xi32>
    %shift_right_logical3A_78 = arith.constant 16 : i32
    %shift_right_logical3A_79 = vector.broadcast %shift_right_logical3A_78 : i32 to vector<32x4096xi32>
    %shift_right_logical3A_80 = arith.shrui %xor3A_73, %shift_right_logical3A_79 : vector<32x4096xi32>
    %or3A_81 = arith.ori %shift_left3A_77, %shift_right_logical3A_80 : vector<32x4096xi32>
    %xor3A_82 = arith.xori %add3A_74, %or3A_81 : vector<32x4096xi32>
    %add3A_83 = arith.addi %add3A_74, %xor3A_82 : vector<32x4096xi32>
    %shift_left3A_84 = arith.constant 24 : i32
    %shift_left3A_85 = vector.broadcast %shift_left3A_84 : i32 to vector<32x4096xi32>
    %shift_left3A_86 = arith.shli %xor3A_82, %shift_left3A_85 : vector<32x4096xi32>
    %shift_right_logical3A_87 = arith.constant 8 : i32
    %shift_right_logical3A_88 = vector.broadcast %shift_right_logical3A_87 : i32 to vector<32x4096xi32>
    %shift_right_logical3A_89 = arith.shrui %xor3A_82, %shift_right_logical3A_88 : vector<32x4096xi32>
    %or3A_90 = arith.ori %shift_left3A_86, %shift_right_logical3A_89 : vector<32x4096xi32>
    %xor3A_91 = arith.xori %add3A_83, %or3A_90 : vector<32x4096xi32>
    %add3A_92 = vector.broadcast %xor3A_3 : i32 to vector<32x4096xi32>
    %add3A_93 = arith.addi %add3A_83, %add3A_92 : vector<32x4096xi32>
    %add3A_94 = arith.constant 0 : i32
    %add3A_95 = arith.constant 2 : i32
    %add3A_96 = arith.addi %add3A_94, %add3A_95 : i32
    %add3A_97 = vector.broadcast %add3A_96 : i32 to vector<32x4096xi32>
    %add3A_98 = arith.addi %xor3A_91, %add3A_97 : vector<32x4096xi32>
    %add3A_99 = arith.addi %add3A_93, %add3A_98 : vector<32x4096xi32>
    %shift_left3A_100 = arith.constant 13 : i32
    %shift_left3A_101 = vector.broadcast %shift_left3A_100 : i32 to vector<32x4096xi32>
    %shift_left3A_102 = arith.shli %add3A_98, %shift_left3A_101 : vector<32x4096xi32>
    %shift_right_logical3A_103 = arith.constant 19 : i32
    %shift_right_logical3A_104 = vector.broadcast %shift_right_logical3A_103 : i32 to vector<32x4096xi32>
    %shift_right_logical3A_105 = arith.shrui %add3A_98, %shift_right_logical3A_104 : vector<32x4096xi32>
    %or3A_106 = arith.ori %shift_left3A_102, %shift_right_logical3A_105 : vector<32x4096xi32>
    %xor3A_107 = arith.xori %add3A_99, %or3A_106 : vector<32x4096xi32>
    %add3A_108 = arith.addi %add3A_99, %xor3A_107 : vector<32x4096xi32>
    %shift_left3A_109 = arith.constant 15 : i32
    %shift_left3A_110 = vector.broadcast %shift_left3A_109 : i32 to vector<32x4096xi32>
    %shift_left3A_111 = arith.shli %xor3A_107, %shift_left3A_110 : vector<32x4096xi32>
    %shift_right_logical3A_112 = arith.constant 17 : i32
    %shift_right_logical3A_113 = vector.broadcast %shift_right_logical3A_112 : i32 to vector<32x4096xi32>
    %shift_right_logical3A_114 = arith.shrui %xor3A_107, %shift_right_logical3A_113 : vector<32x4096xi32>
    %or3A_115 = arith.ori %shift_left3A_111, %shift_right_logical3A_114 : vector<32x4096xi32>
    %xor3A_116 = arith.xori %add3A_108, %or3A_115 : vector<32x4096xi32>
    %add3A_117 = arith.addi %add3A_108, %xor3A_116 : vector<32x4096xi32>
    %shift_left3A_118 = arith.constant 26 : i32
    %shift_left3A_119 = vector.broadcast %shift_left3A_118 : i32 to vector<32x4096xi32>
    %shift_left3A_120 = arith.shli %xor3A_116, %shift_left3A_119 : vector<32x4096xi32>
    %shift_right_logical3A_121 = arith.constant 6 : i32
    %shift_right_logical3A_122 = vector.broadcast %shift_right_logical3A_121 : i32 to vector<32x4096xi32>
    %shift_right_logical3A_123 = arith.shrui %xor3A_116, %shift_right_logical3A_122 : vector<32x4096xi32>
    %or3A_124 = arith.ori %shift_left3A_120, %shift_right_logical3A_123 : vector<32x4096xi32>
    %xor3A_125 = arith.xori %add3A_117, %or3A_124 : vector<32x4096xi32>
    %add3A_126 = arith.addi %add3A_117, %xor3A_125 : vector<32x4096xi32>
    %shift_left3A_127 = arith.constant 6 : i32
    %shift_left3A_128 = vector.broadcast %shift_left3A_127 : i32 to vector<32x4096xi32>
    %shift_left3A_129 = arith.shli %xor3A_125, %shift_left3A_128 : vector<32x4096xi32>
    %shift_right_logical3A_130 = arith.constant 26 : i32
    %shift_right_logical3A_131 = vector.broadcast %shift_right_logical3A_130 : i32 to vector<32x4096xi32>
    %shift_right_logical3A_132 = arith.shrui %xor3A_125, %shift_right_logical3A_131 : vector<32x4096xi32>
    %or3A_133 = arith.ori %shift_left3A_129, %shift_right_logical3A_132 : vector<32x4096xi32>
    %xor3A_134 = arith.xori %add3A_126, %or3A_133 : vector<32x4096xi32>
    %add3A_135 = arith.constant 0 : i32
    %add3A_136 = vector.broadcast %add3A_135 : i32 to vector<32x4096xi32>
    %add3A_137 = arith.addi %add3A_126, %add3A_136 : vector<32x4096xi32>
    %add3A_138 = arith.constant 3 : i32
    %add3A_139 = arith.addi %get3A_0, %add3A_138 : i32
    %add3A_140 = vector.broadcast %add3A_139 : i32 to vector<32x4096xi32>
    %add3A_141 = arith.addi %xor3A_134, %add3A_140 : vector<32x4096xi32>
    %add3A_142 = arith.addi %add3A_137, %add3A_141 : vector<32x4096xi32>
    %shift_left3A_143 = arith.constant 17 : i32
    %shift_left3A_144 = vector.broadcast %shift_left3A_143 : i32 to vector<32x4096xi32>
    %shift_left3A_145 = arith.shli %add3A_141, %shift_left3A_144 : vector<32x4096xi32>
    %shift_right_logical3A_146 = arith.constant 15 : i32
    %shift_right_logical3A_147 = vector.broadcast %shift_right_logical3A_146 : i32 to vector<32x4096xi32>
    %shift_right_logical3A_148 = arith.shrui %add3A_141, %shift_right_logical3A_147 : vector<32x4096xi32>
    %or3A_149 = arith.ori %shift_left3A_145, %shift_right_logical3A_148 : vector<32x4096xi32>
    %xor3A_150 = arith.xori %add3A_142, %or3A_149 : vector<32x4096xi32>
    %add3A_151 = arith.addi %add3A_142, %xor3A_150 : vector<32x4096xi32>
    %shift_left3A_152 = arith.constant 29 : i32
    %shift_left3A_153 = vector.broadcast %shift_left3A_152 : i32 to vector<32x4096xi32>
    %shift_left3A_154 = arith.shli %xor3A_150, %shift_left3A_153 : vector<32x4096xi32>
    %shift_right_logical3A_155 = arith.constant 3 : i32
    %shift_right_logical3A_156 = vector.broadcast %shift_right_logical3A_155 : i32 to vector<32x4096xi32>
    %shift_right_logical3A_157 = arith.shrui %xor3A_150, %shift_right_logical3A_156 : vector<32x4096xi32>
    %or3A_158 = arith.ori %shift_left3A_154, %shift_right_logical3A_157 : vector<32x4096xi32>
    %xor3A_159 = arith.xori %add3A_151, %or3A_158 : vector<32x4096xi32>
    %add3A_160 = arith.addi %add3A_151, %xor3A_159 : vector<32x4096xi32>
    %shift_left3A_161 = arith.constant 16 : i32
    %shift_left3A_162 = vector.broadcast %shift_left3A_161 : i32 to vector<32x4096xi32>
    %shift_left3A_163 = arith.shli %xor3A_159, %shift_left3A_162 : vector<32x4096xi32>
    %shift_right_logical3A_164 = arith.constant 16 : i32
    %shift_right_logical3A_165 = vector.broadcast %shift_right_logical3A_164 : i32 to vector<32x4096xi32>
    %shift_right_logical3A_166 = arith.shrui %xor3A_159, %shift_right_logical3A_165 : vector<32x4096xi32>
    %or3A_167 = arith.ori %shift_left3A_163, %shift_right_logical3A_166 : vector<32x4096xi32>
    %xor3A_168 = arith.xori %add3A_160, %or3A_167 : vector<32x4096xi32>
    %add3A_169 = arith.addi %add3A_160, %xor3A_168 : vector<32x4096xi32>
    %shift_left3A_170 = arith.constant 24 : i32
    %shift_left3A_171 = vector.broadcast %shift_left3A_170 : i32 to vector<32x4096xi32>
    %shift_left3A_172 = arith.shli %xor3A_168, %shift_left3A_171 : vector<32x4096xi32>
    %shift_right_logical3A_173 = arith.constant 8 : i32
    %shift_right_logical3A_174 = vector.broadcast %shift_right_logical3A_173 : i32 to vector<32x4096xi32>
    %shift_right_logical3A_175 = arith.shrui %xor3A_168, %shift_right_logical3A_174 : vector<32x4096xi32>
    %or3A_176 = arith.ori %shift_left3A_172, %shift_right_logical3A_175 : vector<32x4096xi32>
    %xor3A_177 = arith.xori %add3A_169, %or3A_176 : vector<32x4096xi32>
    %add3A_178 = vector.broadcast %get3A_0 : i32 to vector<32x4096xi32>
    %add3A_179 = arith.addi %add3A_169, %add3A_178 : vector<32x4096xi32>
    %add3A_180 = arith.constant 4 : i32
    %add3A_181 = arith.addi %xor3A_3, %add3A_180 : i32
    %add3A_182 = vector.broadcast %add3A_181 : i32 to vector<32x4096xi32>
    %add3A_183 = arith.addi %xor3A_177, %add3A_182 : vector<32x4096xi32>
    %add3A_184 = arith.addi %add3A_179, %add3A_183 : vector<32x4096xi32>
    %shift_left3A_185 = arith.constant 13 : i32
    %shift_left3A_186 = vector.broadcast %shift_left3A_185 : i32 to vector<32x4096xi32>
    %shift_left3A_187 = arith.shli %add3A_183, %shift_left3A_186 : vector<32x4096xi32>
    %shift_right_logical3A_188 = arith.constant 19 : i32
    %shift_right_logical3A_189 = vector.broadcast %shift_right_logical3A_188 : i32 to vector<32x4096xi32>
    %shift_right_logical3A_190 = arith.shrui %add3A_183, %shift_right_logical3A_189 : vector<32x4096xi32>
    %or3A_191 = arith.ori %shift_left3A_187, %shift_right_logical3A_190 : vector<32x4096xi32>
    %xor3A_192 = arith.xori %add3A_184, %or3A_191 : vector<32x4096xi32>
    %add3A_193 = arith.addi %add3A_184, %xor3A_192 : vector<32x4096xi32>
    %shift_left3A_194 = arith.constant 15 : i32
    %shift_left3A_195 = vector.broadcast %shift_left3A_194 : i32 to vector<32x4096xi32>
    %shift_left3A_196 = arith.shli %xor3A_192, %shift_left3A_195 : vector<32x4096xi32>
    %shift_right_logical3A_197 = arith.constant 17 : i32
    %shift_right_logical3A_198 = vector.broadcast %shift_right_logical3A_197 : i32 to vector<32x4096xi32>
    %shift_right_logical3A_199 = arith.shrui %xor3A_192, %shift_right_logical3A_198 : vector<32x4096xi32>
    %or3A_200 = arith.ori %shift_left3A_196, %shift_right_logical3A_199 : vector<32x4096xi32>
    %xor3A_201 = arith.xori %add3A_193, %or3A_200 : vector<32x4096xi32>
    %add3A_202 = arith.addi %add3A_193, %xor3A_201 : vector<32x4096xi32>
    %shift_left3A_203 = arith.constant 26 : i32
    %shift_left3A_204 = vector.broadcast %shift_left3A_203 : i32 to vector<32x4096xi32>
    %shift_left3A_205 = arith.shli %xor3A_201, %shift_left3A_204 : vector<32x4096xi32>
    %shift_right_logical3A_206 = arith.constant 6 : i32
    %shift_right_logical3A_207 = vector.broadcast %shift_right_logical3A_206 : i32 to vector<32x4096xi32>
    %shift_right_logical3A_208 = arith.shrui %xor3A_201, %shift_right_logical3A_207 : vector<32x4096xi32>
    %or3A_209 = arith.ori %shift_left3A_205, %shift_right_logical3A_208 : vector<32x4096xi32>
    %xor3A_210 = arith.xori %add3A_202, %or3A_209 : vector<32x4096xi32>
    %add3A_211 = arith.addi %add3A_202, %xor3A_210 : vector<32x4096xi32>
    %shift_left3A_212 = arith.constant 6 : i32
    %shift_left3A_213 = vector.broadcast %shift_left3A_212 : i32 to vector<32x4096xi32>
    %shift_left3A_214 = arith.shli %xor3A_210, %shift_left3A_213 : vector<32x4096xi32>
    %shift_right_logical3A_215 = arith.constant 26 : i32
    %shift_right_logical3A_216 = vector.broadcast %shift_right_logical3A_215 : i32 to vector<32x4096xi32>
    %shift_right_logical3A_217 = arith.shrui %xor3A_210, %shift_right_logical3A_216 : vector<32x4096xi32>
    %or3A_218 = arith.ori %shift_left3A_214, %shift_right_logical3A_217 : vector<32x4096xi32>
    %xor3A_219 = arith.xori %add3A_211, %or3A_218 : vector<32x4096xi32>
    %add3A_220 = vector.broadcast %xor3A_3 : i32 to vector<32x4096xi32>
    %add3A_221 = arith.addi %add3A_211, %add3A_220 : vector<32x4096xi32>
    %add3A_222 = arith.constant 0 : i32
    %add3A_223 = arith.constant 5 : i32
    %add3A_224 = arith.addi %add3A_222, %add3A_223 : i32
    %add3A_225 = vector.broadcast %add3A_224 : i32 to vector<32x4096xi32>
    %add3A_226 = arith.addi %xor3A_219, %add3A_225 : vector<32x4096xi32>
    %shift_right_logical3A_227 = arith.constant 12 : i32
    %shift_right_logical3A_228 = vector.broadcast %shift_right_logical3A_227 : i32 to vector<32x4096xi32>
    %shift_right_logical3A_229 = arith.shrui %add3A_226, %shift_right_logical3A_228 : vector<32x4096xi32>
    %convert_element_type3A = arith.uitofp %add3A_221 : vector<32x4096xi32> to vector<32x4096xf32>
    %mul3A_230 = arith.constant 2.32830644E-10 : f32
    %mul3A_231 = vector.broadcast %mul3A_230 : f32 to vector<32x4096xf32>
    %mul3A_232 = arith.mulf %convert_element_type3A, %mul3A_231 : vector<32x4096xf32>
    %convert_element_type3A_233 = arith.uitofp %shift_right_logical3A_229 : vector<32x4096xi32> to vector<32x4096xf32>
    %mul3A_234 = arith.constant 2.22044605E-16 : f32
    %mul3A_235 = vector.broadcast %mul3A_234 : f32 to vector<32x4096xf32>
    %mul3A_236 = arith.mulf %convert_element_type3A_233, %mul3A_235 : vector<32x4096xf32>
    %add3A_237 = arith.addf %mul3A_232, %mul3A_236 : vector<32x4096xf32>
    %xor3A_238 = arith.constant -1 : i32
    %xor3A_239 = vector.broadcast %xor3A_238 : i32 to vector<32x4096xi32>
    %xor3A_240 = arith.xori %add3A_221, %xor3A_239 : vector<32x4096xi32>
    %sub3A = arith.constant 1048576 : i32
    %sub3A_241 = vector.broadcast %sub3A : i32 to vector<32x4096xi32>
    %sub3A_242 = arith.subi %sub3A_241, %shift_right_logical3A_229 : vector<32x4096xi32>
    %convert_element_type3A_243 = arith.uitofp %xor3A_240 : vector<32x4096xi32> to vector<32x4096xf32>
    %mul3A_244 = arith.constant 2.32830644E-10 : f32
    %mul3A_245 = vector.broadcast %mul3A_244 : f32 to vector<32x4096xf32>
    %mul3A_246 = arith.mulf %convert_element_type3A_243, %mul3A_245 : vector<32x4096xf32>
    %convert_element_type3A_247 = arith.uitofp %sub3A_242 : vector<32x4096xi32> to vector<32x4096xf32>
    %mul3A_248 = arith.constant 2.22044605E-16 : f32
    %mul3A_249 = vector.broadcast %mul3A_248 : f32 to vector<32x4096xf32>
    %mul3A_250 = arith.mulf %convert_element_type3A_247, %mul3A_249 : vector<32x4096xf32>
    %add3A_251 = arith.addf %mul3A_246, %mul3A_250 : vector<32x4096xf32>
    %neg3A = arith.constant 0.000000e+00 : f32
    %neg3A_252 = vector.broadcast %neg3A : f32 to vector<32x4096xf32>
    %neg3A_253 = arith.subf %neg3A_252, %add3A_251 : vector<32x4096xf32>
    %lt3A = arith.constant 5.000000e-01 : f32
    %lt3A_254 = vector.broadcast %lt3A : f32 to vector<32x4096xf32>
    %lt3A_255 = arith.cmpf olt, %add3A_237, %lt3A_254 : vector<32x4096xf32>
    %log3A = math.log %add3A_237 : vector<32x4096xf32>
    %log1p3A = math.log1p %neg3A_253 : vector<32x4096xf32>
    %select_n3A = arith.select %lt3A_255, %log3A, %log1p3A : vector<32x4096xi1>, vector<32x4096xf32>
    %div3A = arith.constant -1.000000e+00 : f32
    %div3A_256 = vector.broadcast %div3A : f32 to vector<32x4096xf32>
    %div3A_257 = arith.divf %div3A_256, %select_n3A : vector<32x4096xf32>
    %swap3A = arith.constant 0 : index
    %swap3A_258 = arith.constant 0 : index
    %swap3A_259 = vector.load %arg2[%swap3A, %swap3A_258] : memref<32x4096xf32, #tpu.memory_space<vmem>>, vector<32x4096xf32>
    tpu.vector_store %arg2[%swap3A, %swap3A_258], %div3A_257 {strides = array<i32>} : memref<32x4096xf32, #tpu.memory_space<vmem>>, vector<32x4096xf32>,
    return
  }
  func.func @transform_0(%arg0: i32) -> i32 {
    %c0_i32 = arith.constant 0 : i32
    %c0_i32_0 = arith.constant 0 : i32
    return %c0_i32 : i32
  }
  func.func @transform_1(%arg0: i32) -> (i32, i32) {
    %c0_i32 = arith.constant 0 : i32
    %c0_i32_0 = arith.constant 0 : i32
    return %c0_i32, %arg0 : i32, i32
  }
}

</mosaic_0001>

<sc_bundles>
// kernel: kernel.4.cloned.1.call-start
scs
__scs_entry_jumppad:
0x0: {  	(pc) =	sbr.rel $0x88, $3  }
0x1: {  	(tag) =	ssettag $0x0;
	lr =	simm.s32 $0x1  }
0x2: {  	[smem:$0x3F9D] =	sst lr;
	_ =	strace $0xD0000000  }
0x3: {  	_ = 	snop  }
0x4: {  	_ = 	snop  }
0x5: {  	_ = 	snop  }
0x6: {  	_ = 	snop  }
0x7: {  	_ = 	snop  }
__scs_overlays_trampoline_lowered:
0x8: {  	[smem:$0x3FAC] =	sst s0  }
0x9: {  	[smem:$0x3FAD] =	sst s1  }
0xa: {  	[smem:$0x3FAE] =	sst s2  }
0xb: {  	[smem:$0x3FAF] =	sst s3  }
0xc: {  	[smem:$0x3FB0] =	sst s4  }
0xd: {  	[smem:$0x3FB1] =	sst s5  }
0xe: {  	[smem:$0x3FB2] =	sst s6  }
0xf: {  	[smem:$0x3FB3] =	sst s7  }
0x10: {  	[smem:$0x3FB4] =	sst s8  }
0x11: {  	[smem:$0x3FB5] =	sst s9;
	s0 =	simm.s32 @!p0 $0x0  }
0x12: {  	s1 =	sld [smem:$0x3F9B];
	s0 =	simm.s32 @p0 $0x1  }
0x13: {  	[smem:$0x3FB6] =	sst s0;
	s0 =	simm.s32 @!p1 $0x0  }
0x14: {  	s2 =	sld [smem:$0x3F9A];
	s0 =	simm.s32 @p1 $0x1  }
0x15: {  	[smem:$0x3FB7] =	sst s0;
	s0 =	simm.s32 @!p2 $0x0  }
0x16: {  	s3 =	sld [smem:$0x3FDB];
	s0 =	simm.s32 @p2 $0x1  }
0x17: {  	s4 =	simm.s32 $0x1BF5;
	[smem:$0x3FB9] =	sst s0  }
0x18: {  	s0 =	sld [smem:$0x3F9C];
	_ =	swait.ge [sflag:s4], $0x0  }
0x19: {  	s7 =	sld [smem:$0x3F9D]  }
0x1a: {  	s8 =	sadd.s32 $0xFFFFE003, lr  }
0x1b: {  	s9 =	sadd.s32 $0xFFFFFEF7, lr;
	s5 =	simm.s32 $0xFFFFFFFF;
	p2 =	slt.u32 s8, $0xFFFFF086  }
0x1c: {  	p1 =	slt.u32 s9, $0xF7A;
	s5 =	simm.s32 @!p2 $0x0  }
0x1d: {  	s5 =	simm.s32 @p1 $0x1;
	p0 =	seq.s32 s7, s2  }
0x1e: {  	s7 =	smul.u32 @!p0 $0xF7A, s2;
	p2 =	seq.s32 @!p0 s5, $0x0  }
0x1f: {  	s9 =	smul.u32 $0xF7A, s1;
	s8 =	simm.s32 @!p0 $0x1BF5;
	p2 =	por !p2, p0  }
0x20: {  	[sflag:s8] =	ssyncset.s32 @!p0 $0xFFFFF086;
	s6 =	sadd.s32 @!p0 s3, s7;
	s7 =	simm.s32 @!p0 $0x108  }
0x21: {  	s3 =	sadd.s32 s3, s9;
	s6 =	sadd.s32 @!p0 $0x88, s6;
	s7 =	simm.s32 @p2 $0x1082  }
0x22: {  	[simem:s7], [sflag:s8] =	dma.local @!p0 [hbm:s6], $0xF7A  }
0x23: {  	s9 =	sor.u32 $0xD0000000, s2;
	s6 =	simm.s32 $0x108;
	_ =	swait.ge @!p0 [sflag:s8], $0x0  }
0x24: {  	s3 =	sadd.s32 $0x88, s3;
	s6 =	simm.s32 @!p1 $0x1082;
	[sflag:s4] =	ssyncset.s32 $0xFFFFF086  }
0x25: {  	[simem:s6], [sflag:s4] =	dma.local [hbm:s3], $0xF7A  }
0x26: {  	[smem:$0x3F9D] =	sst s1;
	(tag) =	ssettag s2;
	_ =	strace s9  }
0x27: {  	s1 =	sld [smem:$0x3FAD]  }
0x28: {  	s2 =	sld [smem:$0x3FAE]  }
0x29: {  	s4 =	sld [smem:$0x3FB0]  }
0x2a: {  	p0 =	seq.s32 s5, $0x0;
	s5 =	sld [smem:$0x3FB1]  }
0x2b: {  	s6 =	sld [smem:$0x3FB2]  }
0x2c: {  	s7 =	sld [smem:$0x3FB3]  }
0x2d: {  	s3 =	simm.s32 $0x108;
	s8 =	sld [smem:$0x3FB4]  }
0x2e: {  	s3 =	simm.s32 @!p0 $0x1082;
	s9 =	sld [smem:$0x3FB5]  }
0x2f: {  	lr =	sadd.s32 s0, s3;
	s0 =	sld [smem:$0x3FAC]  }
0x30: {  	s3 =	sld [smem:$0x3FAF]  }
0x31: {  	[smem:$0x3FB8] =	sst s10  }
0x32: {  	s10 =	sld [smem:$0x3FB6];
	_ =	sdelay $0x3  }
0x33: {  	p0 =	seq.s32 s10, $0x1;
	s10 =	sld [smem:$0x3FB8];
	_ =	sdelay $0x3  }
0x34: {  	[smem:$0x3FB8] =	sst s10  }
0x35: {  	s10 =	sld [smem:$0x3FB7];
	_ =	sdelay $0x3  }
0x36: {  	p1 =	seq.s32 s10, $0x1;
	s10 =	sld [smem:$0x3FB8];
	_ =	sdelay $0x3  }
0x37: {  	[smem:$0x3FB8] =	sst s10  }
0x38: {  	s10 =	sld [smem:$0x3FB9]  }
0x39: {  	_ = 	snop;
	(pc) =	sbr.ind lr, $3  }
0x3a: {  	_ = 	snop  }
0x3b: {  	_ = 	snop  }
0x3c: {  	p2 =	seq.s32 s10, $0x1;
	s10 =	sld [smem:$0x3FB8]  }
0x3d: {  	_ =	shalt  }
0x3e: {  	_ =	shalt  }
0x3f: {  	_ =	shalt  }
0x40: {  	_ =	shalt  }
0x41: {  	_ =	shalt  }
0x42: {  	_ =	shalt  }
0x43: {  	_ =	shalt  }
0x44: {  	_ =	shalt  }
0x45: {  	_ =	shalt  }
0x46: {  	_ =	shalt  }
0x47: {  	_ =	shalt  }
0x48: {  	_ =	shalt  }
0x49: {  	_ =	shalt  }
0x4a: {  	_ =	shalt  }
0x4b: {  	_ =	shalt  }
0x4c: {  	_ =	shalt  }
0x4d: {  	_ =	shalt  }
0x4e: {  	_ =	shalt  }
0x4f: {  	_ =	shalt  }
0x50: {  	_ =	shalt  }
0x51: {  	_ =	shalt  }
0x52: {  	_ =	shalt  }
0x53: {  	_ =	shalt  }
0x54: {  	_ =	shalt  }
0x55: {  	_ =	shalt  }
0x56: {  	_ =	shalt  }
0x57: {  	_ =	shalt  }
0x58: {  	_ =	shalt  }
0x59: {  	_ =	shalt  }
0x5a: {  	_ =	shalt  }
0x5b: {  	_ =	shalt  }
0x5c: {  	_ =	shalt  }
0x5d: {  	_ =	shalt  }
0x5e: {  	_ =	shalt  }
0x5f: {  	_ =	shalt  }
0x60: {  	_ =	shalt  }
0x61: {  	_ =	shalt  }
0x62: {  	_ =	shalt  }
0x63: {  	_ =	shalt  }
0x64: {  	_ =	shalt  }
0x65: {  	_ =	shalt  }
0x66: {  	_ =	shalt  }
0x67: {  	_ =	shalt  }
0x68: {  	_ =	shalt  }
0x69: {  	_ =	shalt  }
0x6a: {  	_ =	shalt  }
0x6b: {  	_ =	shalt  }
0x6c: {  	_ =	shalt  }
0x6d: {  	_ =	shalt  }
0x6e: {  	_ =	shalt  }
0x6f: {  	_ =	shalt  }
0x70: {  	_ =	shalt  }
0x71: {  	_ =	shalt  }
0x72: {  	_ =	shalt  }
0x73: {  	_ =	shalt  }
0x74: {  	_ =	shalt  }
0x75: {  	_ =	shalt  }
0x76: {  	_ =	shalt  }
0x77: {  	_ =	shalt  }
0x78: {  	_ =	shalt  }
0x79: {  	_ =	shalt  }
0x7a: {  	_ =	shalt  }
0x7b: {  	_ =	shalt  }
0x7c: {  	_ =	shalt  }
0x7d: {  	_ =	shalt  }
0x7e: {  	_ =	shalt  }
0x7f: {  	_ =	shalt  }
0x80: {  	_ =	shalt  }
0x81: {  	_ =	shalt  }
0x82: {  	_ =	shalt  }
0x83: {  	_ =	shalt  }
0x84: {  	_ =	shalt  }
0x85: {  	_ =	shalt  }
0x86: {  	_ =	shalt  }
0x87: {  	_ =	shalt  }
.Lfunc_end0:
.L_simem_size_0:
called_computation_lowered:
.L_overlay_start_0:
0x88: {  	s2 =	sld [smem:$0x3FD9]  }
0x89: {  	s3 =	sld [smem:$0x3FFE];
	_ =	sdelay $0x1  }
0x8a: {  	s1 =	srdreg.scid  }
0x8b: {  	s0 =	sand.u32 $0x1, s1  }
0x8c: {  	s17 =	sshll.u32 s0, $0xA;
	s2 =	sadd.s32 s3, s2  }
0x8d: {  	s2 =	sadd.s32 s2, s17  }
0x8e: {  	[smem:$0x3FC4] =	sst s2  }
0x8f: {  	_ = 	snop  }
0x90: {  	s2 =	sld [smem:$0x3FC8]  }
0x91: {  	s18 =	sld [smem:$0x3FD0];
	(tm) =	ssettm $0x1  }
0x92: {  	s4 =	sld [smem:$0x3FFB];
	_ =	sdelay $0x3  }
0x93: {  	_ =	strace s4  }
0x94: {  	s4 =	sld [smem:$0x3FFC];
	_ =	sdelay $0x3  }
0x95: {  	_ =	strace s4  }
0x96: {  	s4 =	sld [smem:$0x3FFD];
	_ =	sdelay $0x3  }
0x97: {  	_ =	strace s4  }
0x98: {  	_ =	strace $0x8FFFFFFF  }
0x99: {  	s19 =	sld [smem:$0x3FDB];
	_ =	sdelay $0x1  }
0x9a: {  	s5 =	simm.s32 $_scs_section_size  }
0x9b: {  	s6 =	simm.s32 $_size__tile_overlayer_lowered;
	s7 =	simm.s32 $_tile_overlayer_lowered  }
0x9c: {  	s22 =	simm.s32 $0x1BFF;
	s21 =	sshll.u32 s7, $0x1;
	s4 =	sadd.s32 s5, s19  }
0x9d: {  	s8 =	simm.s32 $0x0;
	s20 =	sshll.u32 s6, $0x1;
	s6 =	sadd.s32 s21, s4  }
0x9e: {  	[timem:s8], [sflag:s22] =	dma.local [hbm:s6], s20  }
0x9f: {  	_ =	swait.ge [sflag:s22], s20  }
0xa0: {  	s5 =	ssub.s32 $0x0, s20;
	[sflag:s22] =	ssyncset.done $0x0  }
0xa1: {  	[sflag:s22] =	ssyncadd.s32 s5;
	_ =	sdelay $0x1  }
0xa2: {  	s23 =	simm.s32 $0x1B8B  }
0xa3: {  	_ =	swait.ge [sflag:s23], $0x1  }
0xa4: {  	[sflag:s23] =	ssyncset.done $0x0  }
0xa5: {  	s25 =	simm.s32 $0x1B8E;
	s24 =	sld [smem:$0x3FFE];
	[sflag:s23] =	ssyncadd.s32 $0xFFFFFFFF  }
0xa6: {  	s26 =	simm.s32 $execute0_lowered;
	[smem:$0x3FD2] =	sst s25  }
0xa7: {  	s6 =	sshll.u32 s26, $0x1;
	_ =	strace $0x80000046;
	[dreg:$0x1] =	wrdreg $0xFFFFFFFF  }
0xa8: {  	s28 =	simm.s32 $_size_execute0_lowered;
	s4 =	sadd.s32 s4, s6;
	[dreg:$0x0] =	wrdreg $0x0  }
0xa9: {  	s6 =	sshll.u32 s28, $0x1;
	[dreg:$0x2] =	wrdreg s4  }
0xaa: {  	[dreg:$0x3] =	wrdreg s6  }
0xab: {  	[dreg:$0x4] =	wrdreg $0xC0  }
0xac: {  	_ =	task [dreg:s8], $0x5FFFF  }
0xad: {  	[dreg:$0x1] =	wrdreg $0xFFFFFFFF  }
0xae: {  	[dreg:$0x0] =	wrdreg $0x60  }
0xaf: {  	[dreg:$0x2] =	wrdreg s2  }
0xb0: {  	[dreg:$0x3] =	wrdreg s24  }
0xb1: {  	[dreg:$0x4] =	wrdreg s18  }
0xb2: {  	[dreg:$0x5] =	wrdreg $0x9  }
0xb3: {  	_ =	task.clear_ibuf [dreg:s8], $0x6FFFF;
	_ =	strace $0x90000046  }
0xb4: {  	s29 =	simm.s32 $0x9;
	_ =	strace $0x80000048  }
0xb5: {  	_ =	swait.ge [sflag:s29], $0x1  }
0xb6: {  	[sflag:s29] =	ssyncadd.s32 $0xFFFFFFFF  }
0xb7: {  	_ =	strace $0x90000048  }
0xb8: {  	_ =	sfence  }
0xb9: {  	s30 =	sld [smem:$0x0];
	_ =	sdelay $0x2  }
0xba: {  	s31 =	sshll.u32 s1, $0xD;
	s1 =	sshrl.u32 s1, $0x2  }
0xbb: {  	s3 =	sand.u32 $0x4000, s31;
	s1 =	sadd.s32 s1, s30  }
0xbc: {  	s0 =	sor.u32 s3, s0;
	s1 =	sshll.u32 s1, $0x11  }
0xbd: {  	s0 =	sor.u32 s1, s0  }
0xbe: {  	s0 =	sadd.s32 $0x8F2B, s0  }
0xbf: {  	[sflag:s0] =	ssyncadd.remote.s32 $0x1  }
0xc0: {  	_ =	sfence.sel $0xFFFF  }
0xc1: {  	[dreg:$0x0] =	wrdreg $0xFFFFFFFF;
	(pc) =	sbr.abs _section_cstart, $3  }
0xc2: {  	[dreg:$0x1] =	wrdreg $0xFFFFFFFF  }
0xc3: {  	_ =	task.clear_ibuf [dreg:s8], $0x2FFFF;
	_ =	strace $0x9FFFFFFF  }
0xc4: {  	(tm) =	ssettm $0x7FFFFFFF  }
0xc5: {  	_ =	shalt  }
tec
execute0_lowered:
.L_overlay_start_1:
0x0: {  	(tag) =	ssettag $0x1  }
0x1: {  	s5 =	rddreg [dreg:$0x0]  }
0x2: {  	s6 =	rddreg [dreg:$0x1]  }
0x3: {  	s7 =	rddreg [dreg:$0x2];
	s2 =	srdreg.scid  }
0x4: {  	s0 =	rddreg [dreg:$0x3];
	s1 =	stileid.u32  }
0x5: {  	s14 =	simm.s32 $0x2;
	s15 =	simm.s32 $0x10800;
	s16 =	simm.s32 $0x10880  }
0x6: {  	s17 =	simm.s32 $0x1;
	s18 =	simm.s32 $0x10900;
	s19 =	simm.s32 $0x0  }
0x7: {  	s3 =	sand.u32 $0x1, s2;
	s2 =	simm.s32 $0x0;
	s4 =	sshll.u32 s1, $0xB  }
0x8: {  	s8 =	sshll.u32 s3, $0xA;
	[smem:$0x7FF] =	sst s2;
	s10 =	ssub.s32 $0x2, s3  }
0x9: {  	s3 =	sadd.s32 $0x22200, s6;
	s8 =	sor.u32 s8, s4;
	_ =	strace $0x80000047  }
0xa: {  	s12 =	sshrl.u32 s10, $0x1;
	s4 =	sadd.s32 $0x22000, s6;
	s9 =	sadd.s32 s8, s6  }
0xb: {  	s11 =	sshrl.u32 s8, $0x3;
	s10 =	ssub.s32 s10, s12;
	s5 =	sadd.s32 s5, s8  }
0xc: {  	s12 =	simm.s32 $0x40000;
	s13 =	sadd.s32 s11, s6;
	s6 =	sadd.s32 $0x2000, s9  }
0xd: {  	s7 =	sadd.s32 s7, s11;
	s10 =	smax.u32 s10, $0x1;
	s11 =	simm.s32 $0x2000  }
0xe: {  	v0 =	vimm.s32 $0x0;
	s8 =	sadd.s32 $0x1000, s13;
	s9 =	sadd.s32 $0x22400, s13;
	s13 =	simm.s32 $0x8000  }
.LBB2_1:
0xf: {  	[tilespmem:s2], [sflag:$0x1] =	stream.strided.gather [hbm4b:s5+s11], $0x8000, s12, s11, $0x38;
	[tilespmem:$0x10D00] =	vst v63  }
0x10: {  	_ = 	snop  }
0x11: {  	[tilespmem:s13], [sflag:$0x1] =	stream.strided.gather [hbm4b:s6+s11], $0x8000, s12, s11, $0x38;
	[tilespmem:$0x10D00] =	vst v63  }
0x12: {  	s20 =	simm.s32 $0x10000  }
0x13: {  	[tilespmem:s20], [sflag:$0x2] =	stream.linear.gather [hbm4b:s7+s2], $0x400, $0x38;
	[tilespmem:$0x10D00] =	vst v63  }
0x14: {  	_ =	swait.ge [sflag:s14], $0x400  }
0x15: {  	[sflag:s14] =	ssyncset.done $0x0  }
0x16: {  	s21 =	simm.s32 $0x10400;
	[sflag:s14] =	ssyncadd.s32 $0xFFFFFC00  }
0x17: {  	[tilespmem:s21], [sflag:$0x2] =	stream.linear.gather [hbm4b:s8+s2], $0x400, $0x38;
	[tilespmem:$0x10D00] =	vst v63  }
0x18: {  	_ =	swait.ge [sflag:s14], $0x400  }
0x19: {  	[sflag:s14] =	ssyncset.done $0x0  }
0x1a: {  	[sflag:s14] =	ssyncadd.s32 $0xFFFFFC00  }
0x1b: {  	[tilespmem:s15], [sflag:$0x2] =	stream.linear.gather [hbm4b:s3+s2], $0x80, $0x38;
	[tilespmem:$0x10D00] =	vst v63  }
0x1c: {  	_ =	swait.ge [sflag:s14], $0x80  }
0x1d: {  	[sflag:s14] =	ssyncset.done $0x0  }
0x1e: {  	[sflag:s14] =	ssyncadd.s32 $0xFFFFFF80  }
0x1f: {  	[tilespmem:s16], [sflag:$0x2] =	stream.linear.gather [hbm4b:s4+s2], $0x80, $0x38;
	[tilespmem:$0x10D00] =	vst v63  }
0x20: {  	_ =	swait.ge [sflag:s14], $0x80  }
0x21: {  	[sflag:s14] =	ssyncset.done $0x0  }
0x22: {  	[sflag:s14] =	ssyncadd.s32 $0xFFFFFF80  }
0x23: {  	_ =	swait.ge [sflag:s17], $0x8000  }
0x24: {  	[sflag:s17] =	ssyncset.done $0x0  }
0x25: {  	[sflag:s17] =	ssyncadd.s32 $0xFFFF8000  }
0x26: {  	_ =	swait.ge [sflag:s17], $0x8000  }
0x27: {  	s22 =	simm.s32 $0x10900;
	[sflag:s17] =	ssyncset.done $0x0  }
0x28: {  	s23 =	simm.s32 $0x0;
	s24 =	simm.s32 $0x0;
	[sflag:s17] =	ssyncadd.s32 $0xFFFF8000  }
.LBB2_2:
0x29: {  	v1 =	vld [tilespmem:s21+$0x0];
	s25 =	sand.u32 $0x70, s24;
	s26 =	sand.u32 $0x1C00, s23  }
0x2a: {  	v10 =	vld [tilespmem:s20+$0x0];
	s25 =	sor.u32 s25, s26  }
0x2b: {  	v2 =	vld [tilespmem:s25+$0x0]  }
0x2c: {  	v3 =	vld [tilespmem:s25+$0x80]  }
0x2d: {  	v4 =	vld [tilespmem:s25+$0x100]  }
0x2e: {  	v6 =	vld [tilespmem:s25+$0x180]  }
0x2f: {  	v23 =	vld [tilespmem:s25+$0x280]  }
0x30: {  	v14 =	vld [tilespmem:s25+$0x2180]  }
0x31: {  	v49 =	vimm.s32 $0x0;
	v53 =	vimm.s32 $0x0;
	v55 =	vimm.s32 $0x0;
	v37 =	vld [tilespmem:s25+$0x2280]  }
0x32: {  	v56 =	vimm.s32 $0x0;
	v19 =	vimm.s32 $0x0;
	v46 =	vld [tilespmem:s25+$0x4080];
	vm9 =	veq.s32 v10, $0x0  }
0x33: {  	v51 =	vld [tilespmem:s25+$0x4180];
	vm7 =	veq.s32 v10, $0x1;
	vm2 =	veq.s32 v10, $0x2;
	vm3 =	veq.s32 v10, $0x3  }
0x34: {  	v52 =	vld [tilespmem:s25+$0x4200];
	vm4 =	veq.s32 v10, $0x4;
	vm6 =	veq.s32 v10, $0x5;
	v2 =	vmul.f32 $1.442695020e+00, v2  }
0x35: {  	vm5 =	veq.s32 v10, $0x6;
	vm1 =	veq.s32 v10, $0x7;
	v4 =	vmul.f32 $1.442695020e+00, v4;
	v5 =	vld.idx.msk [tilespmem:v1+s15+$0x0], $0xffff  }
0x36: {  	vm8 =	veq.s32 v10, $0x8;
	(erf) = vpow2.f32 v2;
	v2 =	vmul.f32 $1.442695020e+00, v3;
	v3 =	vld [tilespmem:s25+$0x200]  }
0x37: {  	s31 =	sor.u32 s24, s23;
	vm14 =	veq.s32 v10, $0x9;
	v25 =	vmul.f32 $1.442695020e+00, v23;
	v40 =	vmul.f32 $1.442695020e+00, v14;
	v1 =	vld.idx.msk [tilespmem:v1+s16+$0x0], $0xffff  }
0x38: {  	s28 =	sor.u32 $0x4380, s31;
	v17 =	vld [tilespmem:s25+$0x4300];
	vm13 =	veq.s32 v10, $0xA;
	v43 =	vmul.f32 $1.442695020e+00, v37;
	v50 =	vmul.f32 $1.442695020e+00, v46  }
0x39: {  	s26 =	sor.u32 $0x6380, s31;
	v20 =	vld [tilespmem:s28+$0x0];
	vm0 =	veq.s32 v10, $0xB;
	(erf) = vpow2.f32 v2;
	v2 =	vmul.f32 $1.442695020e+00, v6  }
0x3a: {  	vm15 =	veq.s32 v10, $0xC;
	v57 =	vmul.f32 $1.442695020e+00, v51;
	v46 =	vld [tilespmem:s26+$0x0];
	(erf) = vpow2.f32 v4  }
0x3b: {  	vm10 =	veq.s32 v10, $0xD;
	(erf) = vpow2.f32 v2;
	v2 =	vmul.f32 $1.442695020e+00, v3;
	v3 =	vld [tilespmem:s25+$0x300]  }
0x3c: {  	s30 =	sor.u32 $0x380, s31;
	vm11 =	veq.s32 v10, $0xE;
	v14 =	vmul.f32 $1.442695020e+00, v52;
	v7 =	vmul.f32 $3.125000000e-02, v1  }
0x3d: {  	v1 =	vsub.f32 $1.000000000e+00, v1;
	v22 =	vsub.f32 $1.000000000e+00, v5;
	(erf) = vpow2.f32 v2;
	v2 =	vld [tilespmem:s30+$0x0]  }
0x3e: {  	v24 =	vld [tilespmem:s25+$0x2000];
	vm12 =	veq.s32 v10, $0xF;
	v60 =	vmul.f32 $1.442695020e+00, v17;
	v62 =	vmul.f32 $1.442695020e+00, v20  }
0x3f: {  	v26 =	vld [tilespmem:s25+$0x2080];
	v51 =	vmul.f32 $1.442695020e+00, v46;
	v9 =	vadd.f32 v1, v7;
	v28 =	vmul.f32 $3.125000000e-02, v22  }
0x40: {  	v19 =	vsel vm12, $0xFFFFFFFF, v19;
	v12 =	vmul.f32 v7, v5;
	v3 =	vmul.f32 $1.442695020e+00, v3  }
0x41: {  	v27 =	vld [tilespmem:s25+$0x2100];
	v22 =	vimm.s32 $0x0;
	v32 =	vmul.f32 v9, v5;
	(erf) = vpow2.f32 v25  }
0x42: {  	v58 =	vld [tilespmem:s25+$0x6000];
	v1 =	vadd.f32 v12, v28;
	v29 =	vpop (erf);
	v2 =	vmul.f32 $1.442695020e+00, v2;
	(erf) = vpow2.f32 v3  }
0x43: {  	v36 =	vld [tilespmem:s25+$0x2200];
	v39 =	vadd.f32 v32, v28;
	v8 =	vadd.f32 $0.0e+00, v29;
	v33 =	vpop (erf);
	v3 =	vmul.f32 $1.442695020e+00, v24  }
0x44: {  	v11 =	vnsel vm9, $0x0, v29;
	v34 =	vpop (erf);
	(erf) = vpow2.f32 v2;
	v2 =	vmul.f32 $1.442695020e+00, v26  }
0x45: {  	v13 =	vadd.f32 $0.0e+00, v33;
	v11 =	vsel vm7, v33, v11;
	v35 =	vpop (erf);
	(erf) = vpow2.f32 v3;
	v3 =	vld [tilespmem:s25+$0x2300]  }
0x46: {  	s29 =	sor.u32 $0x2380, s31;
	v11 =	vsel vm2, v34, v11;
	v31 =	vpop (erf);
	(erf) = vpow2.f32 v2;
	v2 =	vmul.f32 $1.442695020e+00, v27  }
0x47: {  	v41 =	vld [tilespmem:s29+$0x0];
	v15 =	vadd.f32 $0.0e+00, v34;
	v38 =	vsel vm3, v35, v11;
	v11 =	vmul.f32 $1.442695020e+00, v58  }
0x48: {  	v16 =	vadd.f32 $0.0e+00, v35;
	(erf) = vpow2.f32 v2;
	v2 =	vmul.f32 $1.442695020e+00, v36  }
0x49: {  	v58 =	vimm.s32 $0x0;
	v8 =	vadd.f32 v31, v8;
	(erf) = vpow2.f32 v40  }
0x4a: {  	v48 =	vld [tilespmem:s25+$0x4100];
	v42 =	vsel vm4, v31, v38;
	v36 =	vpop (erf);
	(erf) = vpow2.f32 v2;
	v2 =	vmul.f32 $1.442695020e+00, v3  }
0x4b: {  	v44 =	vadd.f32 v36, v13;
	v4 =	vsel vm6, v36, v42;
	v3 =	vld [tilespmem:s25+$0x4000];
	(erf) = vpow2.f32 v43;
	v37 =	vpop (erf)  }
0x4c: {  	v63 =	vld [tilespmem:s25+$0x6200];
	(erf) = vpow2.f32 v2;
	v2 =	vmul.f32 $1.442695020e+00, v41;
	v45 =	vadd.f32 v37, v15  }
0x4d: {  	v4 =	vsel vm5, v37, v4;
	v15 =	vsel vm15, $0xFFFFFFFF, v53;
	v53 =	vimm.s32 $0x0;
	v38 =	vpop (erf)  }
0x4e: {  	v54 =	vld [tilespmem:s25+$0x4280];
	[tilespmem:$0x1FF00] =	vst v15;
	v15 =	vsel vm10, $0xFFFFFFFF, v55;
	v55 =	vimm.s32 $0x0;
	v47 =	vadd.f32 v38, v16  }
0x4f: {  	v21 =	vld [tilespmem:s25+$0x6080];
	v4 =	vsel vm1, v38, v4;
	v30 =	vpop (erf);
	(erf) = vpow2.f32 v2;
	[tilespmem:$0x1FF10] =	vst v15;
	v15 =	vsel vm11, $0xFFFFFFFF, v56  }
0x50: {  	v61 =	vld [tilespmem:s25+$0x6180];
	v56 =	vimm.s32 $0x0;
	v2 =	vadd.f32 v30, v8;
	v3 =	vmul.f32 $1.442695020e+00, v3  }
0x51: {  	v26 =	vpop (erf);
	v4 =	vsel vm8, v30, v4;
	v8 =	vmul.f32 $1.442695020e+00, v48;
	v48 =	vmul.f32 $1.442695020e+00, v63  }
0x52: {  	v6 =	vadd.f32 v26, v44;
	v4 =	vsel vm14, v26, v4;
	v27 =	vpop (erf);
	(erf) = vpow2.f32 v3  }
0x53: {  	v40 =	vld [tilespmem:s25+$0x6300];
	v3 =	vsel vm13, v27, v4;
	v23 =	vpop (erf);
	v4 =	vsel vm0, $0xFFFFFFFF, v49;
	v5 =	vadd.f32 v27, v45  }
0x54: {  	v59 =	vld [tilespmem:s25+$0x6100];
	v45 =	vmul.f32 $1.442695020e+00, v21;
	v13 =	vadd.f32 v23, v47;
	v3 =	vsel vm0, v23, v3  }
0x55: {  	v44 =	vld [tilespmem:s25+$0x6280];
	[tilespmem:$0x1FEF0] =	vst v4;
	v25 =	vpop (erf);
	v4 =	vmul.f32 $1.442695020e+00, v54;
	v47 =	vmul.f32 $1.442695020e+00, v61;
	vm0 =	veq.s32 v10, $0x15  }
0x56: {  	v54 =	vimm.s32 $0x0;
	v2 =	vadd.f32 v25, v2;
	v18 =	vpop (erf);
	(erf) = vpow2.f32 v50  }
0x57: {  	v3 =	vsel vm15, v25, v3;
	vm15 =	veq.s32 v10, $0x10;
	v16 =	vpop (erf);
	(erf) = vpow2.f32 v8  }
0x58: {  	v50 =	vmul.f32 $1.442695020e+00, v40;
	v6 =	vadd.f32 v18, v6;
	(erf) = vpow2.f32 v57  }
0x59: {  	[tilespmem:$0x1FF20] =	vst v15;
	v3 =	vsel vm10, v18, v3;
	v8 =	vmul.f32 $1.442695020e+00, v59;
	v15 =	vpop (erf);
	(erf) = vpow2.f32 v14  }
0x5a: {  	v22 =	vsel vm15, $0xFFFFFFFF, v22;
	v49 =	vmul.f32 $1.442695020e+00, v44;
	(erf) = vpow2.f32 v4  }
0x5b: {  	[tilespmem:$0x1FF30] =	vst v19;
	vm10 =	veq.s32 v10, $0x13;
	v5 =	vadd.f32 v16, v5;
	v19 =	vpop (erf);
	(erf) = vpow2.f32 v60  }
0x5c: {  	v3 =	vsel vm11, v16, v3;
	vm11 =	veq.s32 v10, $0x12;
	(erf) = vpow2.f32 v62  }
0x5d: {  	v13 =	vadd.f32 v15, v13;
	v3 =	vsel vm12, v15, v3;
	(erf) = vpow2.f32 v11  }
0x5e: {  	vm12 =	veq.s32 v10, $0x11;
	v4 =	vsel vm0, $0xFFFFFFFF, v53;
	v2 =	vadd.f32 v19, v2  }
0x5f: {  	[tilespmem:$0x1FF40] =	vst v22;
	v3 =	vsel vm15, v19, v3;
	vm15 =	veq.s32 v10, $0x14;
	v22 =	vpop (erf);
	(erf) = vpow2.f32 v45  }
0x60: {  	v6 =	vadd.f32 v22, v6;
	v3 =	vsel vm12, v22, v3;
	v24 =	vpop (erf);
	(erf) = vpow2.f32 v8  }
0x61: {  	v5 =	vadd.f32 v24, v5;
	(erf) = vpow2.f32 v47;
	v21 =	vpop (erf);
	v3 =	vsel vm11, v24, v3  }
0x62: {  	(erf) = vpow2.f32 v48;
	v20 =	vpop (erf);
	v52 =	vadd.f32 v21, v13;
	v3 =	vsel vm10, v21, v3  }
0x63: {  	(erf) = vpow2.f32 v49;
	v17 =	vpop (erf);
	v2 =	vadd.f32 v20, v2;
	v3 =	vsel vm15, v20, v3  }
0x64: {  	(erf) = vpow2.f32 v50;
	v3 =	vsel vm0, v17, v3;
	vm0 =	veq.s32 v10, $0x16;
	v14 =	vpop (erf)  }
0x65: {  	[tilespmem:$0x1FF50] =	vst v4;
	v4 =	vsel vm0, $0xFFFFFFFF, v54;
	v13 =	vpop (erf);
	v3 =	vsel vm0, v14, v3;
	vm0 =	veq.s32 v10, $0x17  }
0x66: {  	[tilespmem:$0x1FF60] =	vst v4;
	v11 =	vpop (erf);
	v4 =	vsel vm0, $0xFFFFFFFF, v55;
	v3 =	vsel vm0, v13, v3;
	vm0 =	veq.s32 v10, $0x18  }
0x67: {  	(erf) = vpow2.f32 v51;
	[tilespmem:$0x1FF70] =	vst v4;
	v4 =	vsel vm0, $0xFFFFFFFF, v56;
	v43 =	vadd.f32 v11, v2  }
0x68: {  	v2 =	vsel vm0, v11, v3;
	vm0 =	veq.s32 v10, $0x19;
	v3 =	vimm.s32 $0x0  }
0x69: {  	v41 =	vadd.f32 v17, v6;
	v42 =	vadd.f32 v14, v5;
	v8 =	vpop (erf);
	v3 =	vsel vm0, $0xFFFFFFFF, v3  }
0x6a: {  	v2 =	vsel vm0, v8, v2;
	vm0 =	veq.s32 v10, $0x1A;
	[tilespmem:$0x1FF90] =	vst v3;
	v3 =	vimm.s32 $0x0  }
0x6b: {  	(erf) = vrcp.f32 v1;
	v1 =	vimm.s32 $0x0;
	v6 =	vpop (erf);
	v3 =	vsel vm0, $0xFFFFFFFF, v3  }
0x6c: {  	v40 =	vadd.f32 v13, v52;
	v5 =	vpop (erf);
	v44 =	vsel vm0, v6, v2;
	vm0 =	veq.s32 v10, $0x1B  }
0x6d: {  	v59 =	vimm.s32 $0x0;
	[tilespmem:$0x1FF80] =	vst v4;
	v41 =	vadd.f32 v8, v41;
	v4 =	vpop (erf);
	v1 =	vsel vm0, $0xFFFFFFFF, v1  }
0x6e: {  	(erf) = vrcp.f32 v39;
	v42 =	vadd.f32 v6, v42;
	v40 =	vadd.f32 v5, v40;
	[tilespmem:$0x1FFA0] =	vst v3;
	v3 =	vpop (erf)  }
0x6f: {  	v57 =	vsel vm0, v5, v44;
	v43 =	vadd.f32 v4, v43;
	vm0 =	veq.s32 v10, $0x1C;
	v2 =	vpop (erf)  }
0x70: {  	[tilespmem:$0x1FFB0] =	vst v1;
	v44 =	vsel vm0, $0xFFFFFFFF, v58;
	v39 =	vsel vm0, v4, v57;
	v41 =	vadd.f32 v3, v41;
	v1 =	vpop (erf)  }
0x71: {  	vm0 =	veq.s32 v10, $0x1D;
	v42 =	vadd.f32 v2, v42;
	v40 =	vadd.f32 v1, v40  }
0x72: {  	v60 =	vimm.s32 $0x0;
	v39 =	vsel vm0, v3, v39;
	v41 =	vadd.f32 v41, v43  }
0x73: {  	v40 =	vadd.f32 v40, v42;
	v42 =	vsel vm0, $0xFFFFFFFF, v59;
	vm0 =	veq.s32 v10, $0x1E  }
0x74: {  	[tilespmem:$0x1FFD0] =	vst v42;
	v42 =	vsel vm0, $0xFFFFFFFF, v60  }
0x75: {  	v39 =	vsel vm0, v2, v39;
	vm0 =	veq.s32 v10, $0x1F;
	v40 =	vadd.f32 v40, v41  }
0x76: {  	v62 =	vsel vm0, v1, v39  }
0x77: {  	v61 =	vimm.s32 $0x0;
	v63 =	vpop (erf);
	v40 =	vsub.f32 v40, v62  }
0x78: {  	[tilespmem:$0x1FFC0] =	vst v44;
	v44 =	vpop (erf);
	v10 =	vsel vm0, $0xFFFFFFFF, v61  }
0x79: {  	[tilespmem:$0x1FFF0] =	vst v10;
	v10 =	vmul.f32 v62, v44;
	v40 =	vmul.f32 v40, v63;
	_ =	sdelay $0x1  }
0x7a: {  	v40 =	vadd.f32 v40, v10;
	v10 =	vmul.f32 v63, v12;
	v12 =	vmul.f32 v44, v32;
	_ =	sdelay $0x1  }
0x7b: {  	v28 =	vmul.f32 v40, v28;
	v32 =	vsel vm9, v12, v10;
	v39 =	vsel vm7, v12, v10  }
0x7c: {  	v50 =	vsel vm2, v12, v10;
	v54 =	vsel vm3, v12, v10;
	v29 =	vmul.f32 v32, v29  }
0x7d: {  	v59 =	vsel vm4, v12, v10;
	v33 =	vmul.f32 v39, v33;
	v51 =	vmul.f32 v50, v34  }
0x7e: {  	v41 =	vsel vm6, v12, v10;
	v55 =	vmul.f32 v54, v35;
	v31 =	vmul.f32 v31, v59  }
0x7f: {  	v59 =	vsel vm14, v12, v10;
	v7 =	vmul.f32 v28, v7;
	v9 =	vmul.f32 v28, v9  }
0x80: {  	v46 =	vld [tilespmem:s25+$0x8080];
	v36 =	vmul.f32 v36, v41;
	v39 =	vsel vm12, v12, v10;
	v26 =	vmul.f32 v26, v59  }
0x81: {  	v53 =	vld [tilespmem:s25+$0x8180];
	v22 =	vmul.f32 v22, v39;
	v47 =	vsel vm9, v9, v7;
	v48 =	vsel vm7, v9, v7  }
0x82: {  	v45 =	vld [tilespmem:s25+$0x8000];
	v52 =	vsel vm2, v9, v7;
	v56 =	vsel vm3, v9, v7;
	v61 =	vsel vm4, v9, v7  }
0x83: {  	v58 =	vld [tilespmem:s25+$0x8200];
	v43 =	vsel vm13, v9, v7;
	v29 =	vadd.f32 v47, v29;
	v33 =	vadd.f32 v48, v33  }
0x84: {  	v41 =	vsel vm12, v9, v7;
	v34 =	vadd.f32 v56, v55;
	v31 =	vadd.f32 v61, v31  }
0x85: {  	v62 =	vld [tilespmem:s25+$0x8280];
	v47 =	vsel vm6, v9, v7;
	v55 =	vsel vm8, v12, v10;
	v61 =	vsel vm13, v12, v10  }
0x86: {  	v49 =	vld [tilespmem:s25+$0x8100];
	v22 =	vadd.f32 v41, v22;
	v30 =	vmul.f32 v30, v55;
	v27 =	vmul.f32 v27, v61  }
0x87: {  	v36 =	vadd.f32 v47, v36;
	v28 =	vmul.f32 v29, v45;
	v32 =	vmul.f32 v33, v46  }
0x88: {  	v29 =	vadd.f32 v52, v51;
	v33 =	vmul.f32 v34, v53;
	v31 =	vmul.f32 v31, v58  }
0x89: {  	v51 =	vsel vm1, v12, v10;
	v52 =	vsel vm5, v9, v7;
	v45 =	vsel vm1, v9, v7  }
0x8a: {  	v38 =	vmul.f32 v38, v51;
	v36 =	vmul.f32 v36, v62;
	v27 =	vadd.f32 v43, v27  }
0x8b: {  	v43 =	vsel vm11, v12, v10;
	vm9 =	vgt.f32 v28, $-1.000000000e+00;
	v29 =	vmul.f32 v29, v49  }
0x8c: {  	v50 =	vld [tilespmem:s30+$0x8000];
	vm7 =	vgt.f32 v32, $-1.000000000e+00;
	vm4 =	vgt.f32 v33, $-1.000000000e+00;
	v49 =	vsel vm5, v12, v10  }
0x8d: {  	v24 =	vmul.f32 v24, v43;
	v28 =	vnsel vm9, $0xBF800000, v28;
	v32 =	vnsel vm7, $0xBF800000, v32  }
0x8e: {  	v57 =	vsel vm7, $0x1, v0;
	v33 =	vnsel vm4, $0xBF800000, v33;
	v63 =	vsel vm4, $0x3, v0  }
0x8f: {  	v48 =	vld [tilespmem:s25+$0x8300];
	v37 =	vmul.f32 v37, v49;
	v38 =	vadd.f32 v45, v38;
	vm9 =	vgt.f32 v29, $-1.000000000e+00  }
0x90: {  	v54 =	vld [tilespmem:s25+$0xA000];
	vm6 =	vgt.f32 v31, v28;
	vm7 =	vgt.f32 v36, v32;
	v29 =	vnsel vm9, $0xBF800000, v29  }
0x91: {  	v45 =	vld [tilespmem:$0x1FEF0];
	v60 =	vsel vm9, $0x2, v0;
	v37 =	vadd.f32 v52, v37;
	v56 =	vmul.f32 v38, v50  }
0x92: {  	v28 =	vsel vm6, v31, v28;
	v35 =	vsel vm7, $0x5, v57;
	v57 =	vsel vm8, v9, v7  }
0x93: {  	v53 =	vsel vm6, $0x4, v0;
	v30 =	vadd.f32 v57, v30;
	vm9 =	vgt.f32 v56, v33  }
0x94: {  	v58 =	vld [tilespmem:s25+$0xA080];
	v32 =	vsel vm7, v36, v32;
	v37 =	vmul.f32 v37, v48;
	v33 =	vsel vm9, v56, v33  }
0x95: {  	v48 =	vld [tilespmem:$0x1FF00];
	v30 =	vmul.f32 v30, v54;
	v62 =	vsel vm9, $0x7, v63;
	v63 =	vsel vm14, v9, v7  }
0x96: {  	vm4 =	vnez.u8 v45;
	v45 =	vsel vm11, v9, v7;
	vm8 =	vgt.f32 v37, v29  }
0x97: {  	v56 =	vld [tilespmem:$0x1FF20];
	v26 =	vadd.f32 v63, v26;
	v38 =	vsel vm4, v12, v10;
	v46 =	vsel vm4, v9, v7  }
0x98: {  	v44 =	vld [tilespmem:s25+$0xA180];
	v24 =	vadd.f32 v45, v24;
	v29 =	vsel vm8, v37, v29;
	vm14 =	vgt.f32 v30, v28  }
0x99: {  	v63 =	vld [tilespmem:$0x1FF40];
	v34 =	vsel vm8, $0x6, v60;
	v23 =	vmul.f32 v23, v38;
	v28 =	vsel vm14, v30, v28  }
0x9a: {  	v60 =	vld [tilespmem:s25+$0xA100];
	v31 =	vsel vm14, $0x8, v53;
	v26 =	vmul.f32 v26, v58;
	vm5 =	vnez.u8 v48  }
0x9b: {  	[tilespmem:$0x1FFE0] =	vst v42;
	v42 =	vld [tilespmem:s25+$0xC100];
	v23 =	vadd.f32 v46, v23;
	v48 =	vsel vm10, v12, v10;
	v38 =	vsel vm5, v12, v10  }
0x9c: {  	v53 =	vld [tilespmem:$0x1FF10];
	vm6 =	vgt.f32 v26, v32;
	v50 =	vsel vm5, v9, v7;
	vm13 =	vnez.u8 v56  }
0x9d: {  	v21 =	vmul.f32 v21, v48;
	v25 =	vmul.f32 v25, v38;
	v26 =	vsel vm6, v26, v32  }
0x9e: {  	v47 =	vld [tilespmem:s25+$0xA200];
	v49 =	vsel vm6, $0x9, v35;
	v23 =	vmul.f32 v44, v23;
	v35 =	vsel vm13, v12, v10  }
0x9f: {  	v55 =	vld [tilespmem:s25+$0xA300];
	v58 =	vsel vm13, v9, v7;
	vm5 =	vnez.u8 v63;
	v27 =	vmul.f32 v27, v60  }
0xa0: {  	v38 =	vld [tilespmem:s25+$0xC080];
	v16 =	vmul.f32 v16, v35;
	v37 =	vsel vm5, v9, v7;
	v25 =	vadd.f32 v50, v25  }
0xa1: {  	v63 =	vld [tilespmem:$0x1FF70];
	vm8 =	vnez.u8 v53;
	vm9 =	vgt.f32 v23, v33;
	v50 =	vmul.f32 v42, v24  }
0xa2: {  	v60 =	vld [tilespmem:$0x1FF30];
	v53 =	vsel vm15, v9, v7;
	vm7 =	vgt.f32 v27, v29;
	v54 =	vsel vm8, v9, v7  }
0xa3: {  	v23 =	vsel vm9, v23, v33;
	v16 =	vadd.f32 v58, v16;
	v33 =	vsel vm5, v12, v10  }
0xa4: {  	v51 =	vsel vm7, $0xA, v34;
	v34 =	vsel vm8, v12, v10;
	v25 =	vmul.f32 v47, v25  }
0xa5: {  	v57 =	vsel vm9, $0xB, v62;
	v19 =	vmul.f32 v19, v33;
	v18 =	vmul.f32 v18, v34  }
0xa6: {  	v62 =	vld [tilespmem:s25+$0xC000];
	v27 =	vsel vm7, v27, v29;
	v16 =	vmul.f32 v55, v16;
	v22 =	vmul.f32 v38, v22  }
0xa7: {  	v52 =	vld [tilespmem:s25+$0xA280];
	vm5 =	vnez.u8 v63;
	vm14 =	vgt.f32 v25, v28;
	vm4 =	vnez.u8 v60  }
0xa8: {  	v19 =	vadd.f32 v37, v19;
	v29 =	vsel vm5, v9, v7;
	v18 =	vadd.f32 v54, v18  }
0xa9: {  	v55 =	vld [tilespmem:$0x1FF50];
	v25 =	vsel vm14, v25, v28;
	v30 =	vsel vm4, v12, v10;
	v31 =	vsel vm14, $0xC, v31  }
0xaa: {  	v61 =	vsel vm4, v9, v7;
	vm7 =	vgt.f32 v16, v27;
	v15 =	vmul.f32 v15, v30  }
0xab: {  	v35 =	vld [tilespmem:$0x1FF90];
	v16 =	vsel vm7, v16, v27;
	v40 =	vsel vm7, $0xE, v51;
	v19 =	vmul.f32 v62, v19  }
0xac: {  	v60 =	vld [tilespmem:$0x1FF60];
	v27 =	vsel vm5, v12, v10;
	v18 =	vmul.f32 v52, v18;
	v52 =	vsel vm15, v12, v10  }
0xad: {  	v59 =	vld [tilespmem:s29+$0x8000];
	vm12 =	vgt.f32 v50, v16;
	v13 =	vmul.f32 v13, v27;
	v15 =	vadd.f32 v61, v15  }
0xae: {  	vm9 =	vgt.f32 v19, v25;
	v20 =	vmul.f32 v20, v52;
	vm13 =	vnez.u8 v55  }
0xaf: {  	v16 =	vsel vm12, v50, v16;
	v56 =	vsel vm12, $0x12, v40;
	vm6 =	vgt.f32 v18, v26  }
0xb0: {  	v62 =	vld [tilespmem:s28+$0x8000];
	v19 =	vsel vm9, v19, v25;
	v46 =	vsel vm9, $0x10, v31;
	v31 =	vsel vm13, v12, v10  }
0xb1: {  	vm15 =	vnez.u8 v60;
	v13 =	vadd.f32 v29, v13;
	vm9 =	vnez.u8 v35  }
0xb2: {  	v51 =	vld [tilespmem:s25+$0xC200];
	v18 =	vsel vm6, v18, v26;
	v36 =	vsel vm6, $0xD, v49;
	v15 =	vmul.f32 v59, v15  }
0xb3: {  	v38 =	vld [tilespmem:$0x1FFA0];
	v49 =	vsel vm10, v9, v7;
	v20 =	vadd.f32 v53, v20;
	v17 =	vmul.f32 v17, v31  }
0xb4: {  	v47 =	vld [tilespmem:s25+$0xC180];
	v24 =	vsel vm15, v12, v10;
	v61 =	vsel vm15, v9, v7;
	vm11 =	vgt.f32 v22, v18  }
0xb5: {  	v50 =	vld [tilespmem:$0x1FFD0];
	v21 =	vadd.f32 v49, v21;
	v14 =	vmul.f32 v14, v24;
	v13 =	vmul.f32 v62, v13  }
0xb6: {  	v24 =	vsel vm9, v12, v10;
	vm8 =	vgt.f32 v15, v23;
	v18 =	vsel vm11, v22, v18  }
0xb7: {  	v59 =	vld [tilespmem:s25+$0xC300];
	v26 =	vsel vm11, $0x11, v36;
	v20 =	vmul.f32 v51, v20;
	v8 =	vmul.f32 v8, v24  }
0xb8: {  	v31 =	vld [tilespmem:$0x1FF80];
	v36 =	vsel vm9, v9, v7;
	vm11 =	vnez.u8 v38;
	v15 =	vsel vm8, v15, v23  }
0xb9: {  	v54 =	vld [tilespmem:s25+$0xC280];
	v44 =	vsel vm8, $0xF, v57;
	v21 =	vmul.f32 v47, v21;
	v57 =	vsel vm13, v9, v7  }
0xba: {  	v34 =	vld [tilespmem:s25+$0xE080];
	v14 =	vadd.f32 v61, v14;
	v40 =	vsel vm11, v9, v7;
	vm5 =	vnez.u8 v50  }
0xbb: {  	v17 =	vadd.f32 v57, v17;
	vm4 =	vgt.f32 v20, v19;
	v8 =	vadd.f32 v36, v8  }
0xbc: {  	v51 =	vsel vm5, v9, v7;
	vm14 =	vgt.f32 v21, v15;
	v19 =	vsel vm4, v20, v19  }
0xbd: {  	v47 =	vld [tilespmem:$0x1FFC0];
	v28 =	vsel vm4, $0x14, v46;
	v14 =	vmul.f32 v59, v14;
	vm7 =	vnez.u8 v31  }
0xbe: {  	v15 =	vsel vm14, v21, v15;
	v58 =	vsel vm14, $0x13, v44;
	v17 =	vmul.f32 v54, v17  }
0xbf: {  	v23 =	vsel vm7, v12, v10;
	v33 =	vsel vm7, v9, v7;
	v8 =	vmul.f32 v34, v8  }
0xc0: {  	v57 =	vld [tilespmem:$0x1FFF0];
	v11 =	vmul.f32 v11, v23;
	vm8 =	vgt.f32 v14, v16;
	vm10 =	vgt.f32 v13, v15  }
0xc1: {  	v30 =	vld [tilespmem:s25+$0xE000];
	vm6 =	vgt.f32 v17, v18;
	v14 =	vsel vm8, v14, v16;
	v39 =	vsel vm8, $0x16, v56  }
0xc2: {  	v44 =	vld [tilespmem:$0x1FFB0];
	v13 =	vsel vm10, v13, v15;
	v41 =	vsel vm10, $0x17, v58;
	vm4 =	vnez.u8 v47  }
0xc3: {  	v54 =	vld [tilespmem:$0x1FFE0];
	v17 =	vsel vm6, v17, v18;
	v32 =	vsel vm6, $0x15, v26;
	v11 =	vadd.f32 v33, v11  }
0xc4: {  	v26 =	vsel vm11, v12, v10;
	v21 =	vsel vm4, v12, v10;
	v49 =	vsel vm4, v9, v7  }
0xc5: {  	vm8 =	vnez.u8 v57;
	v6 =	vmul.f32 v6, v26;
	vm13 =	vgt.f32 v8, v17  }
0xc6: {  	v4 =	vmul.f32 v4, v21;
	v21 =	vsel vm5, v12, v10;
	v11 =	vmul.f32 v30, v11  }
0xc7: {  	vm14 =	vnez.u8 v44;
	v8 =	vsel vm13, v8, v17;
	v45 =	vsel vm13, $0x19, v32  }
0xc8: {  	v37 =	vld [tilespmem:s25+$0xE100];
	v3 =	vmul.f32 v3, v21;
	vm6 =	vnez.u8 v54;
	v6 =	vadd.f32 v40, v6  }
0xc9: {  	v48 =	vld [tilespmem:s25+$0xE200];
	v20 =	vsel vm14, v12, v10;
	v46 =	vsel vm14, v9, v7;
	v4 =	vadd.f32 v49, v4  }
0xca: {  	v52 =	vld [tilespmem:s25+$0xE280];
	v21 =	vsel vm6, v12, v10;
	v55 =	vsel vm6, v9, v7;
	v10 =	vsel vm8, v12, v10  }
0xcb: {  	v43 =	vld [tilespmem:s25+$0xE180];
	v7 =	vsel vm8, v9, v7;
	vm12 =	vgt.f32 v11, v19;
	v5 =	vmul.f32 v5, v20  }
0xcc: {  	v53 =	vld [tilespmem:s25+$0xE300];
	v2 =	vmul.f32 v2, v21;
	v3 =	vadd.f32 v51, v3;
	v1 =	vmul.f32 v1, v10  }
0xcd: {  	v56 =	vld [tilespmem:s26+$0x8000];
	v11 =	vsel vm12, v11, v19;
	v42 =	vsel vm12, $0x18, v28;
	v6 =	vmul.f32 v37, v6  }
0xce: {  	v4 =	vmul.f32 v48, v4;
	v5 =	vadd.f32 v46, v5;
	v2 =	vadd.f32 v55, v2  }
0xcf: {  	v3 =	vmul.f32 v52, v3;
	v1 =	vadd.f32 v7, v1;
	vm15 =	vgt.f32 v6, v14  }
0xd0: {  	vm9 =	vgt.f32 v4, v11;
	v6 =	vsel vm15, v6, v14;
	v16 =	vsel vm15, $0x1A, v39  }
0xd1: {  	v5 =	vmul.f32 v43, v5;
	v4 =	vsel vm9, v4, v11;
	v2 =	vmul.f32 v53, v2  }
0xd2: {  	v59 =	vsel vm9, $0x1C, v42;
	vm10 =	vgt.f32 v3, v8;
	v1 =	vmul.f32 v56, v1  }
0xd3: {  	v3 =	vsel vm10, v3, v8;
	v60 =	vsel vm10, $0x1D, v45;
	vm7 =	vgt.f32 v5, v13  }
0xd4: {  	vm11 =	vgt.f32 v2, v6;
	v63 =	vmax.f32 v4, v3;
	v5 =	vsel vm7, v5, v13  }
0xd5: {  	p0 =	sne.s32 s24, $0x3F0;
	vm13 =	vgt.f32 v3, v4;
	v58 =	vsel vm7, $0x1B, v41;
	vm12 =	vgt.f32 v1, v5  }
.Ltmp0:
0xd6: {  	v2 =	vsel vm11, v2, v6;
	v61 =	vsel vm11, $0x1E, v16;
	v1 =	vsel vm12, v1, v5;
	(pc) =	sbr.rel @p0 .LBB2_2-.Ltmp0, $4  }
0xd7: {  	v62 =	vsel vm12, $0x1F, v58;
	v3 =	vmax.f32 v2, v1;
	vm14 =	vgt.f32 v1, v2  }
0xd8: {  	v1 =	vsel vm13, v60, v59;
	v2 =	vsel vm14, v62, v61;
	vm15 =	vgt.f32 v3, v63  }
0xd9: {  	s23 =	sadd.s32 $0x80, s23;
	s20 =	sadd.s32 $0x10, s20;
	v1 =	vsel vm15, v2, v1  }
0xda: {  	s21 =	sadd.s32 $0x10, s21;
	s24 =	sadd.s32 $0x10, s24;
	[tilespmem:s22+$0x0] =	vst v1;
	s22 =	sadd.s32 $0x10, s22  }
0xdb: {  	s19 =	sadd.s32 $0x1, s19  }
0xdc: {  	p0 =	sne.s32 s19, s10  }
.Ltmp1:
0xdd: {  	_ = 	snop;
	(pc) =	sbr.rel @p0 .LBB2_1-.Ltmp1, $4  }
0xde: {  	[hbm4b:s9+s2] =	stream.linear.scatter [tilespmem:s18], [sflag:$0x2], $0x400, $0x38;
	[tilespmem:$0x10D00] =	vst v63  }
0xdf: {  	_ =	swait.ge [sflag:s14], $0x400  }
0xe0: {  	[sflag:s14] =	ssyncset.done $0x0  }
0xe1: {  	[sflag:s14] =	ssyncadd.s32 $0xFFFFFC00  }
0xe2: {  	_ =	sfence.sel $0x180000  }
0xe3: {  	[bflag:$0x0] =	sbarrier.arrive $0xFFFF  }
0xe4: {  	p0 =	sne.s32 s1, $0x0;
	_ =	strace $0x90000047  }
0xe5: {  	s0 =	sadd.s32 @!p0 $0x100000, s0;
	[bflag:$0x2] =	sbarrier.arrive $0xFFFF  }
0xe6: {  	[sflag:s0] =	ssyncadd.tile.s32 @!p0 $0x1;
	_ =	shalt  }
.Lfunc_end2:
_tile_overlayer_lowered:
.L_overlay_start_2:
0xe7: {  	(tag) =	ssettag $0x2  }
0xe8: {  	s0 =	rddreg [dreg:$0x0];
	s2 =	stileid.u32  }
0xe9: {  	s1 =	rddreg [dreg:$0x1];
	p0 =	sne.s32 s2, $0x0  }
0xea: {  	s3 =	rddreg [dreg:$0x2];
	[bflag:$0x3] =	sbarrier.arrive $0xFFFF;
	s2 =	simm.s32 @!p0 $0x1C02  }
0xeb: {  	[timem:s3], [sflag:s2] =	dma.local @!p0 [hbm:s0], s1  }
0xec: {  	s0 =	simm.s32 @!p0 $0x2  }
0xed: {  	_ =	swait.ge @!p0 [sflag:s0], s1  }
0xee: {  	s1 =	ssub.s32 @!p0 $0x0, s1;
	[sflag:s0] =	ssyncset.done @!p0 $0x0  }
0xef: {  	[sflag:s0] =	ssyncadd.s32 @!p0 s1  }
0xf0: {  	[bflag:$0x3] =	sbarrier.arrive $0xFFFF  }
0xf1: {  	_ =	shalt  }

</sc_bundles>
